<compile_context>
chip_gen: v7x
topology: tpu7x:2x2x1
jax: 0.10.2.dev20260603
libtpu: 0.0.44.dev20260713+nightly
codegen_flags: <defaults>
</compile_context>

<pallas_src>
import functools

import jax
import jax.numpy as jnp
from jax import lax
from jax.experimental import pallas as pl
from jax.experimental.pallas import tpu as pltpu
from jax.experimental.pallas import tpu_sc as plsc

N_NODES = 10000
E = 320000
D = 128
NC, NS = 2, 16
CHUNK = 80
N_CHUNKS = E // CHUNK
CHUNKS_PER_TEC = N_CHUNKS // NS
ROWS_PER_TEC = N_NODES // NS


def _sc_segment_sum(table, src_idx, dst_idx, ones_blk):
  mesh = plsc.VectorSubcoreMesh(core_axis_name="c", subcore_axis_name="s",
                                num_cores=NC, num_subcores=NS)

  @functools.partial(
      pl.kernel,
      out_type=(
          jax.ShapeDtypeStruct((2 * N_NODES, D), jnp.float32),
          jax.ShapeDtypeStruct((2 * N_NODES, 16), jnp.float32),
      ),
      mesh=mesh,
      scratch_types=[
          [pltpu.VMEM((CHUNK,), jnp.int32)] * 4,
          [pltpu.VMEM((CHUNK,), jnp.int32)] * 4,
          [pltpu.VMEM((CHUNK, D), jnp.float32)] * 3,
          pltpu.VMEM((CHUNK, 16), jnp.float32),
          pltpu.VMEM_SHARED((N_NODES, D), jnp.float32),
          pltpu.VMEM_SHARED((N_NODES, 16), jnp.float32),
          [pltpu.SemaphoreType.DMA] * 4,
          [pltpu.SemaphoreType.DMA] * 3,
          [pltpu.SemaphoreType.DMA] * 3,
      ],
      compiler_params=pltpu.CompilerParams(use_tc_tiling_on_sc=False),
  )
  def k(table_h, srci_h, dsti_h, ones_h,
        acc_out_h, cnt_out_h,
        srci, dsti, rows, ones_v,
        acc_sh, cnt_sh, sem_i, sem_g, sem_s):
    c = lax.axis_index("c")
    s = lax.axis_index("s")
    r0 = s * ROWS_PER_TEC

    zv = jnp.zeros((16,), jnp.float32)

    def zrow(i2, carry):
      for j in range(8):
        rows[0][i2, pl.ds(j * 16, 16)] = zv
      return carry

    lax.fori_loop(0, CHUNK, zrow, 0)
    nfull = ROWS_PER_TEC // CHUNK
    rem = ROWS_PER_TEC - nfull * CHUNK
    for b in range(nfull):
      pltpu.sync_copy(rows[0], acc_sh.at[pl.ds(r0 + b * CHUNK, CHUNK)])
      pltpu.sync_copy(rows[0].at[:, pl.ds(0, 16)],
                      cnt_sh.at[pl.ds(r0 + b * CHUNK, CHUNK)])
    pltpu.sync_copy(rows[0].at[pl.ds(0, rem)],
                    acc_sh.at[pl.ds(r0 + nfull * CHUNK, rem)])
    pltpu.sync_copy(rows[0].at[pl.ds(0, rem), pl.ds(0, 16)],
                    cnt_sh.at[pl.ds(r0 + nfull * CHUNK, rem)])
    pltpu.sync_copy(ones_h, ones_v)
    plsc.subcore_barrier()

    ebase = c * E

    def _off(kk):
      return ebase + (kk * NS + s) * CHUNK

    def _valid(kk):
      return jnp.logical_and(kk >= 0, kk * NS + s < N_CHUNKS)

    def idx_start(kk, i):
      @pl.when(_valid(kk))
      def _():
        off = _off(kk)
        pltpu.async_copy(srci_h.at[pl.ds(off, CHUNK)], srci[i], sem_i[i])
        pltpu.async_copy(dsti_h.at[pl.ds(off, CHUNK)], dsti[i], sem_i[i])

    def idx_wait(kk, i):
      @pl.when(_valid(kk))
      def _():
        off = _off(kk)
        pltpu.make_async_copy(srci_h.at[pl.ds(off, CHUNK)], srci[i],
                              sem_i[i]).wait()
        pltpu.make_async_copy(dsti_h.at[pl.ds(off, CHUNK)], dsti[i],
                              sem_i[i]).wait()

    def gather_start(kk, r, i):
      @pl.when(_valid(kk))
      def _():
        pltpu.async_copy(table_h.at[srci[i]], rows[r], sem_g[r])

    def gather_wait(kk, r, i):
      @pl.when(_valid(kk))
      def _():
        pltpu.make_async_copy(table_h.at[srci[i]], rows[r], sem_g[r]).wait()

    def scatter_start(kk, r, i):
      @pl.when(_valid(kk))
      def _():
        pltpu.async_copy(rows[r], acc_sh.at[dsti[i]], sem_s[r], add=True)
        pltpu.async_copy(ones_v, cnt_sh.at[dsti[i]], sem_s[r], add=True)

    def scatter_wait(kk, r, i):
      @pl.when(_valid(kk))
      def _():
        pltpu.make_async_copy(rows[r], acc_sh.at[dsti[i]], sem_s[r]).wait()
        pltpu.make_async_copy(ones_v, cnt_sh.at[dsti[i]], sem_s[r]).wait()

    idx_start(0, 0)
    idx_start(1, 1)
    idx_start(2, 2)
    idx_wait(0, 0)
    gather_start(0, 0, 0)
    idx_wait(1, 1)
    gather_start(1, 1, 1)

    def group_body(g, carry):
      for i in range(12):
        kk = g * 12 + i
        gather_wait(kk, i % 3, i % 4)
        scatter_start(kk, i % 3, i % 4)
        scatter_wait(kk - 1, (i - 1) % 3, (i - 1) % 4)
        idx_start(kk + 3, (i + 3) % 4)
        idx_wait(kk + 2, (i + 2) % 4)
        gather_start(kk + 2, (i + 2) % 3, (i + 2) % 4)
      return carry

    n_groups = -(-(CHUNKS_PER_TEC + 1) // 12)
    lax.fori_loop(0, n_groups, group_body, 0)
    plsc.subcore_barrier()

    out0 = c * N_NODES + r0
    pltpu.sync_copy(acc_sh.at[pl.ds(r0, ROWS_PER_TEC)],
                    acc_out_h.at[pl.ds(out0, ROWS_PER_TEC)])
    pltpu.sync_copy(cnt_sh.at[pl.ds(r0, ROWS_PER_TEC)],
                    cnt_out_h.at[pl.ds(out0, ROWS_PER_TEC)])

  return k(table, src_idx, dst_idx, ones_blk)


_BR = 2000


def _tc_body(acc_r, cnt_r, xd_r, wlt_r, bl_r, wrt_r, wv_r, bb_r, out_r):
  cnt = jnp.sum(cnt_r[...], axis=1) * (1.0 / 16.0)
  mean = acc_r[...] / jnp.maximum(cnt, 1.0)[:, None]
  h = (jnp.dot(mean, wlt_r[0], preferred_element_type=jnp.float32)
       + bl_r[0]
       + jnp.dot(xd_r[...], wrt_r[0], preferred_element_type=jnp.float32))
  h = jnp.maximum(h, 0.0)
  z = jnp.dot(h, wv_r[0], preferred_element_type=jnp.float32) + bb_r[0]
  out_r[...] = jnp.where(z >= 0, z, 0.001 * z)[None, :, :]


def _tc_dense(acc, cnt, x_dst, WlT, bl, WrT, wv, bb):
  nb = N_NODES // _BR
  return pl.pallas_call(
      _tc_body,
      grid=(2, nb),
      in_specs=[
          pl.BlockSpec((_BR, D), lambda r, i: (r * nb + i, 0)),
          pl.BlockSpec((_BR, 16), lambda r, i: (r * nb + i, 0)),
          pl.BlockSpec((_BR, D), lambda r, i: ((1 - r) * nb + i, 0)),
          pl.BlockSpec((1, D, D), lambda r, i: (r, 0, 0)),
          pl.BlockSpec((1, 1, D), lambda r, i: (r, 0, 0)),
          pl.BlockSpec((1, D, D), lambda r, i: (r, 0, 0)),
          pl.BlockSpec((1, D, 1), lambda r, i: (r, 0, 0)),
          pl.BlockSpec((1, 1, 1), lambda r, i: (r, 0, 0)),
      ],
      out_specs=pl.BlockSpec((1, _BR, 1), lambda r, i: (r, i, 0)),
      out_shape=jax.ShapeDtypeStruct((2, N_NODES, 1), jnp.float32),
  )(acc, cnt, x_dst, WlT, bl, WrT, wv, bb)


def kernel(x_pfas_sites, x_gw_wells, edge_index_sites_to_wells,
           edge_index_wells_to_sites, Wl_s2w, bl_s2w, Wr_s2w,
           Wl_w2s, bl_w2s, Wr_w2s, W_gw, b_gw, W_sites, b_sites):
  e1 = edge_index_sites_to_wells.astype(jnp.int32)
  e2 = edge_index_wells_to_sites.astype(jnp.int32)
  table = jnp.concatenate([x_pfas_sites, x_gw_wells], axis=0)
  src_idx = jnp.concatenate([e1[0], e2[0] + N_NODES])
  dst_idx = jnp.concatenate([e1[1], e2[1]])

  ones_blk = jnp.ones((CHUNK, 16), jnp.float32)

  acc, cnt = _sc_segment_sum(table, src_idx, dst_idx, ones_blk)

  x_dst = table
  WlT = jnp.stack([Wl_s2w.T, Wl_w2s.T])
  WrT = jnp.stack([Wr_s2w.T, Wr_w2s.T])
  bl = jnp.stack([bl_s2w, bl_w2s])[:, None, :]
  wv = jnp.stack([W_gw[0], W_sites[0]])[:, :, None]
  bb = jnp.stack([b_gw, b_sites])[:, :, None]

  out = _tc_dense(acc, cnt, x_dst, WlT, bl, WrT, wv, bb)
  return (out[0], out[1])

# --- scband reference (transcript-rebuilt; emitter-appended) ---
"""Pipeline reference for scband-gnnmodel-with-leaky-re-lu-29154238005713 (READ-ONLY COPY).

The authoritative reference and input builder live on the scoring server;
editing this copy changes nothing except your own understanding.
"""

import jax, jax.numpy as jnp
import numpy as np

N_SITES = 10000
N_WELLS = 10000
E = 320000
D = 128
OUT = 128


def setup_inputs(seed: int = 0) -> dict:
    key = jax.random.key(seed)
    ks = jax.random.split(key, 20)
    x_pfas_sites = jax.random.normal(ks[0], (N_SITES, D), dtype=jnp.float32)
    x_gw_wells = jax.random.normal(ks[1], (N_WELLS, D), dtype=jnp.float32)
    edge_index_sites_to_wells = jnp.stack([
        jax.random.randint(ks[2], (E,), 0, N_SITES),
        jax.random.randint(ks[3], (E,), 0, N_WELLS),
    ]).astype(jnp.int64)
    edge_index_wells_to_sites = jnp.stack([
        jax.random.randint(ks[4], (E,), 0, N_WELLS),
        jax.random.randint(ks[5], (E,), 0, N_SITES),
    ]).astype(jnp.int64)
    s = 1.0 / np.sqrt(D)
    def u(k, shape, sc):
        return jax.random.uniform(k, shape, jnp.float32, -sc, sc)
    Wl_s2w = u(ks[6], (OUT, D), s); bl_s2w = u(ks[7], (OUT,), s); Wr_s2w = u(ks[8], (OUT, D), s)
    Wl_w2s = u(ks[9], (OUT, D), s); bl_w2s = u(ks[10], (OUT,), s); Wr_w2s = u(ks[11], (OUT, D), s)
    so = 1.0 / np.sqrt(OUT)
    W_gw = u(ks[12], (1, OUT), so); b_gw = u(ks[13], (1,), so)
    W_sites = u(ks[14], (1, OUT), so); b_sites = u(ks[15], (1,), so)
    return {
        "x_pfas_sites": x_pfas_sites,
        "x_gw_wells": x_gw_wells,
        "edge_index_sites_to_wells": edge_index_sites_to_wells,
        "edge_index_wells_to_sites": edge_index_wells_to_sites,
        "Wl_s2w": Wl_s2w, "bl_s2w": bl_s2w, "Wr_s2w": Wr_s2w,
        "Wl_w2s": Wl_w2s, "bl_w2s": bl_w2s, "Wr_w2s": Wr_w2s,
        "W_gw": W_gw, "b_gw": b_gw, "W_sites": W_sites, "b_sites": b_sites,
    }


def _sage_conv(x_src, x_dst, edge_index, Wl, bl, Wr, num_dst):
    # PyG SAGEConv (bipartite, aggr='mean'): lin_l(mean_j x_j) + lin_r(x_dst)
    src = edge_index[0]
    dst = edge_index[1]
    msg = jnp.take(x_src, src, axis=0)
    summed = jax.ops.segment_sum(msg, dst, num_segments=num_dst)
    cnt = jax.ops.segment_sum(jnp.ones((dst.shape[0],), jnp.float32), dst, num_segments=num_dst)
    mean = summed / jnp.clip(cnt, 1.0)[:, None]
    return mean @ Wl.T + bl + x_dst @ Wr.T


def _leaky(x, slope=0.001):
    return jnp.where(x >= 0, x, slope * x)


def reference(x_pfas_sites, x_gw_wells, edge_index_sites_to_wells,
              edge_index_wells_to_sites, Wl_s2w, bl_s2w, Wr_s2w,
              Wl_w2s, bl_w2s, Wr_w2s, W_gw, b_gw, W_sites, b_sites):
    # HeteroConv with aggr='sum'; each dst type receives exactly one relation.
    h_wells = _sage_conv(x_pfas_sites, x_gw_wells, edge_index_sites_to_wells,
                         Wl_s2w, bl_s2w, Wr_s2w, N_WELLS)
    h_sites = _sage_conv(x_gw_wells, x_pfas_sites, edge_index_wells_to_sites,
                         Wl_w2s, bl_w2s, Wr_w2s, N_SITES)
    h_wells = jax.nn.relu(h_wells)
    h_sites = jax.nn.relu(h_sites)
    out_gw = _leaky(h_wells @ W_gw.T + b_gw)
    out_sites = _leaky(h_sites @ W_sites.T + b_sites)
    return (out_gw, out_sites)

if __name__ == "__main__":
    import jax
    _d = setup_inputs()
    print(jax.jit(kernel)(*tuple(_d.values())))

</pallas_src>

<mosaic_0001>
#map = affine_map<(d0, d1) -> (0, 0)>
#map1 = affine_map<(d0, d1) -> (0)>
module attributes {stable_mosaic.version = 14 : i64} {
  func.func @k(%arg0: i32, %arg1: i32, %arg2: memref<20000x128xf32, #tpu.memory_space<hbm>>, %arg3: memref<640000xi32, #tpu.memory_space<hbm>>, %arg4: memref<640000xi32, #tpu.memory_space<hbm>>, %arg5: memref<80x16xf32, #tpu.memory_space<hbm>>, %arg6: memref<20000x128xf32, #tpu.memory_space<hbm>>, %arg7: memref<20000x16xf32, #tpu.memory_space<hbm>>, %arg8: memref<80xi32, #tpu.memory_space<vmem>>, %arg9: memref<80xi32, #tpu.memory_space<vmem>>, %arg10: memref<80xi32, #tpu.memory_space<vmem>>, %arg11: memref<80xi32, #tpu.memory_space<vmem>>, %arg12: memref<80xi32, #tpu.memory_space<vmem>>, %arg13: memref<80xi32, #tpu.memory_space<vmem>>, %arg14: memref<80xi32, #tpu.memory_space<vmem>>, %arg15: memref<80xi32, #tpu.memory_space<vmem>>, %arg16: memref<80x128xf32, #tpu.memory_space<vmem>>, %arg17: memref<80x128xf32, #tpu.memory_space<vmem>>, %arg18: memref<80x128xf32, #tpu.memory_space<vmem>>, %arg19: memref<80x16xf32, #tpu.memory_space<vmem>>, %arg20: memref<10000x128xf32, #tpu.memory_space<vmem_shared>>, %arg21: memref<10000x16xf32, #tpu.memory_space<vmem_shared>>, %arg22: memref<!tpu.dma_semaphore, #tpu.memory_space<semaphore_mem>>, %arg23: memref<!tpu.dma_semaphore, #tpu.memory_space<semaphore_mem>>, %arg24: memref<!tpu.dma_semaphore, #tpu.memory_space<semaphore_mem>>, %arg25: memref<!tpu.dma_semaphore, #tpu.memory_space<semaphore_mem>>, %arg26: memref<!tpu.dma_semaphore, #tpu.memory_space<semaphore_mem>>, %arg27: memref<!tpu.dma_semaphore, #tpu.memory_space<semaphore_mem>>, %arg28: memref<!tpu.dma_semaphore, #tpu.memory_space<semaphore_mem>>, %arg29: memref<!tpu.dma_semaphore, #tpu.memory_space<semaphore_mem>>, %arg30: memref<!tpu.dma_semaphore, #tpu.memory_space<semaphore_mem>>, %arg31: memref<!tpu.dma_semaphore, #tpu.memory_space<semaphore_mem>>) attributes {dimension_semantics = [#tpu.dimension_semantics<core_parallel>, #tpu.dimension_semantics<subcore_parallel>], iteration_bounds = array<i64: 2, 16>, scalar_prefetch = 0 : i64, scratch_operands = 24 : i64, tpu.core_type = #tpu.core_type<sc_vector_subcore>, window_params = [{transform_indices = #map}, {transform_indices = #map1}, {transform_indices = #map1}, {transform_indices = #map}, {transform_indices = #map}, {transform_indices = #map}]} {
    %mul3A = arith.constant 625 : i32
    %mul3A_0 = arith.muli %arg1, %mul3A : i32
    %broadcast_in_dim3A = arith.constant 0.000000e+00 : f32
    %broadcast_in_dim3A_1 = vector.broadcast %broadcast_in_dim3A : f32 to vector<16xf32>
    %scan3A = arith.constant 0 : i32
    %scan3A_2 = arith.constant 0 : i32
    %scan3A_3 = arith.constant 80 : i32
    %scan3A_4 = arith.addi %scan3A_2, %scan3A_3 : i32
    %scan3A_5 = arith.constant 1 : i32
    scf.for %scan3A_109 = %scan3A_2 to %scan3A_4 step %scan3A_5  : i32 {
      %swap3A = arith.index_cast %scan3A_109 : i32 to index
      %swap3A_110 = arith.constant 0 : index
      %swap3A_111 = tpu.vector_load %arg16[%swap3A, %swap3A_110] {strides = array<i32>} : memref<80x128xf32, #tpu.memory_space<vmem>>, vector<1x16xf32>,
      %swap3A_112 = vector.shape_cast %swap3A_111 : vector<1x16xf32> to vector<16xf32>
      %swap3A_113 = vector.shape_cast %broadcast_in_dim3A_1 : vector<16xf32> to vector<1x16xf32>
      tpu.vector_store %arg16[%swap3A, %swap3A_110], %swap3A_113 {strides = array<i32>} : memref<80x128xf32, #tpu.memory_space<vmem>>, vector<1x16xf32>,
      %swap3A_114 = arith.index_cast %scan3A_109 : i32 to index
      %swap3A_115 = arith.constant 16 : index
      %swap3A_116 = tpu.vector_load %arg16[%swap3A_114, %swap3A_115] {strides = array<i32>} : memref<80x128xf32, #tpu.memory_space<vmem>>, vector<1x16xf32>,
      %swap3A_117 = vector.shape_cast %swap3A_116 : vector<1x16xf32> to vector<16xf32>
      %swap3A_118 = vector.shape_cast %broadcast_in_dim3A_1 : vector<16xf32> to vector<1x16xf32>
      tpu.vector_store %arg16[%swap3A_114, %swap3A_115], %swap3A_118 {strides = array<i32>} : memref<80x128xf32, #tpu.memory_space<vmem>>, vector<1x16xf32>,
      %swap3A_119 = arith.index_cast %scan3A_109 : i32 to index
      %swap3A_120 = arith.constant 32 : index
      %swap3A_121 = tpu.vector_load %arg16[%swap3A_119, %swap3A_120] {strides = array<i32>} : memref<80x128xf32, #tpu.memory_space<vmem>>, vector<1x16xf32>,
      %swap3A_122 = vector.shape_cast %swap3A_121 : vector<1x16xf32> to vector<16xf32>
      %swap3A_123 = vector.shape_cast %broadcast_in_dim3A_1 : vector<16xf32> to vector<1x16xf32>
      tpu.vector_store %arg16[%swap3A_119, %swap3A_120], %swap3A_123 {strides = array<i32>} : memref<80x128xf32, #tpu.memory_space<vmem>>, vector<1x16xf32>,
      %swap3A_124 = arith.index_cast %scan3A_109 : i32 to index
      %swap3A_125 = arith.constant 48 : index
      %swap3A_126 = tpu.vector_load %arg16[%swap3A_124, %swap3A_125] {strides = array<i32>} : memref<80x128xf32, #tpu.memory_space<vmem>>, vector<1x16xf32>,
      %swap3A_127 = vector.shape_cast %swap3A_126 : vector<1x16xf32> to vector<16xf32>
      %swap3A_128 = vector.shape_cast %broadcast_in_dim3A_1 : vector<16xf32> to vector<1x16xf32>
      tpu.vector_store %arg16[%swap3A_124, %swap3A_125], %swap3A_128 {strides = array<i32>} : memref<80x128xf32, #tpu.memory_space<vmem>>, vector<1x16xf32>,
      %swap3A_129 = arith.index_cast %scan3A_109 : i32 to index
      %swap3A_130 = arith.constant 64 : index
      %swap3A_131 = tpu.vector_load %arg16[%swap3A_129, %swap3A_130] {strides = array<i32>} : memref<80x128xf32, #tpu.memory_space<vmem>>, vector<1x16xf32>,
      %swap3A_132 = vector.shape_cast %swap3A_131 : vector<1x16xf32> to vector<16xf32>
      %swap3A_133 = vector.shape_cast %broadcast_in_dim3A_1 : vector<16xf32> to vector<1x16xf32>
      tpu.vector_store %arg16[%swap3A_129, %swap3A_130], %swap3A_133 {strides = array<i32>} : memref<80x128xf32, #tpu.memory_space<vmem>>, vector<1x16xf32>,
      %swap3A_134 = arith.index_cast %scan3A_109 : i32 to index
      %swap3A_135 = arith.constant 80 : index
      %swap3A_136 = tpu.vector_load %arg16[%swap3A_134, %swap3A_135] {strides = array<i32>} : memref<80x128xf32, #tpu.memory_space<vmem>>, vector<1x16xf32>,
      %swap3A_137 = vector.shape_cast %swap3A_136 : vector<1x16xf32> to vector<16xf32>
      %swap3A_138 = vector.shape_cast %broadcast_in_dim3A_1 : vector<16xf32> to vector<1x16xf32>
      tpu.vector_store %arg16[%swap3A_134, %swap3A_135], %swap3A_138 {strides = array<i32>} : memref<80x128xf32, #tpu.memory_space<vmem>>, vector<1x16xf32>,
      %swap3A_139 = arith.index_cast %scan3A_109 : i32 to index
      %swap3A_140 = arith.constant 96 : index
      %swap3A_141 = tpu.vector_load %arg16[%swap3A_139, %swap3A_140] {strides = array<i32>} : memref<80x128xf32, #tpu.memory_space<vmem>>, vector<1x16xf32>,
      %swap3A_142 = vector.shape_cast %swap3A_141 : vector<1x16xf32> to vector<16xf32>
      %swap3A_143 = vector.shape_cast %broadcast_in_dim3A_1 : vector<16xf32> to vector<1x16xf32>
      tpu.vector_store %arg16[%swap3A_139, %swap3A_140], %swap3A_143 {strides = array<i32>} : memref<80x128xf32, #tpu.memory_space<vmem>>, vector<1x16xf32>,
      %swap3A_144 = arith.index_cast %scan3A_109 : i32 to index
      %swap3A_145 = arith.constant 112 : index
      %swap3A_146 = tpu.vector_load %arg16[%swap3A_144, %swap3A_145] {strides = array<i32>} : memref<80x128xf32, #tpu.memory_space<vmem>>, vector<1x16xf32>,
      %swap3A_147 = vector.shape_cast %swap3A_146 : vector<1x16xf32> to vector<16xf32>
      %swap3A_148 = vector.shape_cast %broadcast_in_dim3A_1 : vector<16xf32> to vector<1x16xf32>
      tpu.vector_store %arg16[%swap3A_144, %swap3A_145], %swap3A_148 {strides = array<i32>} : memref<80x128xf32, #tpu.memory_space<vmem>>, vector<1x16xf32>,
    }
    %scan3A_6 = arith.constant 80 : i32
    %add3A = arith.constant 0 : i32
    %add3A_7 = arith.addi %mul3A_0, %add3A : i32
    "tpu.region"() ({
      %run_scoped3A = tpu.sem_alloc : memref<!tpu.dma_semaphore, #tpu.memory_space<semaphore_mem>>
      %dma_start3A = arith.constant 0 : i32
      %dma_start3A_109 = tpu.memref_slice %arg20[%add3A_7, %dma_start3A] : memref<10000x128xf32, #tpu.memory_space<vmem_shared>> -> memref<80x128xf32, #tpu.memory_space<vmem_shared>>
      %dma_start3A_110 = arith.constant 0 : i32
      %dma_start3A_111 = tpu.memref_slice %arg20[%add3A_7, %dma_start3A_110] : memref<10000x128xf32, #tpu.memory_space<vmem_shared>> -> memref<80x128xf32, #tpu.memory_space<vmem_shared>>
      tpu.enqueue_dma source(%arg16 : memref<80x128xf32, #tpu.memory_space<vmem>>) target(%dma_start3A_111 : memref<80x128xf32, #tpu.memory_space<vmem_shared>>) target_semaphore(%run_scoped3A : memref<!tpu.dma_semaphore, #tpu.memory_space<semaphore_mem>>)
      %dma_wait3A = arith.constant 0 : i32
      %dma_wait3A_112 = tpu.memref_slice %arg20[%add3A_7, %dma_wait3A] : memref<10000x128xf32, #tpu.memory_space<vmem_shared>> -> memref<80x128xf32, #tpu.memory_space<vmem_shared>>
      %dma_wait3A_113 = arith.constant 0 : i32
      %dma_wait3A_114 = tpu.memref_slice %arg20[%add3A_7, %dma_wait3A_113] : memref<10000x128xf32, #tpu.memory_space<vmem_shared>> -> memref<80x128xf32, #tpu.memory_space<vmem_shared>>
      tpu.wait_dma2 semaphore(%run_scoped3A : memref<!tpu.dma_semaphore, #tpu.memory_space<semaphore_mem>>) src(%arg16 : memref<80x128xf32, #tpu.memory_space<vmem>>) dst(%dma_wait3A_114 : memref<80x128xf32, #tpu.memory_space<vmem_shared>>)
      tpu.yield
    }) : () -> ()
    %add3A_8 = arith.constant 0 : i32
    %add3A_9 = arith.addi %mul3A_0, %add3A_8 : i32
    "tpu.region"() ({
      %run_scoped3A = tpu.sem_alloc : memref<!tpu.dma_semaphore, #tpu.memory_space<semaphore_mem>>
      %dma_start3A = arith.constant 0 : i32
      %dma_start3A_109 = arith.constant 0 : i32
      %dma_start3A_110 = tpu.memref_slice %arg16[%dma_start3A, %dma_start3A_109] : memref<80x128xf32, #tpu.memory_space<vmem>> -> memref<80x16xf32, #tpu.memory_space<vmem>>
      %dma_start3A_111 = arith.constant 0 : i32
      %dma_start3A_112 = tpu.memref_slice %arg21[%add3A_9, %dma_start3A_111] : memref<10000x16xf32, #tpu.memory_space<vmem_shared>> -> memref<80x16xf32, #tpu.memory_space<vmem_shared>>
      %dma_start3A_113 = arith.constant 0 : i32
      %dma_start3A_114 = tpu.memref_slice %arg21[%add3A_9, %dma_start3A_113] : memref<10000x16xf32, #tpu.memory_space<vmem_shared>> -> memref<80x16xf32, #tpu.memory_space<vmem_shared>>
      %dma_start3A_115 = arith.constant 0 : i32
      %dma_start3A_116 = arith.constant 0 : i32
      %dma_start3A_117 = tpu.memref_slice %arg16[%dma_start3A_115, %dma_start3A_116] : memref<80x128xf32, #tpu.memory_space<vmem>> -> memref<80x16xf32, #tpu.memory_space<vmem>>
      tpu.enqueue_dma source(%dma_start3A_117 : memref<80x16xf32, #tpu.memory_space<vmem>>) target(%dma_start3A_114 : memref<80x16xf32, #tpu.memory_space<vmem_shared>>) target_semaphore(%run_scoped3A : memref<!tpu.dma_semaphore, #tpu.memory_space<semaphore_mem>>)
      %dma_wait3A = arith.constant 0 : i32
      %dma_wait3A_118 = arith.constant 0 : i32
      %dma_wait3A_119 = tpu.memref_slice %arg16[%dma_wait3A, %dma_wait3A_118] : memref<80x128xf32, #tpu.memory_space<vmem>> -> memref<80x16xf32, #tpu.memory_space<vmem>>
      %dma_wait3A_120 = arith.constant 0 : i32
      %dma_wait3A_121 = tpu.memref_slice %arg21[%add3A_9, %dma_wait3A_120] : memref<10000x16xf32, #tpu.memory_space<vmem_shared>> -> memref<80x16xf32, #tpu.memory_space<vmem_shared>>
      %dma_wait3A_122 = arith.constant 0 : i32
      %dma_wait3A_123 = tpu.memref_slice %arg21[%add3A_9, %dma_wait3A_122] : memref<10000x16xf32, #tpu.memory_space<vmem_shared>> -> memref<80x16xf32, #tpu.memory_space<vmem_shared>>
      %dma_wait3A_124 = arith.constant 0 : i32
      %dma_wait3A_125 = arith.constant 0 : i32
      %dma_wait3A_126 = tpu.memref_slice %arg16[%dma_wait3A_124, %dma_wait3A_125] : memref<80x128xf32, #tpu.memory_space<vmem>> -> memref<80x16xf32, #tpu.memory_space<vmem>>
      tpu.wait_dma2 semaphore(%run_scoped3A : memref<!tpu.dma_semaphore, #tpu.memory_space<semaphore_mem>>) src(%dma_wait3A_126 : memref<80x16xf32, #tpu.memory_space<vmem>>) dst(%dma_wait3A_123 : memref<80x16xf32, #tpu.memory_space<vmem_shared>>)
      tpu.yield
    }) : () -> ()
    %add3A_10 = arith.constant 80 : i32
    %add3A_11 = arith.addi %mul3A_0, %add3A_10 : i32
    "tpu.region"() ({
      %run_scoped3A = tpu.sem_alloc : memref<!tpu.dma_semaphore, #tpu.memory_space<semaphore_mem>>
      %dma_start3A = arith.constant 0 : i32
      %dma_start3A_109 = tpu.memref_slice %arg20[%add3A_11, %dma_start3A] : memref<10000x128xf32, #tpu.memory_space<vmem_shared>> -> memref<80x128xf32, #tpu.memory_space<vmem_shared>>
      %dma_start3A_110 = arith.constant 0 : i32
      %dma_start3A_111 = tpu.memref_slice %arg20[%add3A_11, %dma_start3A_110] : memref<10000x128xf32, #tpu.memory_space<vmem_shared>> -> memref<80x128xf32, #tpu.memory_space<vmem_shared>>
      tpu.enqueue_dma source(%arg16 : memref<80x128xf32, #tpu.memory_space<vmem>>) target(%dma_start3A_111 : memref<80x128xf32, #tpu.memory_space<vmem_shared>>) target_semaphore(%run_scoped3A : memref<!tpu.dma_semaphore, #tpu.memory_space<semaphore_mem>>)
      %dma_wait3A = arith.constant 0 : i32
      %dma_wait3A_112 = tpu.memref_slice %arg20[%add3A_11, %dma_wait3A] : memref<10000x128xf32, #tpu.memory_space<vmem_shared>> -> memref<80x128xf32, #tpu.memory_space<vmem_shared>>
      %dma_wait3A_113 = arith.constant 0 : i32
      %dma_wait3A_114 = tpu.memref_slice %arg20[%add3A_11, %dma_wait3A_113] : memref<10000x128xf32, #tpu.memory_space<vmem_shared>> -> memref<80x128xf32, #tpu.memory_space<vmem_shared>>
      tpu.wait_dma2 semaphore(%run_scoped3A : memref<!tpu.dma_semaphore, #tpu.memory_space<semaphore_mem>>) src(%arg16 : memref<80x128xf32, #tpu.memory_space<vmem>>) dst(%dma_wait3A_114 : memref<80x128xf32, #tpu.memory_space<vmem_shared>>)
      tpu.yield
    }) : () -> ()
    %add3A_12 = arith.constant 80 : i32
    %add3A_13 = arith.addi %mul3A_0, %add3A_12 : i32
    "tpu.region"() ({
      %run_scoped3A = tpu.sem_alloc : memref<!tpu.dma_semaphore, #tpu.memory_space<semaphore_mem>>
      %dma_start3A = arith.constant 0 : i32
      %dma_start3A_109 = arith.constant 0 : i32
      %dma_start3A_110 = tpu.memref_slice %arg16[%dma_start3A, %dma_start3A_109] : memref<80x128xf32, #tpu.memory_space<vmem>> -> memref<80x16xf32, #tpu.memory_space<vmem>>
      %dma_start3A_111 = arith.constant 0 : i32
      %dma_start3A_112 = tpu.memref_slice %arg21[%add3A_13, %dma_start3A_111] : memref<10000x16xf32, #tpu.memory_space<vmem_shared>> -> memref<80x16xf32, #tpu.memory_space<vmem_shared>>
      %dma_start3A_113 = arith.constant 0 : i32
      %dma_start3A_114 = tpu.memref_slice %arg21[%add3A_13, %dma_start3A_113] : memref<10000x16xf32, #tpu.memory_space<vmem_shared>> -> memref<80x16xf32, #tpu.memory_space<vmem_shared>>
      %dma_start3A_115 = arith.constant 0 : i32
      %dma_start3A_116 = arith.constant 0 : i32
      %dma_start3A_117 = tpu.memref_slice %arg16[%dma_start3A_115, %dma_start3A_116] : memref<80x128xf32, #tpu.memory_space<vmem>> -> memref<80x16xf32, #tpu.memory_space<vmem>>
      tpu.enqueue_dma source(%dma_start3A_117 : memref<80x16xf32, #tpu.memory_space<vmem>>) target(%dma_start3A_114 : memref<80x16xf32, #tpu.memory_space<vmem_shared>>) target_semaphore(%run_scoped3A : memref<!tpu.dma_semaphore, #tpu.memory_space<semaphore_mem>>)
      %dma_wait3A = arith.constant 0 : i32
      %dma_wait3A_118 = arith.constant 0 : i32
      %dma_wait3A_119 = tpu.memref_slice %arg16[%dma_wait3A, %dma_wait3A_118] : memref<80x128xf32, #tpu.memory_space<vmem>> -> memref<80x16xf32, #tpu.memory_space<vmem>>
      %dma_wait3A_120 = arith.constant 0 : i32
      %dma_wait3A_121 = tpu.memref_slice %arg21[%add3A_13, %dma_wait3A_120] : memref<10000x16xf32, #tpu.memory_space<vmem_shared>> -> memref<80x16xf32, #tpu.memory_space<vmem_shared>>
      %dma_wait3A_122 = arith.constant 0 : i32
      %dma_wait3A_123 = tpu.memref_slice %arg21[%add3A_13, %dma_wait3A_122] : memref<10000x16xf32, #tpu.memory_space<vmem_shared>> -> memref<80x16xf32, #tpu.memory_space<vmem_shared>>
      %dma_wait3A_124 = arith.constant 0 : i32
      %dma_wait3A_125 = arith.constant 0 : i32
      %dma_wait3A_126 = tpu.memref_slice %arg16[%dma_wait3A_124, %dma_wait3A_125] : memref<80x128xf32, #tpu.memory_space<vmem>> -> memref<80x16xf32, #tpu.memory_space<vmem>>
      tpu.wait_dma2 semaphore(%run_scoped3A : memref<!tpu.dma_semaphore, #tpu.memory_space<semaphore_mem>>) src(%dma_wait3A_126 : memref<80x16xf32, #tpu.memory_space<vmem>>) dst(%dma_wait3A_123 : memref<80x16xf32, #tpu.memory_space<vmem_shared>>)
      tpu.yield
    }) : () -> ()
    %add3A_14 = arith.constant 160 : i32
    %add3A_15 = arith.addi %mul3A_0, %add3A_14 : i32
    "tpu.region"() ({
      %run_scoped3A = tpu.sem_alloc : memref<!tpu.dma_semaphore, #tpu.memory_space<semaphore_mem>>
      %dma_start3A = arith.constant 0 : i32
      %dma_start3A_109 = tpu.memref_slice %arg20[%add3A_15, %dma_start3A] : memref<10000x128xf32, #tpu.memory_space<vmem_shared>> -> memref<80x128xf32, #tpu.memory_space<vmem_shared>>
      %dma_start3A_110 = arith.constant 0 : i32
      %dma_start3A_111 = tpu.memref_slice %arg20[%add3A_15, %dma_start3A_110] : memref<10000x128xf32, #tpu.memory_space<vmem_shared>> -> memref<80x128xf32, #tpu.memory_space<vmem_shared>>
      tpu.enqueue_dma source(%arg16 : memref<80x128xf32, #tpu.memory_space<vmem>>) target(%dma_start3A_111 : memref<80x128xf32, #tpu.memory_space<vmem_shared>>) target_semaphore(%run_scoped3A : memref<!tpu.dma_semaphore, #tpu.memory_space<semaphore_mem>>)
      %dma_wait3A = arith.constant 0 : i32
      %dma_wait3A_112 = tpu.memref_slice %arg20[%add3A_15, %dma_wait3A] : memref<10000x128xf32, #tpu.memory_space<vmem_shared>> -> memref<80x128xf32, #tpu.memory_space<vmem_shared>>
      %dma_wait3A_113 = arith.constant 0 : i32
      %dma_wait3A_114 = tpu.memref_slice %arg20[%add3A_15, %dma_wait3A_113] : memref<10000x128xf32, #tpu.memory_space<vmem_shared>> -> memref<80x128xf32, #tpu.memory_space<vmem_shared>>
      tpu.wait_dma2 semaphore(%run_scoped3A : memref<!tpu.dma_semaphore, #tpu.memory_space<semaphore_mem>>) src(%arg16 : memref<80x128xf32, #tpu.memory_space<vmem>>) dst(%dma_wait3A_114 : memref<80x128xf32, #tpu.memory_space<vmem_shared>>)
      tpu.yield
    }) : () -> ()
    %add3A_16 = arith.constant 160 : i32
    %add3A_17 = arith.addi %mul3A_0, %add3A_16 : i32
    "tpu.region"() ({
      %run_scoped3A = tpu.sem_alloc : memref<!tpu.dma_semaphore, #tpu.memory_space<semaphore_mem>>
      %dma_start3A = arith.constant 0 : i32
      %dma_start3A_109 = arith.constant 0 : i32
      %dma_start3A_110 = tpu.memref_slice %arg16[%dma_start3A, %dma_start3A_109] : memref<80x128xf32, #tpu.memory_space<vmem>> -> memref<80x16xf32, #tpu.memory_space<vmem>>
      %dma_start3A_111 = arith.constant 0 : i32
      %dma_start3A_112 = tpu.memref_slice %arg21[%add3A_17, %dma_start3A_111] : memref<10000x16xf32, #tpu.memory_space<vmem_shared>> -> memref<80x16xf32, #tpu.memory_space<vmem_shared>>
      %dma_start3A_113 = arith.constant 0 : i32
      %dma_start3A_114 = tpu.memref_slice %arg21[%add3A_17, %dma_start3A_113] : memref<10000x16xf32, #tpu.memory_space<vmem_shared>> -> memref<80x16xf32, #tpu.memory_space<vmem_shared>>
      %dma_start3A_115 = arith.constant 0 : i32
      %dma_start3A_116 = arith.constant 0 : i32
      %dma_start3A_117 = tpu.memref_slice %arg16[%dma_start3A_115, %dma_start3A_116] : memref<80x128xf32, #tpu.memory_space<vmem>> -> memref<80x16xf32, #tpu.memory_space<vmem>>
      tpu.enqueue_dma source(%dma_start3A_117 : memref<80x16xf32, #tpu.memory_space<vmem>>) target(%dma_start3A_114 : memref<80x16xf32, #tpu.memory_space<vmem_shared>>) target_semaphore(%run_scoped3A : memref<!tpu.dma_semaphore, #tpu.memory_space<semaphore_mem>>)
      %dma_wait3A = arith.constant 0 : i32
      %dma_wait3A_118 = arith.constant 0 : i32
      %dma_wait3A_119 = tpu.memref_slice %arg16[%dma_wait3A, %dma_wait3A_118] : memref<80x128xf32, #tpu.memory_space<vmem>> -> memref<80x16xf32, #tpu.memory_space<vmem>>
      %dma_wait3A_120 = arith.constant 0 : i32
      %dma_wait3A_121 = tpu.memref_slice %arg21[%add3A_17, %dma_wait3A_120] : memref<10000x16xf32, #tpu.memory_space<vmem_shared>> -> memref<80x16xf32, #tpu.memory_space<vmem_shared>>
      %dma_wait3A_122 = arith.constant 0 : i32
      %dma_wait3A_123 = tpu.memref_slice %arg21[%add3A_17, %dma_wait3A_122] : memref<10000x16xf32, #tpu.memory_space<vmem_shared>> -> memref<80x16xf32, #tpu.memory_space<vmem_shared>>
      %dma_wait3A_124 = arith.constant 0 : i32
      %dma_wait3A_125 = arith.constant 0 : i32
      %dma_wait3A_126 = tpu.memref_slice %arg16[%dma_wait3A_124, %dma_wait3A_125] : memref<80x128xf32, #tpu.memory_space<vmem>> -> memref<80x16xf32, #tpu.memory_space<vmem>>
      tpu.wait_dma2 semaphore(%run_scoped3A : memref<!tpu.dma_semaphore, #tpu.memory_space<semaphore_mem>>) src(%dma_wait3A_126 : memref<80x16xf32, #tpu.memory_space<vmem>>) dst(%dma_wait3A_123 : memref<80x16xf32, #tpu.memory_space<vmem_shared>>)
      tpu.yield
    }) : () -> ()
    %add3A_18 = arith.constant 240 : i32
    %add3A_19 = arith.addi %mul3A_0, %add3A_18 : i32
    "tpu.region"() ({
      %run_scoped3A = tpu.sem_alloc : memref<!tpu.dma_semaphore, #tpu.memory_space<semaphore_mem>>
      %dma_start3A = arith.constant 0 : i32
      %dma_start3A_109 = tpu.memref_slice %arg20[%add3A_19, %dma_start3A] : memref<10000x128xf32, #tpu.memory_space<vmem_shared>> -> memref<80x128xf32, #tpu.memory_space<vmem_shared>>
      %dma_start3A_110 = arith.constant 0 : i32
      %dma_start3A_111 = tpu.memref_slice %arg20[%add3A_19, %dma_start3A_110] : memref<10000x128xf32, #tpu.memory_space<vmem_shared>> -> memref<80x128xf32, #tpu.memory_space<vmem_shared>>
      tpu.enqueue_dma source(%arg16 : memref<80x128xf32, #tpu.memory_space<vmem>>) target(%dma_start3A_111 : memref<80x128xf32, #tpu.memory_space<vmem_shared>>) target_semaphore(%run_scoped3A : memref<!tpu.dma_semaphore, #tpu.memory_space<semaphore_mem>>)
      %dma_wait3A = arith.constant 0 : i32
      %dma_wait3A_112 = tpu.memref_slice %arg20[%add3A_19, %dma_wait3A] : memref<10000x128xf32, #tpu.memory_space<vmem_shared>> -> memref<80x128xf32, #tpu.memory_space<vmem_shared>>
      %dma_wait3A_113 = arith.constant 0 : i32
      %dma_wait3A_114 = tpu.memref_slice %arg20[%add3A_19, %dma_wait3A_113] : memref<10000x128xf32, #tpu.memory_space<vmem_shared>> -> memref<80x128xf32, #tpu.memory_space<vmem_shared>>
      tpu.wait_dma2 semaphore(%run_scoped3A : memref<!tpu.dma_semaphore, #tpu.memory_space<semaphore_mem>>) src(%arg16 : memref<80x128xf32, #tpu.memory_space<vmem>>) dst(%dma_wait3A_114 : memref<80x128xf32, #tpu.memory_space<vmem_shared>>)
      tpu.yield
    }) : () -> ()
    %add3A_20 = arith.constant 240 : i32
    %add3A_21 = arith.addi %mul3A_0, %add3A_20 : i32
    "tpu.region"() ({
      %run_scoped3A = tpu.sem_alloc : memref<!tpu.dma_semaphore, #tpu.memory_space<semaphore_mem>>
      %dma_start3A = arith.constant 0 : i32
      %dma_start3A_109 = arith.constant 0 : i32
      %dma_start3A_110 = tpu.memref_slice %arg16[%dma_start3A, %dma_start3A_109] : memref<80x128xf32, #tpu.memory_space<vmem>> -> memref<80x16xf32, #tpu.memory_space<vmem>>
      %dma_start3A_111 = arith.constant 0 : i32
      %dma_start3A_112 = tpu.memref_slice %arg21[%add3A_21, %dma_start3A_111] : memref<10000x16xf32, #tpu.memory_space<vmem_shared>> -> memref<80x16xf32, #tpu.memory_space<vmem_shared>>
      %dma_start3A_113 = arith.constant 0 : i32
      %dma_start3A_114 = tpu.memref_slice %arg21[%add3A_21, %dma_start3A_113] : memref<10000x16xf32, #tpu.memory_space<vmem_shared>> -> memref<80x16xf32, #tpu.memory_space<vmem_shared>>
      %dma_start3A_115 = arith.constant 0 : i32
      %dma_start3A_116 = arith.constant 0 : i32
      %dma_start3A_117 = tpu.memref_slice %arg16[%dma_start3A_115, %dma_start3A_116] : memref<80x128xf32, #tpu.memory_space<vmem>> -> memref<80x16xf32, #tpu.memory_space<vmem>>
      tpu.enqueue_dma source(%dma_start3A_117 : memref<80x16xf32, #tpu.memory_space<vmem>>) target(%dma_start3A_114 : memref<80x16xf32, #tpu.memory_space<vmem_shared>>) target_semaphore(%run_scoped3A : memref<!tpu.dma_semaphore, #tpu.memory_space<semaphore_mem>>)
      %dma_wait3A = arith.constant 0 : i32
      %dma_wait3A_118 = arith.constant 0 : i32
      %dma_wait3A_119 = tpu.memref_slice %arg16[%dma_wait3A, %dma_wait3A_118] : memref<80x128xf32, #tpu.memory_space<vmem>> -> memref<80x16xf32, #tpu.memory_space<vmem>>
      %dma_wait3A_120 = arith.constant 0 : i32
      %dma_wait3A_121 = tpu.memref_slice %arg21[%add3A_21, %dma_wait3A_120] : memref<10000x16xf32, #tpu.memory_space<vmem_shared>> -> memref<80x16xf32, #tpu.memory_space<vmem_shared>>
      %dma_wait3A_122 = arith.constant 0 : i32
      %dma_wait3A_123 = tpu.memref_slice %arg21[%add3A_21, %dma_wait3A_122] : memref<10000x16xf32, #tpu.memory_space<vmem_shared>> -> memref<80x16xf32, #tpu.memory_space<vmem_shared>>
      %dma_wait3A_124 = arith.constant 0 : i32
      %dma_wait3A_125 = arith.constant 0 : i32
      %dma_wait3A_126 = tpu.memref_slice %arg16[%dma_wait3A_124, %dma_wait3A_125] : memref<80x128xf32, #tpu.memory_space<vmem>> -> memref<80x16xf32, #tpu.memory_space<vmem>>
      tpu.wait_dma2 semaphore(%run_scoped3A : memref<!tpu.dma_semaphore, #tpu.memory_space<semaphore_mem>>) src(%dma_wait3A_126 : memref<80x16xf32, #tpu.memory_space<vmem>>) dst(%dma_wait3A_123 : memref<80x16xf32, #tpu.memory_space<vmem_shared>>)
      tpu.yield
    }) : () -> ()
    %add3A_22 = arith.constant 320 : i32
    %add3A_23 = arith.addi %mul3A_0, %add3A_22 : i32
    "tpu.region"() ({
      %run_scoped3A = tpu.sem_alloc : memref<!tpu.dma_semaphore, #tpu.memory_space<semaphore_mem>>
      %dma_start3A = arith.constant 0 : i32
      %dma_start3A_109 = tpu.memref_slice %arg20[%add3A_23, %dma_start3A] : memref<10000x128xf32, #tpu.memory_space<vmem_shared>> -> memref<80x128xf32, #tpu.memory_space<vmem_shared>>
      %dma_start3A_110 = arith.constant 0 : i32
      %dma_start3A_111 = tpu.memref_slice %arg20[%add3A_23, %dma_start3A_110] : memref<10000x128xf32, #tpu.memory_space<vmem_shared>> -> memref<80x128xf32, #tpu.memory_space<vmem_shared>>
      tpu.enqueue_dma source(%arg16 : memref<80x128xf32, #tpu.memory_space<vmem>>) target(%dma_start3A_111 : memref<80x128xf32, #tpu.memory_space<vmem_shared>>) target_semaphore(%run_scoped3A : memref<!tpu.dma_semaphore, #tpu.memory_space<semaphore_mem>>)
      %dma_wait3A = arith.constant 0 : i32
      %dma_wait3A_112 = tpu.memref_slice %arg20[%add3A_23, %dma_wait3A] : memref<10000x128xf32, #tpu.memory_space<vmem_shared>> -> memref<80x128xf32, #tpu.memory_space<vmem_shared>>
      %dma_wait3A_113 = arith.constant 0 : i32
      %dma_wait3A_114 = tpu.memref_slice %arg20[%add3A_23, %dma_wait3A_113] : memref<10000x128xf32, #tpu.memory_space<vmem_shared>> -> memref<80x128xf32, #tpu.memory_space<vmem_shared>>
      tpu.wait_dma2 semaphore(%run_scoped3A : memref<!tpu.dma_semaphore, #tpu.memory_space<semaphore_mem>>) src(%arg16 : memref<80x128xf32, #tpu.memory_space<vmem>>) dst(%dma_wait3A_114 : memref<80x128xf32, #tpu.memory_space<vmem_shared>>)
      tpu.yield
    }) : () -> ()
    %add3A_24 = arith.constant 320 : i32
    %add3A_25 = arith.addi %mul3A_0, %add3A_24 : i32
    "tpu.region"() ({
      %run_scoped3A = tpu.sem_alloc : memref<!tpu.dma_semaphore, #tpu.memory_space<semaphore_mem>>
      %dma_start3A = arith.constant 0 : i32
      %dma_start3A_109 = arith.constant 0 : i32
      %dma_start3A_110 = tpu.memref_slice %arg16[%dma_start3A, %dma_start3A_109] : memref<80x128xf32, #tpu.memory_space<vmem>> -> memref<80x16xf32, #tpu.memory_space<vmem>>
      %dma_start3A_111 = arith.constant 0 : i32
      %dma_start3A_112 = tpu.memref_slice %arg21[%add3A_25, %dma_start3A_111] : memref<10000x16xf32, #tpu.memory_space<vmem_shared>> -> memref<80x16xf32, #tpu.memory_space<vmem_shared>>
      %dma_start3A_113 = arith.constant 0 : i32
      %dma_start3A_114 = tpu.memref_slice %arg21[%add3A_25, %dma_start3A_113] : memref<10000x16xf32, #tpu.memory_space<vmem_shared>> -> memref<80x16xf32, #tpu.memory_space<vmem_shared>>
      %dma_start3A_115 = arith.constant 0 : i32
      %dma_start3A_116 = arith.constant 0 : i32
      %dma_start3A_117 = tpu.memref_slice %arg16[%dma_start3A_115, %dma_start3A_116] : memref<80x128xf32, #tpu.memory_space<vmem>> -> memref<80x16xf32, #tpu.memory_space<vmem>>
      tpu.enqueue_dma source(%dma_start3A_117 : memref<80x16xf32, #tpu.memory_space<vmem>>) target(%dma_start3A_114 : memref<80x16xf32, #tpu.memory_space<vmem_shared>>) target_semaphore(%run_scoped3A : memref<!tpu.dma_semaphore, #tpu.memory_space<semaphore_mem>>)
      %dma_wait3A = arith.constant 0 : i32
      %dma_wait3A_118 = arith.constant 0 : i32
      %dma_wait3A_119 = tpu.memref_slice %arg16[%dma_wait3A, %dma_wait3A_118] : memref<80x128xf32, #tpu.memory_space<vmem>> -> memref<80x16xf32, #tpu.memory_space<vmem>>
      %dma_wait3A_120 = arith.constant 0 : i32
      %dma_wait3A_121 = tpu.memref_slice %arg21[%add3A_25, %dma_wait3A_120] : memref<10000x16xf32, #tpu.memory_space<vmem_shared>> -> memref<80x16xf32, #tpu.memory_space<vmem_shared>>
      %dma_wait3A_122 = arith.constant 0 : i32
      %dma_wait3A_123 = tpu.memref_slice %arg21[%add3A_25, %dma_wait3A_122] : memref<10000x16xf32, #tpu.memory_space<vmem_shared>> -> memref<80x16xf32, #tpu.memory_space<vmem_shared>>
      %dma_wait3A_124 = arith.constant 0 : i32
      %dma_wait3A_125 = arith.constant 0 : i32
      %dma_wait3A_126 = tpu.memref_slice %arg16[%dma_wait3A_124, %dma_wait3A_125] : memref<80x128xf32, #tpu.memory_space<vmem>> -> memref<80x16xf32, #tpu.memory_space<vmem>>
      tpu.wait_dma2 semaphore(%run_scoped3A : memref<!tpu.dma_semaphore, #tpu.memory_space<semaphore_mem>>) src(%dma_wait3A_126 : memref<80x16xf32, #tpu.memory_space<vmem>>) dst(%dma_wait3A_123 : memref<80x16xf32, #tpu.memory_space<vmem_shared>>)
      tpu.yield
    }) : () -> ()
    %add3A_26 = arith.constant 400 : i32
    %add3A_27 = arith.addi %mul3A_0, %add3A_26 : i32
    "tpu.region"() ({
      %run_scoped3A = tpu.sem_alloc : memref<!tpu.dma_semaphore, #tpu.memory_space<semaphore_mem>>
      %dma_start3A = arith.constant 0 : i32
      %dma_start3A_109 = tpu.memref_slice %arg20[%add3A_27, %dma_start3A] : memref<10000x128xf32, #tpu.memory_space<vmem_shared>> -> memref<80x128xf32, #tpu.memory_space<vmem_shared>>
      %dma_start3A_110 = arith.constant 0 : i32
      %dma_start3A_111 = tpu.memref_slice %arg20[%add3A_27, %dma_start3A_110] : memref<10000x128xf32, #tpu.memory_space<vmem_shared>> -> memref<80x128xf32, #tpu.memory_space<vmem_shared>>
      tpu.enqueue_dma source(%arg16 : memref<80x128xf32, #tpu.memory_space<vmem>>) target(%dma_start3A_111 : memref<80x128xf32, #tpu.memory_space<vmem_shared>>) target_semaphore(%run_scoped3A : memref<!tpu.dma_semaphore, #tpu.memory_space<semaphore_mem>>)
      %dma_wait3A = arith.constant 0 : i32
      %dma_wait3A_112 = tpu.memref_slice %arg20[%add3A_27, %dma_wait3A] : memref<10000x128xf32, #tpu.memory_space<vmem_shared>> -> memref<80x128xf32, #tpu.memory_space<vmem_shared>>
      %dma_wait3A_113 = arith.constant 0 : i32
      %dma_wait3A_114 = tpu.memref_slice %arg20[%add3A_27, %dma_wait3A_113] : memref<10000x128xf32, #tpu.memory_space<vmem_shared>> -> memref<80x128xf32, #tpu.memory_space<vmem_shared>>
      tpu.wait_dma2 semaphore(%run_scoped3A : memref<!tpu.dma_semaphore, #tpu.memory_space<semaphore_mem>>) src(%arg16 : memref<80x128xf32, #tpu.memory_space<vmem>>) dst(%dma_wait3A_114 : memref<80x128xf32, #tpu.memory_space<vmem_shared>>)
      tpu.yield
    }) : () -> ()
    %add3A_28 = arith.constant 400 : i32
    %add3A_29 = arith.addi %mul3A_0, %add3A_28 : i32
    "tpu.region"() ({
      %run_scoped3A = tpu.sem_alloc : memref<!tpu.dma_semaphore, #tpu.memory_space<semaphore_mem>>
      %dma_start3A = arith.constant 0 : i32
      %dma_start3A_109 = arith.constant 0 : i32
      %dma_start3A_110 = tpu.memref_slice %arg16[%dma_start3A, %dma_start3A_109] : memref<80x128xf32, #tpu.memory_space<vmem>> -> memref<80x16xf32, #tpu.memory_space<vmem>>
      %dma_start3A_111 = arith.constant 0 : i32
      %dma_start3A_112 = tpu.memref_slice %arg21[%add3A_29, %dma_start3A_111] : memref<10000x16xf32, #tpu.memory_space<vmem_shared>> -> memref<80x16xf32, #tpu.memory_space<vmem_shared>>
      %dma_start3A_113 = arith.constant 0 : i32
      %dma_start3A_114 = tpu.memref_slice %arg21[%add3A_29, %dma_start3A_113] : memref<10000x16xf32, #tpu.memory_space<vmem_shared>> -> memref<80x16xf32, #tpu.memory_space<vmem_shared>>
      %dma_start3A_115 = arith.constant 0 : i32
      %dma_start3A_116 = arith.constant 0 : i32
      %dma_start3A_117 = tpu.memref_slice %arg16[%dma_start3A_115, %dma_start3A_116] : memref<80x128xf32, #tpu.memory_space<vmem>> -> memref<80x16xf32, #tpu.memory_space<vmem>>
      tpu.enqueue_dma source(%dma_start3A_117 : memref<80x16xf32, #tpu.memory_space<vmem>>) target(%dma_start3A_114 : memref<80x16xf32, #tpu.memory_space<vmem_shared>>) target_semaphore(%run_scoped3A : memref<!tpu.dma_semaphore, #tpu.memory_space<semaphore_mem>>)
      %dma_wait3A = arith.constant 0 : i32
      %dma_wait3A_118 = arith.constant 0 : i32
      %dma_wait3A_119 = tpu.memref_slice %arg16[%dma_wait3A, %dma_wait3A_118] : memref<80x128xf32, #tpu.memory_space<vmem>> -> memref<80x16xf32, #tpu.memory_space<vmem>>
      %dma_wait3A_120 = arith.constant 0 : i32
      %dma_wait3A_121 = tpu.memref_slice %arg21[%add3A_29, %dma_wait3A_120] : memref<10000x16xf32, #tpu.memory_space<vmem_shared>> -> memref<80x16xf32, #tpu.memory_space<vmem_shared>>
      %dma_wait3A_122 = arith.constant 0 : i32
      %dma_wait3A_123 = tpu.memref_slice %arg21[%add3A_29, %dma_wait3A_122] : memref<10000x16xf32, #tpu.memory_space<vmem_shared>> -> memref<80x16xf32, #tpu.memory_space<vmem_shared>>
      %dma_wait3A_124 = arith.constant 0 : i32
      %dma_wait3A_125 = arith.constant 0 : i32
      %dma_wait3A_126 = tpu.memref_slice %arg16[%dma_wait3A_124, %dma_wait3A_125] : memref<80x128xf32, #tpu.memory_space<vmem>> -> memref<80x16xf32, #tpu.memory_space<vmem>>
      tpu.wait_dma2 semaphore(%run_scoped3A : memref<!tpu.dma_semaphore, #tpu.memory_space<semaphore_mem>>) src(%dma_wait3A_126 : memref<80x16xf32, #tpu.memory_space<vmem>>) dst(%dma_wait3A_123 : memref<80x16xf32, #tpu.memory_space<vmem_shared>>)
      tpu.yield
    }) : () -> ()
    %add3A_30 = arith.constant 480 : i32
    %add3A_31 = arith.addi %mul3A_0, %add3A_30 : i32
    "tpu.region"() ({
      %run_scoped3A = tpu.sem_alloc : memref<!tpu.dma_semaphore, #tpu.memory_space<semaphore_mem>>
      %dma_start3A = arith.constant 0 : i32
      %dma_start3A_109 = tpu.memref_slice %arg20[%add3A_31, %dma_start3A] : memref<10000x128xf32, #tpu.memory_space<vmem_shared>> -> memref<80x128xf32, #tpu.memory_space<vmem_shared>>
      %dma_start3A_110 = arith.constant 0 : i32
      %dma_start3A_111 = tpu.memref_slice %arg20[%add3A_31, %dma_start3A_110] : memref<10000x128xf32, #tpu.memory_space<vmem_shared>> -> memref<80x128xf32, #tpu.memory_space<vmem_shared>>
      tpu.enqueue_dma source(%arg16 : memref<80x128xf32, #tpu.memory_space<vmem>>) target(%dma_start3A_111 : memref<80x128xf32, #tpu.memory_space<vmem_shared>>) target_semaphore(%run_scoped3A : memref<!tpu.dma_semaphore, #tpu.memory_space<semaphore_mem>>)
      %dma_wait3A = arith.constant 0 : i32
      %dma_wait3A_112 = tpu.memref_slice %arg20[%add3A_31, %dma_wait3A] : memref<10000x128xf32, #tpu.memory_space<vmem_shared>> -> memref<80x128xf32, #tpu.memory_space<vmem_shared>>
      %dma_wait3A_113 = arith.constant 0 : i32
      %dma_wait3A_114 = tpu.memref_slice %arg20[%add3A_31, %dma_wait3A_113] : memref<10000x128xf32, #tpu.memory_space<vmem_shared>> -> memref<80x128xf32, #tpu.memory_space<vmem_shared>>
      tpu.wait_dma2 semaphore(%run_scoped3A : memref<!tpu.dma_semaphore, #tpu.memory_space<semaphore_mem>>) src(%arg16 : memref<80x128xf32, #tpu.memory_space<vmem>>) dst(%dma_wait3A_114 : memref<80x128xf32, #tpu.memory_space<vmem_shared>>)
      tpu.yield
    }) : () -> ()
    %add3A_32 = arith.constant 480 : i32
    %add3A_33 = arith.addi %mul3A_0, %add3A_32 : i32
    "tpu.region"() ({
      %run_scoped3A = tpu.sem_alloc : memref<!tpu.dma_semaphore, #tpu.memory_space<semaphore_mem>>
      %dma_start3A = arith.constant 0 : i32
      %dma_start3A_109 = arith.constant 0 : i32
      %dma_start3A_110 = tpu.memref_slice %arg16[%dma_start3A, %dma_start3A_109] : memref<80x128xf32, #tpu.memory_space<vmem>> -> memref<80x16xf32, #tpu.memory_space<vmem>>
      %dma_start3A_111 = arith.constant 0 : i32
      %dma_start3A_112 = tpu.memref_slice %arg21[%add3A_33, %dma_start3A_111] : memref<10000x16xf32, #tpu.memory_space<vmem_shared>> -> memref<80x16xf32, #tpu.memory_space<vmem_shared>>
      %dma_start3A_113 = arith.constant 0 : i32
      %dma_start3A_114 = tpu.memref_slice %arg21[%add3A_33, %dma_start3A_113] : memref<10000x16xf32, #tpu.memory_space<vmem_shared>> -> memref<80x16xf32, #tpu.memory_space<vmem_shared>>
      %dma_start3A_115 = arith.constant 0 : i32
      %dma_start3A_116 = arith.constant 0 : i32
      %dma_start3A_117 = tpu.memref_slice %arg16[%dma_start3A_115, %dma_start3A_116] : memref<80x128xf32, #tpu.memory_space<vmem>> -> memref<80x16xf32, #tpu.memory_space<vmem>>
      tpu.enqueue_dma source(%dma_start3A_117 : memref<80x16xf32, #tpu.memory_space<vmem>>) target(%dma_start3A_114 : memref<80x16xf32, #tpu.memory_space<vmem_shared>>) target_semaphore(%run_scoped3A : memref<!tpu.dma_semaphore, #tpu.memory_space<semaphore_mem>>)
      %dma_wait3A = arith.constant 0 : i32
      %dma_wait3A_118 = arith.constant 0 : i32
      %dma_wait3A_119 = tpu.memref_slice %arg16[%dma_wait3A, %dma_wait3A_118] : memref<80x128xf32, #tpu.memory_space<vmem>> -> memref<80x16xf32, #tpu.memory_space<vmem>>
      %dma_wait3A_120 = arith.constant 0 : i32
      %dma_wait3A_121 = tpu.memref_slice %arg21[%add3A_33, %dma_wait3A_120] : memref<10000x16xf32, #tpu.memory_space<vmem_shared>> -> memref<80x16xf32, #tpu.memory_space<vmem_shared>>
      %dma_wait3A_122 = arith.constant 0 : i32
      %dma_wait3A_123 = tpu.memref_slice %arg21[%add3A_33, %dma_wait3A_122] : memref<10000x16xf32, #tpu.memory_space<vmem_shared>> -> memref<80x16xf32, #tpu.memory_space<vmem_shared>>
      %dma_wait3A_124 = arith.constant 0 : i32
      %dma_wait3A_125 = arith.constant 0 : i32
      %dma_wait3A_126 = tpu.memref_slice %arg16[%dma_wait3A_124, %dma_wait3A_125] : memref<80x128xf32, #tpu.memory_space<vmem>> -> memref<80x16xf32, #tpu.memory_space<vmem>>
      tpu.wait_dma2 semaphore(%run_scoped3A : memref<!tpu.dma_semaphore, #tpu.memory_space<semaphore_mem>>) src(%dma_wait3A_126 : memref<80x16xf32, #tpu.memory_space<vmem>>) dst(%dma_wait3A_123 : memref<80x16xf32, #tpu.memory_space<vmem_shared>>)
      tpu.yield
    }) : () -> ()
    %add3A_34 = arith.constant 560 : i32
    %add3A_35 = arith.addi %mul3A_0, %add3A_34 : i32
    "tpu.region"() ({
      %run_scoped3A = tpu.sem_alloc : memref<!tpu.dma_semaphore, #tpu.memory_space<semaphore_mem>>
      %dma_start3A = arith.constant 0 : i32
      %dma_start3A_109 = arith.constant 0 : i32
      %dma_start3A_110 = tpu.memref_slice %arg16[%dma_start3A, %dma_start3A_109] : memref<80x128xf32, #tpu.memory_space<vmem>> -> memref<65x128xf32, #tpu.memory_space<vmem>>
      %dma_start3A_111 = arith.constant 0 : i32
      %dma_start3A_112 = tpu.memref_slice %arg20[%add3A_35, %dma_start3A_111] : memref<10000x128xf32, #tpu.memory_space<vmem_shared>> -> memref<65x128xf32, #tpu.memory_space<vmem_shared>>
      %dma_start3A_113 = arith.constant 0 : i32
      %dma_start3A_114 = tpu.memref_slice %arg20[%add3A_35, %dma_start3A_113] : memref<10000x128xf32, #tpu.memory_space<vmem_shared>> -> memref<65x128xf32, #tpu.memory_space<vmem_shared>>
      %dma_start3A_115 = arith.constant 0 : i32
      %dma_start3A_116 = arith.constant 0 : i32
      %dma_start3A_117 = tpu.memref_slice %arg16[%dma_start3A_115, %dma_start3A_116] : memref<80x128xf32, #tpu.memory_space<vmem>> -> memref<65x128xf32, #tpu.memory_space<vmem>>
      tpu.enqueue_dma source(%dma_start3A_117 : memref<65x128xf32, #tpu.memory_space<vmem>>) target(%dma_start3A_114 : memref<65x128xf32, #tpu.memory_space<vmem_shared>>) target_semaphore(%run_scoped3A : memref<!tpu.dma_semaphore, #tpu.memory_space<semaphore_mem>>)
      %dma_wait3A = arith.constant 0 : i32
      %dma_wait3A_118 = arith.constant 0 : i32
      %dma_wait3A_119 = tpu.memref_slice %arg16[%dma_wait3A, %dma_wait3A_118] : memref<80x128xf32, #tpu.memory_space<vmem>> -> memref<65x128xf32, #tpu.memory_space<vmem>>
      %dma_wait3A_120 = arith.constant 0 : i32
      %dma_wait3A_121 = tpu.memref_slice %arg20[%add3A_35, %dma_wait3A_120] : memref<10000x128xf32, #tpu.memory_space<vmem_shared>> -> memref<65x128xf32, #tpu.memory_space<vmem_shared>>
      %dma_wait3A_122 = arith.constant 0 : i32
      %dma_wait3A_123 = tpu.memref_slice %arg20[%add3A_35, %dma_wait3A_122] : memref<10000x128xf32, #tpu.memory_space<vmem_shared>> -> memref<65x128xf32, #tpu.memory_space<vmem_shared>>
      %dma_wait3A_124 = arith.constant 0 : i32
      %dma_wait3A_125 = arith.constant 0 : i32
      %dma_wait3A_126 = tpu.memref_slice %arg16[%dma_wait3A_124, %dma_wait3A_125] : memref<80x128xf32, #tpu.memory_space<vmem>> -> memref<65x128xf32, #tpu.memory_space<vmem>>
      tpu.wait_dma2 semaphore(%run_scoped3A : memref<!tpu.dma_semaphore, #tpu.memory_space<semaphore_mem>>) src(%dma_wait3A_126 : memref<65x128xf32, #tpu.memory_space<vmem>>) dst(%dma_wait3A_123 : memref<65x128xf32, #tpu.memory_space<vmem_shared>>)
      tpu.yield
    }) : () -> ()
    %add3A_36 = arith.constant 560 : i32
    %add3A_37 = arith.addi %mul3A_0, %add3A_36 : i32
    "tpu.region"() ({
      %run_scoped3A = tpu.sem_alloc : memref<!tpu.dma_semaphore, #tpu.memory_space<semaphore_mem>>
      %dma_start3A = arith.constant 0 : i32
      %dma_start3A_109 = arith.constant 0 : i32
      %dma_start3A_110 = tpu.memref_slice %arg16[%dma_start3A, %dma_start3A_109] : memref<80x128xf32, #tpu.memory_space<vmem>> -> memref<65x16xf32, #tpu.memory_space<vmem>>
      %dma_start3A_111 = arith.constant 0 : i32
      %dma_start3A_112 = tpu.memref_slice %arg21[%add3A_37, %dma_start3A_111] : memref<10000x16xf32, #tpu.memory_space<vmem_shared>> -> memref<65x16xf32, #tpu.memory_space<vmem_shared>>
      %dma_start3A_113 = arith.constant 0 : i32
      %dma_start3A_114 = tpu.memref_slice %arg21[%add3A_37, %dma_start3A_113] : memref<10000x16xf32, #tpu.memory_space<vmem_shared>> -> memref<65x16xf32, #tpu.memory_space<vmem_shared>>
      %dma_start3A_115 = arith.constant 0 : i32
      %dma_start3A_116 = arith.constant 0 : i32
      %dma_start3A_117 = tpu.memref_slice %arg16[%dma_start3A_115, %dma_start3A_116] : memref<80x128xf32, #tpu.memory_space<vmem>> -> memref<65x16xf32, #tpu.memory_space<vmem>>
      tpu.enqueue_dma source(%dma_start3A_117 : memref<65x16xf32, #tpu.memory_space<vmem>>) target(%dma_start3A_114 : memref<65x16xf32, #tpu.memory_space<vmem_shared>>) target_semaphore(%run_scoped3A : memref<!tpu.dma_semaphore, #tpu.memory_space<semaphore_mem>>)
      %dma_wait3A = arith.constant 0 : i32
      %dma_wait3A_118 = arith.constant 0 : i32
      %dma_wait3A_119 = tpu.memref_slice %arg16[%dma_wait3A, %dma_wait3A_118] : memref<80x128xf32, #tpu.memory_space<vmem>> -> memref<65x16xf32, #tpu.memory_space<vmem>>
      %dma_wait3A_120 = arith.constant 0 : i32
      %dma_wait3A_121 = tpu.memref_slice %arg21[%add3A_37, %dma_wait3A_120] : memref<10000x16xf32, #tpu.memory_space<vmem_shared>> -> memref<65x16xf32, #tpu.memory_space<vmem_shared>>
      %dma_wait3A_122 = arith.constant 0 : i32
      %dma_wait3A_123 = tpu.memref_slice %arg21[%add3A_37, %dma_wait3A_122] : memref<10000x16xf32, #tpu.memory_space<vmem_shared>> -> memref<65x16xf32, #tpu.memory_space<vmem_shared>>
      %dma_wait3A_124 = arith.constant 0 : i32
      %dma_wait3A_125 = arith.constant 0 : i32
      %dma_wait3A_126 = tpu.memref_slice %arg16[%dma_wait3A_124, %dma_wait3A_125] : memref<80x128xf32, #tpu.memory_space<vmem>> -> memref<65x16xf32, #tpu.memory_space<vmem>>
      tpu.wait_dma2 semaphore(%run_scoped3A : memref<!tpu.dma_semaphore, #tpu.memory_space<semaphore_mem>>) src(%dma_wait3A_126 : memref<65x16xf32, #tpu.memory_space<vmem>>) dst(%dma_wait3A_123 : memref<65x16xf32, #tpu.memory_space<vmem_shared>>)
      tpu.yield
    }) : () -> ()
    "tpu.region"() ({
      %run_scoped3A = tpu.sem_alloc : memref<!tpu.dma_semaphore, #tpu.memory_space<semaphore_mem>>
      tpu.enqueue_dma source(%arg5 : memref<80x16xf32, #tpu.memory_space<hbm>>) target(%arg19 : memref<80x16xf32, #tpu.memory_space<vmem>>) target_semaphore(%run_scoped3A : memref<!tpu.dma_semaphore, #tpu.memory_space<semaphore_mem>>)
      tpu.wait_dma2 semaphore(%run_scoped3A : memref<!tpu.dma_semaphore, #tpu.memory_space<semaphore_mem>>) src(%arg5 : memref<80x16xf32, #tpu.memory_space<hbm>>) dst(%arg19 : memref<80x16xf32, #tpu.memory_space<vmem>>)
      tpu.yield
    }) : () -> ()
    %barrier3A = arith.constant 0 : index
    tpu.barrier barrier_id(%barrier3A)
    %mul3A_38 = arith.constant 320000 : i32
    %mul3A_39 = arith.muli %arg0, %mul3A_38 : i32
    %add3A_40 = arith.constant 0 : i32
    %add3A_41 = arith.addi %add3A_40, %arg1 : i32
    %lt3A = arith.constant 4000 : i32
    %lt3A_42 = arith.cmpi slt, %add3A_41, %lt3A : i32
    %and3A = arith.constant true
    %and3A_43 = arith.andi %and3A, %lt3A_42 : i1
    %convert_element_type3A = arith.extui %and3A_43 : i1 to i32
    %cond3A = arith.constant 0 : i32
    %cond3A_44 = arith.cmpi ne, %convert_element_type3A, %cond3A : i32
    scf.if %cond3A_44 {
      %add3A_109 = arith.constant 0 : i32
      %add3A_110 = arith.addi %add3A_109, %arg1 : i32
      %mul3A_111 = arith.constant 80 : i32
      %mul3A_112 = arith.muli %add3A_110, %mul3A_111 : i32
      %add3A_113 = arith.addi %mul3A_39, %mul3A_112 : i32
      %dma_start3A = tpu.memref_slice %arg3[%add3A_113] : memref<640000xi32, #tpu.memory_space<hbm>> -> memref<80xi32, #tpu.memory_space<hbm>>
      %dma_start3A_114 = tpu.memref_slice %arg3[%add3A_113] : memref<640000xi32, #tpu.memory_space<hbm>> -> memref<80xi32, #tpu.memory_space<hbm>>
      tpu.enqueue_dma source(%dma_start3A_114 : memref<80xi32, #tpu.memory_space<hbm>>) target(%arg8 : memref<80xi32, #tpu.memory_space<vmem>>) target_semaphore(%arg22 : memref<!tpu.dma_semaphore, #tpu.memory_space<semaphore_mem>>)
      %dma_start3A_115 = tpu.memref_slice %arg4[%add3A_113] : memref<640000xi32, #tpu.memory_space<hbm>> -> memref<80xi32, #tpu.memory_space<hbm>>
      %dma_start3A_116 = tpu.memref_slice %arg4[%add3A_113] : memref<640000xi32, #tpu.memory_space<hbm>> -> memref<80xi32, #tpu.memory_space<hbm>>
      tpu.enqueue_dma source(%dma_start3A_116 : memref<80xi32, #tpu.memory_space<hbm>>) target(%arg12 : memref<80xi32, #tpu.memory_space<vmem>>) target_semaphore(%arg22 : memref<!tpu.dma_semaphore, #tpu.memory_space<semaphore_mem>>)
    } else {
    }
    %add3A_45 = arith.constant 16 : i32
    %add3A_46 = arith.addi %add3A_45, %arg1 : i32
    %lt3A_47 = arith.constant 4000 : i32
    %lt3A_48 = arith.cmpi slt, %add3A_46, %lt3A_47 : i32
    %and3A_49 = arith.constant true
    %and3A_50 = arith.andi %and3A_49, %lt3A_48 : i1
    %convert_element_type3A_51 = arith.extui %and3A_50 : i1 to i32
    %cond3A_52 = arith.constant 0 : i32
    %cond3A_53 = arith.cmpi ne, %convert_element_type3A_51, %cond3A_52 : i32
    scf.if %cond3A_53 {
      %add3A_109 = arith.constant 16 : i32
      %add3A_110 = arith.addi %add3A_109, %arg1 : i32
      %mul3A_111 = arith.constant 80 : i32
      %mul3A_112 = arith.muli %add3A_110, %mul3A_111 : i32
      %add3A_113 = arith.addi %mul3A_39, %mul3A_112 : i32
      %dma_start3A = tpu.memref_slice %arg3[%add3A_113] : memref<640000xi32, #tpu.memory_space<hbm>> -> memref<80xi32, #tpu.memory_space<hbm>>
      %dma_start3A_114 = tpu.memref_slice %arg3[%add3A_113] : memref<640000xi32, #tpu.memory_space<hbm>> -> memref<80xi32, #tpu.memory_space<hbm>>
      tpu.enqueue_dma source(%dma_start3A_114 : memref<80xi32, #tpu.memory_space<hbm>>) target(%arg9 : memref<80xi32, #tpu.memory_space<vmem>>) target_semaphore(%arg23 : memref<!tpu.dma_semaphore, #tpu.memory_space<semaphore_mem>>)
      %dma_start3A_115 = tpu.memref_slice %arg4[%add3A_113] : memref<640000xi32, #tpu.memory_space<hbm>> -> memref<80xi32, #tpu.memory_space<hbm>>
      %dma_start3A_116 = tpu.memref_slice %arg4[%add3A_113] : memref<640000xi32, #tpu.memory_space<hbm>> -> memref<80xi32, #tpu.memory_space<hbm>>
      tpu.enqueue_dma source(%dma_start3A_116 : memref<80xi32, #tpu.memory_space<hbm>>) target(%arg13 : memref<80xi32, #tpu.memory_space<vmem>>) target_semaphore(%arg23 : memref<!tpu.dma_semaphore, #tpu.memory_space<semaphore_mem>>)
    } else {
    }
    %add3A_54 = arith.constant 32 : i32
    %add3A_55 = arith.addi %add3A_54, %arg1 : i32
    %lt3A_56 = arith.constant 4000 : i32
    %lt3A_57 = arith.cmpi slt, %add3A_55, %lt3A_56 : i32
    %and3A_58 = arith.constant true
    %and3A_59 = arith.andi %and3A_58, %lt3A_57 : i1
    %convert_element_type3A_60 = arith.extui %and3A_59 : i1 to i32
    %cond3A_61 = arith.constant 0 : i32
    %cond3A_62 = arith.cmpi ne, %convert_element_type3A_60, %cond3A_61 : i32
    scf.if %cond3A_62 {
      %add3A_109 = arith.constant 32 : i32
      %add3A_110 = arith.addi %add3A_109, %arg1 : i32
      %mul3A_111 = arith.constant 80 : i32
      %mul3A_112 = arith.muli %add3A_110, %mul3A_111 : i32
      %add3A_113 = arith.addi %mul3A_39, %mul3A_112 : i32
      %dma_start3A = tpu.memref_slice %arg3[%add3A_113] : memref<640000xi32, #tpu.memory_space<hbm>> -> memref<80xi32, #tpu.memory_space<hbm>>
      %dma_start3A_114 = tpu.memref_slice %arg3[%add3A_113] : memref<640000xi32, #tpu.memory_space<hbm>> -> memref<80xi32, #tpu.memory_space<hbm>>
      tpu.enqueue_dma source(%dma_start3A_114 : memref<80xi32, #tpu.memory_space<hbm>>) target(%arg10 : memref<80xi32, #tpu.memory_space<vmem>>) target_semaphore(%arg24 : memref<!tpu.dma_semaphore, #tpu.memory_space<semaphore_mem>>)
      %dma_start3A_115 = tpu.memref_slice %arg4[%add3A_113] : memref<640000xi32, #tpu.memory_space<hbm>> -> memref<80xi32, #tpu.memory_space<hbm>>
      %dma_start3A_116 = tpu.memref_slice %arg4[%add3A_113] : memref<640000xi32, #tpu.memory_space<hbm>> -> memref<80xi32, #tpu.memory_space<hbm>>
      tpu.enqueue_dma source(%dma_start3A_116 : memref<80xi32, #tpu.memory_space<hbm>>) target(%arg14 : memref<80xi32, #tpu.memory_space<vmem>>) target_semaphore(%arg24 : memref<!tpu.dma_semaphore, #tpu.memory_space<semaphore_mem>>)
    } else {
    }
    %add3A_63 = arith.constant 0 : i32
    %add3A_64 = arith.addi %add3A_63, %arg1 : i32
    %lt3A_65 = arith.constant 4000 : i32
    %lt3A_66 = arith.cmpi slt, %add3A_64, %lt3A_65 : i32
    %and3A_67 = arith.constant true
    %and3A_68 = arith.andi %and3A_67, %lt3A_66 : i1
    %convert_element_type3A_69 = arith.extui %and3A_68 : i1 to i32
    %cond3A_70 = arith.constant 0 : i32
    %cond3A_71 = arith.cmpi ne, %convert_element_type3A_69, %cond3A_70 : i32
    scf.if %cond3A_71 {
      %add3A_109 = arith.constant 0 : i32
      %add3A_110 = arith.addi %add3A_109, %arg1 : i32
      %mul3A_111 = arith.constant 80 : i32
      %mul3A_112 = arith.muli %add3A_110, %mul3A_111 : i32
      %add3A_113 = arith.addi %mul3A_39, %mul3A_112 : i32
      %dma_wait3A = tpu.memref_slice %arg3[%add3A_113] : memref<640000xi32, #tpu.memory_space<hbm>> -> memref<80xi32, #tpu.memory_space<hbm>>
      %dma_wait3A_114 = tpu.memref_slice %arg3[%add3A_113] : memref<640000xi32, #tpu.memory_space<hbm>> -> memref<80xi32, #tpu.memory_space<hbm>>
      tpu.wait_dma2 semaphore(%arg22 : memref<!tpu.dma_semaphore, #tpu.memory_space<semaphore_mem>>) src(%dma_wait3A_114 : memref<80xi32, #tpu.memory_space<hbm>>) dst(%arg8 : memref<80xi32, #tpu.memory_space<vmem>>)
      %dma_wait3A_115 = tpu.memref_slice %arg4[%add3A_113] : memref<640000xi32, #tpu.memory_space<hbm>> -> memref<80xi32, #tpu.memory_space<hbm>>
      %dma_wait3A_116 = tpu.memref_slice %arg4[%add3A_113] : memref<640000xi32, #tpu.memory_space<hbm>> -> memref<80xi32, #tpu.memory_space<hbm>>
      tpu.wait_dma2 semaphore(%arg22 : memref<!tpu.dma_semaphore, #tpu.memory_space<semaphore_mem>>) src(%dma_wait3A_116 : memref<80xi32, #tpu.memory_space<hbm>>) dst(%arg12 : memref<80xi32, #tpu.memory_space<vmem>>)
    } else {
    }
    %add3A_72 = arith.constant 0 : i32
    %add3A_73 = arith.addi %add3A_72, %arg1 : i32
    %lt3A_74 = arith.constant 4000 : i32
    %lt3A_75 = arith.cmpi slt, %add3A_73, %lt3A_74 : i32
    %and3A_76 = arith.constant true
    %and3A_77 = arith.andi %and3A_76, %lt3A_75 : i1
    %convert_element_type3A_78 = arith.extui %and3A_77 : i1 to i32
    %cond3A_79 = arith.constant 0 : i32
    %cond3A_80 = arith.cmpi ne, %convert_element_type3A_78, %cond3A_79 : i32
    scf.if %cond3A_80 {
      %dma_start3A = arith.constant 0 : i32
      %dma_start3A_109 = arith.constant 0 : i32
      %dma_start3A_110 = tpu.memref_slice %arg2[%dma_start3A, %dma_start3A_109] : memref<20000x128xf32, #tpu.memory_space<hbm>> -> memref<20000x128xf32, #tpu.memory_space<hbm>>
      tpu.enqueue_indirect_dma source(%dma_start3A_110 : memref<20000x128xf32, #tpu.memory_space<hbm>>) target(%arg16 : memref<80x128xf32, #tpu.memory_space<vmem>>) offsets(%arg8 : memref<80xi32, #tpu.memory_space<vmem>>) semaphore(%arg26 : memref<!tpu.dma_semaphore, #tpu.memory_space<semaphore_mem>>)
    } else {
    }
    %add3A_81 = arith.constant 16 : i32
    %add3A_82 = arith.addi %add3A_81, %arg1 : i32
    %lt3A_83 = arith.constant 4000 : i32
    %lt3A_84 = arith.cmpi slt, %add3A_82, %lt3A_83 : i32
    %and3A_85 = arith.constant true
    %and3A_86 = arith.andi %and3A_85, %lt3A_84 : i1
    %convert_element_type3A_87 = arith.extui %and3A_86 : i1 to i32
    %cond3A_88 = arith.constant 0 : i32
    %cond3A_89 = arith.cmpi ne, %convert_element_type3A_87, %cond3A_88 : i32
    scf.if %cond3A_89 {
      %add3A_109 = arith.constant 16 : i32
      %add3A_110 = arith.addi %add3A_109, %arg1 : i32
      %mul3A_111 = arith.constant 80 : i32
      %mul3A_112 = arith.muli %add3A_110, %mul3A_111 : i32
      %add3A_113 = arith.addi %mul3A_39, %mul3A_112 : i32
      %dma_wait3A = tpu.memref_slice %arg3[%add3A_113] : memref<640000xi32, #tpu.memory_space<hbm>> -> memref<80xi32, #tpu.memory_space<hbm>>
      %dma_wait3A_114 = tpu.memref_slice %arg3[%add3A_113] : memref<640000xi32, #tpu.memory_space<hbm>> -> memref<80xi32, #tpu.memory_space<hbm>>
      tpu.wait_dma2 semaphore(%arg23 : memref<!tpu.dma_semaphore, #tpu.memory_space<semaphore_mem>>) src(%dma_wait3A_114 : memref<80xi32, #tpu.memory_space<hbm>>) dst(%arg9 : memref<80xi32, #tpu.memory_space<vmem>>)
      %dma_wait3A_115 = tpu.memref_slice %arg4[%add3A_113] : memref<640000xi32, #tpu.memory_space<hbm>> -> memref<80xi32, #tpu.memory_space<hbm>>
      %dma_wait3A_116 = tpu.memref_slice %arg4[%add3A_113] : memref<640000xi32, #tpu.memory_space<hbm>> -> memref<80xi32, #tpu.memory_space<hbm>>
      tpu.wait_dma2 semaphore(%arg23 : memref<!tpu.dma_semaphore, #tpu.memory_space<semaphore_mem>>) src(%dma_wait3A_116 : memref<80xi32, #tpu.memory_space<hbm>>) dst(%arg13 : memref<80xi32, #tpu.memory_space<vmem>>)
    } else {
    }
    %add3A_90 = arith.constant 16 : i32
    %add3A_91 = arith.addi %add3A_90, %arg1 : i32
    %lt3A_92 = arith.constant 4000 : i32
    %lt3A_93 = arith.cmpi slt, %add3A_91, %lt3A_92 : i32
    %and3A_94 = arith.constant true
    %and3A_95 = arith.andi %and3A_94, %lt3A_93 : i1
    %convert_element_type3A_96 = arith.extui %and3A_95 : i1 to i32
    %cond3A_97 = arith.constant 0 : i32
    %cond3A_98 = arith.cmpi ne, %convert_element_type3A_96, %cond3A_97 : i32
    scf.if %cond3A_98 {
      %dma_start3A = arith.constant 0 : i32
      %dma_start3A_109 = arith.constant 0 : i32
      %dma_start3A_110 = tpu.memref_slice %arg2[%dma_start3A, %dma_start3A_109] : memref<20000x128xf32, #tpu.memory_space<hbm>> -> memref<20000x128xf32, #tpu.memory_space<hbm>>
      tpu.enqueue_indirect_dma source(%dma_start3A_110 : memref<20000x128xf32, #tpu.memory_space<hbm>>) target(%arg17 : memref<80x128xf32, #tpu.memory_space<vmem>>) offsets(%arg9 : memref<80xi32, #tpu.memory_space<vmem>>) semaphore(%arg27 : memref<!tpu.dma_semaphore, #tpu.memory_space<semaphore_mem>>)
    } else {
    }
    %scan3A_99 = arith.constant 0 : i32
    %scan3A_100 = arith.constant 0 : i32
    %scan3A_101 = arith.constant 21 : i32
    %scan3A_102 = arith.addi %scan3A_100, %scan3A_101 : i32
    %scan3A_103 = arith.constant 1 : i32
    scf.for %scan3A_109 = %scan3A_100 to %scan3A_102 step %scan3A_103  : i32 {
      %mul3A_110 = arith.constant 12 : i32
      %mul3A_111 = arith.muli %scan3A_109, %mul3A_110 : i32
      %add3A_112 = arith.constant 0 : i32
      %add3A_113 = arith.addi %mul3A_111, %add3A_112 : i32
      %ge3A = arith.constant 0 : i32
      %ge3A_114 = arith.cmpi sge, %add3A_113, %ge3A : i32
      %mul3A_115 = arith.constant 16 : i32
      %mul3A_116 = arith.muli %add3A_113, %mul3A_115 : i32
      %add3A_117 = arith.addi %mul3A_116, %arg1 : i32
      %lt3A_118 = arith.constant 4000 : i32
      %lt3A_119 = arith.cmpi slt, %add3A_117, %lt3A_118 : i32
      %and3A_120 = arith.andi %ge3A_114, %lt3A_119 : i1
      %convert_element_type3A_121 = arith.extui %and3A_120 : i1 to i32
      %cond3A_122 = arith.constant 0 : i32
      %cond3A_123 = arith.cmpi ne, %convert_element_type3A_121, %cond3A_122 : i32
      scf.if %cond3A_123 {
        %dma_wait3A = arith.constant 0 : i32
        %dma_wait3A_1044 = arith.constant 0 : i32
        %dma_wait3A_1045 = tpu.memref_slice %arg2[%dma_wait3A, %dma_wait3A_1044] : memref<20000x128xf32, #tpu.memory_space<hbm>> -> memref<20000x128xf32, #tpu.memory_space<hbm>>
        tpu.wait_indirect_dma semaphore(%arg26 : memref<!tpu.dma_semaphore, #tpu.memory_space<semaphore_mem>>) src(%dma_wait3A_1045 : memref<20000x128xf32, #tpu.memory_space<hbm>>) dst(%arg16 : memref<80x128xf32, #tpu.memory_space<vmem>>)
      } else {
      }
      %ge3A_124 = arith.constant 0 : i32
      %ge3A_125 = arith.cmpi sge, %add3A_113, %ge3A_124 : i32
      %mul3A_126 = arith.constant 16 : i32
      %mul3A_127 = arith.muli %add3A_113, %mul3A_126 : i32
      %add3A_128 = arith.addi %mul3A_127, %arg1 : i32
      %lt3A_129 = arith.constant 4000 : i32
      %lt3A_130 = arith.cmpi slt, %add3A_128, %lt3A_129 : i32
      %and3A_131 = arith.andi %ge3A_125, %lt3A_130 : i1
      %convert_element_type3A_132 = arith.extui %and3A_131 : i1 to i32
      %cond3A_133 = arith.constant 0 : i32
      %cond3A_134 = arith.cmpi ne, %convert_element_type3A_132, %cond3A_133 : i32
      scf.if %cond3A_134 {
        %dma_start3A = arith.constant 0 : i32
        %dma_start3A_1044 = arith.constant 0 : i32
        %dma_start3A_1045 = tpu.memref_slice %arg20[%dma_start3A, %dma_start3A_1044] : memref<10000x128xf32, #tpu.memory_space<vmem_shared>> -> memref<10000x128xf32, #tpu.memory_space<vmem_shared>>
        tpu.enqueue_indirect_dma source(%arg16 : memref<80x128xf32, #tpu.memory_space<vmem>>) target(%dma_start3A_1045 : memref<10000x128xf32, #tpu.memory_space<vmem_shared>>) offsets(%arg12 : memref<80xi32, #tpu.memory_space<vmem>>) semaphore(%arg29 : memref<!tpu.dma_semaphore, #tpu.memory_space<semaphore_mem>>) {add = true}
        %dma_start3A_1046 = arith.constant 0 : i32
        %dma_start3A_1047 = arith.constant 0 : i32
        %dma_start3A_1048 = tpu.memref_slice %arg21[%dma_start3A_1046, %dma_start3A_1047] : memref<10000x16xf32, #tpu.memory_space<vmem_shared>> -> memref<10000x16xf32, #tpu.memory_space<vmem_shared>>
        tpu.enqueue_indirect_dma source(%arg19 : memref<80x16xf32, #tpu.memory_space<vmem>>) target(%dma_start3A_1048 : memref<10000x16xf32, #tpu.memory_space<vmem_shared>>) offsets(%arg12 : memref<80xi32, #tpu.memory_space<vmem>>) semaphore(%arg29 : memref<!tpu.dma_semaphore, #tpu.memory_space<semaphore_mem>>) {add = true}
      } else {
      }
      %sub3A = arith.constant 1 : i32
      %sub3A_135 = arith.subi %add3A_113, %sub3A : i32
      %ge3A_136 = arith.constant 0 : i32
      %ge3A_137 = arith.cmpi sge, %sub3A_135, %ge3A_136 : i32
      %mul3A_138 = arith.constant 16 : i32
      %mul3A_139 = arith.muli %sub3A_135, %mul3A_138 : i32
      %add3A_140 = arith.addi %mul3A_139, %arg1 : i32
      %lt3A_141 = arith.constant 4000 : i32
      %lt3A_142 = arith.cmpi slt, %add3A_140, %lt3A_141 : i32
      %and3A_143 = arith.andi %ge3A_137, %lt3A_142 : i1
      %convert_element_type3A_144 = arith.extui %and3A_143 : i1 to i32
      %cond3A_145 = arith.constant 0 : i32
      %cond3A_146 = arith.cmpi ne, %convert_element_type3A_144, %cond3A_145 : i32
      scf.if %cond3A_146 {
        %dma_wait3A = arith.constant 0 : i32
        %dma_wait3A_1044 = arith.constant 0 : i32
        %dma_wait3A_1045 = tpu.memref_slice %arg20[%dma_wait3A, %dma_wait3A_1044] : memref<10000x128xf32, #tpu.memory_space<vmem_shared>> -> memref<10000x128xf32, #tpu.memory_space<vmem_shared>>
        tpu.wait_indirect_dma semaphore(%arg31 : memref<!tpu.dma_semaphore, #tpu.memory_space<semaphore_mem>>) src(%arg18 : memref<80x128xf32, #tpu.memory_space<vmem>>) dst(%dma_wait3A_1045 : memref<10000x128xf32, #tpu.memory_space<vmem_shared>>)
        %dma_wait3A_1046 = arith.constant 0 : i32
        %dma_wait3A_1047 = arith.constant 0 : i32
        %dma_wait3A_1048 = tpu.memref_slice %arg21[%dma_wait3A_1046, %dma_wait3A_1047] : memref<10000x16xf32, #tpu.memory_space<vmem_shared>> -> memref<10000x16xf32, #tpu.memory_space<vmem_shared>>
        tpu.wait_indirect_dma semaphore(%arg31 : memref<!tpu.dma_semaphore, #tpu.memory_space<semaphore_mem>>) src(%arg19 : memref<80x16xf32, #tpu.memory_space<vmem>>) dst(%dma_wait3A_1048 : memref<10000x16xf32, #tpu.memory_space<vmem_shared>>)
      } else {
      }
      %add3A_147 = arith.constant 3 : i32
      %add3A_148 = arith.addi %add3A_113, %add3A_147 : i32
      %ge3A_149 = arith.constant 0 : i32
      %ge3A_150 = arith.cmpi sge, %add3A_148, %ge3A_149 : i32
      %mul3A_151 = arith.constant 16 : i32
      %mul3A_152 = arith.muli %add3A_148, %mul3A_151 : i32
      %add3A_153 = arith.addi %mul3A_152, %arg1 : i32
      %lt3A_154 = arith.constant 4000 : i32
      %lt3A_155 = arith.cmpi slt, %add3A_153, %lt3A_154 : i32
      %and3A_156 = arith.andi %ge3A_150, %lt3A_155 : i1
      %convert_element_type3A_157 = arith.extui %and3A_156 : i1 to i32
      %cond3A_158 = arith.constant 0 : i32
      %cond3A_159 = arith.cmpi ne, %convert_element_type3A_157, %cond3A_158 : i32
      scf.if %cond3A_159 {
        %mul3A_1044 = arith.constant 16 : i32
        %mul3A_1045 = arith.muli %add3A_148, %mul3A_1044 : i32
        %add3A_1046 = arith.addi %mul3A_1045, %arg1 : i32
        %mul3A_1047 = arith.constant 80 : i32
        %mul3A_1048 = arith.muli %add3A_1046, %mul3A_1047 : i32
        %add3A_1049 = arith.addi %mul3A_39, %mul3A_1048 : i32
        %dma_start3A = tpu.memref_slice %arg3[%add3A_1049] : memref<640000xi32, #tpu.memory_space<hbm>> -> memref<80xi32, #tpu.memory_space<hbm>>
        %dma_start3A_1050 = tpu.memref_slice %arg3[%add3A_1049] : memref<640000xi32, #tpu.memory_space<hbm>> -> memref<80xi32, #tpu.memory_space<hbm>>
        tpu.enqueue_dma source(%dma_start3A_1050 : memref<80xi32, #tpu.memory_space<hbm>>) target(%arg11 : memref<80xi32, #tpu.memory_space<vmem>>) target_semaphore(%arg25 : memref<!tpu.dma_semaphore, #tpu.memory_space<semaphore_mem>>)
        %dma_start3A_1051 = tpu.memref_slice %arg4[%add3A_1049] : memref<640000xi32, #tpu.memory_space<hbm>> -> memref<80xi32, #tpu.memory_space<hbm>>
        %dma_start3A_1052 = tpu.memref_slice %arg4[%add3A_1049] : memref<640000xi32, #tpu.memory_space<hbm>> -> memref<80xi32, #tpu.memory_space<hbm>>
        tpu.enqueue_dma source(%dma_start3A_1052 : memref<80xi32, #tpu.memory_space<hbm>>) target(%arg15 : memref<80xi32, #tpu.memory_space<vmem>>) target_semaphore(%arg25 : memref<!tpu.dma_semaphore, #tpu.memory_space<semaphore_mem>>)
      } else {
      }
      %add3A_160 = arith.constant 2 : i32
      %add3A_161 = arith.addi %add3A_113, %add3A_160 : i32
      %ge3A_162 = arith.constant 0 : i32
      %ge3A_163 = arith.cmpi sge, %add3A_161, %ge3A_162 : i32
      %mul3A_164 = arith.constant 16 : i32
      %mul3A_165 = arith.muli %add3A_161, %mul3A_164 : i32
      %add3A_166 = arith.addi %mul3A_165, %arg1 : i32
      %lt3A_167 = arith.constant 4000 : i32
      %lt3A_168 = arith.cmpi slt, %add3A_166, %lt3A_167 : i32
      %and3A_169 = arith.andi %ge3A_163, %lt3A_168 : i1
      %convert_element_type3A_170 = arith.extui %and3A_169 : i1 to i32
      %cond3A_171 = arith.constant 0 : i32
      %cond3A_172 = arith.cmpi ne, %convert_element_type3A_170, %cond3A_171 : i32
      scf.if %cond3A_172 {
        %mul3A_1044 = arith.constant 16 : i32
        %mul3A_1045 = arith.muli %add3A_161, %mul3A_1044 : i32
        %add3A_1046 = arith.addi %mul3A_1045, %arg1 : i32
        %mul3A_1047 = arith.constant 80 : i32
        %mul3A_1048 = arith.muli %add3A_1046, %mul3A_1047 : i32
        %add3A_1049 = arith.addi %mul3A_39, %mul3A_1048 : i32
        %dma_wait3A = tpu.memref_slice %arg3[%add3A_1049] : memref<640000xi32, #tpu.memory_space<hbm>> -> memref<80xi32, #tpu.memory_space<hbm>>
        %dma_wait3A_1050 = tpu.memref_slice %arg3[%add3A_1049] : memref<640000xi32, #tpu.memory_space<hbm>> -> memref<80xi32, #tpu.memory_space<hbm>>
        tpu.wait_dma2 semaphore(%arg24 : memref<!tpu.dma_semaphore, #tpu.memory_space<semaphore_mem>>) src(%dma_wait3A_1050 : memref<80xi32, #tpu.memory_space<hbm>>) dst(%arg10 : memref<80xi32, #tpu.memory_space<vmem>>)
        %dma_wait3A_1051 = tpu.memref_slice %arg4[%add3A_1049] : memref<640000xi32, #tpu.memory_space<hbm>> -> memref<80xi32, #tpu.memory_space<hbm>>
        %dma_wait3A_1052 = tpu.memref_slice %arg4[%add3A_1049] : memref<640000xi32, #tpu.memory_space<hbm>> -> memref<80xi32, #tpu.memory_space<hbm>>
        tpu.wait_dma2 semaphore(%arg24 : memref<!tpu.dma_semaphore, #tpu.memory_space<semaphore_mem>>) src(%dma_wait3A_1052 : memref<80xi32, #tpu.memory_space<hbm>>) dst(%arg14 : memref<80xi32, #tpu.memory_space<vmem>>)
      } else {
      }
      %add3A_173 = arith.constant 2 : i32
      %add3A_174 = arith.addi %add3A_113, %add3A_173 : i32
      %ge3A_175 = arith.constant 0 : i32
      %ge3A_176 = arith.cmpi sge, %add3A_174, %ge3A_175 : i32
      %mul3A_177 = arith.constant 16 : i32
      %mul3A_178 = arith.muli %add3A_174, %mul3A_177 : i32
      %add3A_179 = arith.addi %mul3A_178, %arg1 : i32
      %lt3A_180 = arith.constant 4000 : i32
      %lt3A_181 = arith.cmpi slt, %add3A_179, %lt3A_180 : i32
      %and3A_182 = arith.andi %ge3A_176, %lt3A_181 : i1
      %convert_element_type3A_183 = arith.extui %and3A_182 : i1 to i32
      %cond3A_184 = arith.constant 0 : i32
      %cond3A_185 = arith.cmpi ne, %convert_element_type3A_183, %cond3A_184 : i32
      scf.if %cond3A_185 {
        %dma_start3A = arith.constant 0 : i32
        %dma_start3A_1044 = arith.constant 0 : i32
        %dma_start3A_1045 = tpu.memref_slice %arg2[%dma_start3A, %dma_start3A_1044] : memref<20000x128xf32, #tpu.memory_space<hbm>> -> memref<20000x128xf32, #tpu.memory_space<hbm>>
        tpu.enqueue_indirect_dma source(%dma_start3A_1045 : memref<20000x128xf32, #tpu.memory_space<hbm>>) target(%arg18 : memref<80x128xf32, #tpu.memory_space<vmem>>) offsets(%arg10 : memref<80xi32, #tpu.memory_space<vmem>>) semaphore(%arg28 : memref<!tpu.dma_semaphore, #tpu.memory_space<semaphore_mem>>)
      } else {
      }
      %mul3A_186 = arith.constant 12 : i32
      %mul3A_187 = arith.muli %scan3A_109, %mul3A_186 : i32
      %add3A_188 = arith.constant 1 : i32
      %add3A_189 = arith.addi %mul3A_187, %add3A_188 : i32
      %ge3A_190 = arith.constant 0 : i32
      %ge3A_191 = arith.cmpi sge, %add3A_189, %ge3A_190 : i32
      %mul3A_192 = arith.constant 16 : i32
      %mul3A_193 = arith.muli %add3A_189, %mul3A_192 : i32
      %add3A_194 = arith.addi %mul3A_193, %arg1 : i32
      %lt3A_195 = arith.constant 4000 : i32
      %lt3A_196 = arith.cmpi slt, %add3A_194, %lt3A_195 : i32
      %and3A_197 = arith.andi %ge3A_191, %lt3A_196 : i1
      %convert_element_type3A_198 = arith.extui %and3A_197 : i1 to i32
      %cond3A_199 = arith.constant 0 : i32
      %cond3A_200 = arith.cmpi ne, %convert_element_type3A_198, %cond3A_199 : i32
      scf.if %cond3A_200 {
        %dma_wait3A = arith.constant 0 : i32
        %dma_wait3A_1044 = arith.constant 0 : i32
        %dma_wait3A_1045 = tpu.memref_slice %arg2[%dma_wait3A, %dma_wait3A_1044] : memref<20000x128xf32, #tpu.memory_space<hbm>> -> memref<20000x128xf32, #tpu.memory_space<hbm>>
        tpu.wait_indirect_dma semaphore(%arg27 : memref<!tpu.dma_semaphore, #tpu.memory_space<semaphore_mem>>) src(%dma_wait3A_1045 : memref<20000x128xf32, #tpu.memory_space<hbm>>) dst(%arg17 : memref<80x128xf32, #tpu.memory_space<vmem>>)
      } else {
      }
      %ge3A_201 = arith.constant 0 : i32
      %ge3A_202 = arith.cmpi sge, %add3A_189, %ge3A_201 : i32
      %mul3A_203 = arith.constant 16 : i32
      %mul3A_204 = arith.muli %add3A_189, %mul3A_203 : i32
      %add3A_205 = arith.addi %mul3A_204, %arg1 : i32
      %lt3A_206 = arith.constant 4000 : i32
      %lt3A_207 = arith.cmpi slt, %add3A_205, %lt3A_206 : i32
      %and3A_208 = arith.andi %ge3A_202, %lt3A_207 : i1
      %convert_element_type3A_209 = arith.extui %and3A_208 : i1 to i32
      %cond3A_210 = arith.constant 0 : i32
      %cond3A_211 = arith.cmpi ne, %convert_element_type3A_209, %cond3A_210 : i32
      scf.if %cond3A_211 {
        %dma_start3A = arith.constant 0 : i32
        %dma_start3A_1044 = arith.constant 0 : i32
        %dma_start3A_1045 = tpu.memref_slice %arg20[%dma_start3A, %dma_start3A_1044] : memref<10000x128xf32, #tpu.memory_space<vmem_shared>> -> memref<10000x128xf32, #tpu.memory_space<vmem_shared>>
        tpu.enqueue_indirect_dma source(%arg17 : memref<80x128xf32, #tpu.memory_space<vmem>>) target(%dma_start3A_1045 : memref<10000x128xf32, #tpu.memory_space<vmem_shared>>) offsets(%arg13 : memref<80xi32, #tpu.memory_space<vmem>>) semaphore(%arg30 : memref<!tpu.dma_semaphore, #tpu.memory_space<semaphore_mem>>) {add = true}
        %dma_start3A_1046 = arith.constant 0 : i32
        %dma_start3A_1047 = arith.constant 0 : i32
        %dma_start3A_1048 = tpu.memref_slice %arg21[%dma_start3A_1046, %dma_start3A_1047] : memref<10000x16xf32, #tpu.memory_space<vmem_shared>> -> memref<10000x16xf32, #tpu.memory_space<vmem_shared>>
        tpu.enqueue_indirect_dma source(%arg19 : memref<80x16xf32, #tpu.memory_space<vmem>>) target(%dma_start3A_1048 : memref<10000x16xf32, #tpu.memory_space<vmem_shared>>) offsets(%arg13 : memref<80xi32, #tpu.memory_space<vmem>>) semaphore(%arg30 : memref<!tpu.dma_semaphore, #tpu.memory_space<semaphore_mem>>) {add = true}
      } else {
      }
      %sub3A_212 = arith.constant 1 : i32
      %sub3A_213 = arith.subi %add3A_189, %sub3A_212 : i32
      %ge3A_214 = arith.constant 0 : i32
      %ge3A_215 = arith.cmpi sge, %sub3A_213, %ge3A_214 : i32
      %mul3A_216 = arith.constant 16 : i32
      %mul3A_217 = arith.muli %sub3A_213, %mul3A_216 : i32
      %add3A_218 = arith.addi %mul3A_217, %arg1 : i32
      %lt3A_219 = arith.constant 4000 : i32
      %lt3A_220 = arith.cmpi slt, %add3A_218, %lt3A_219 : i32
      %and3A_221 = arith.andi %ge3A_215, %lt3A_220 : i1
      %convert_element_type3A_222 = arith.extui %and3A_221 : i1 to i32
      %cond3A_223 = arith.constant 0 : i32
      %cond3A_224 = arith.cmpi ne, %convert_element_type3A_222, %cond3A_223 : i32
      scf.if %cond3A_224 {
        %dma_wait3A = arith.constant 0 : i32
        %dma_wait3A_1044 = arith.constant 0 : i32
        %dma_wait3A_1045 = tpu.memref_slice %arg20[%dma_wait3A, %dma_wait3A_1044] : memref<10000x128xf32, #tpu.memory_space<vmem_shared>> -> memref<10000x128xf32, #tpu.memory_space<vmem_shared>>
        tpu.wait_indirect_dma semaphore(%arg29 : memref<!tpu.dma_semaphore, #tpu.memory_space<semaphore_mem>>) src(%arg16 : memref<80x128xf32, #tpu.memory_space<vmem>>) dst(%dma_wait3A_1045 : memref<10000x128xf32, #tpu.memory_space<vmem_shared>>)
        %dma_wait3A_1046 = arith.constant 0 : i32
        %dma_wait3A_1047 = arith.constant 0 : i32
        %dma_wait3A_1048 = tpu.memref_slice %arg21[%dma_wait3A_1046, %dma_wait3A_1047] : memref<10000x16xf32, #tpu.memory_space<vmem_shared>> -> memref<10000x16xf32, #tpu.memory_space<vmem_shared>>
        tpu.wait_indirect_dma semaphore(%arg29 : memref<!tpu.dma_semaphore, #tpu.memory_space<semaphore_mem>>) src(%arg19 : memref<80x16xf32, #tpu.memory_space<vmem>>) dst(%dma_wait3A_1048 : memref<10000x16xf32, #tpu.memory_space<vmem_shared>>)
      } else {
      }
      %add3A_225 = arith.constant 3 : i32
      %add3A_226 = arith.addi %add3A_189, %add3A_225 : i32
      %ge3A_227 = arith.constant 0 : i32
      %ge3A_228 = arith.cmpi sge, %add3A_226, %ge3A_227 : i32
      %mul3A_229 = arith.constant 16 : i32
      %mul3A_230 = arith.muli %add3A_226, %mul3A_229 : i32
      %add3A_231 = arith.addi %mul3A_230, %arg1 : i32
      %lt3A_232 = arith.constant 4000 : i32
      %lt3A_233 = arith.cmpi slt, %add3A_231, %lt3A_232 : i32
      %and3A_234 = arith.andi %ge3A_228, %lt3A_233 : i1
      %convert_element_type3A_235 = arith.extui %and3A_234 : i1 to i32
      %cond3A_236 = arith.constant 0 : i32
      %cond3A_237 = arith.cmpi ne, %convert_element_type3A_235, %cond3A_236 : i32
      scf.if %cond3A_237 {
        %mul3A_1044 = arith.constant 16 : i32
        %mul3A_1045 = arith.muli %add3A_226, %mul3A_1044 : i32
        %add3A_1046 = arith.addi %mul3A_1045, %arg1 : i32
        %mul3A_1047 = arith.constant 80 : i32
        %mul3A_1048 = arith.muli %add3A_1046, %mul3A_1047 : i32
        %add3A_1049 = arith.addi %mul3A_39, %mul3A_1048 : i32
        %dma_start3A = tpu.memref_slice %arg3[%add3A_1049] : memref<640000xi32, #tpu.memory_space<hbm>> -> memref<80xi32, #tpu.memory_space<hbm>>
        %dma_start3A_1050 = tpu.memref_slice %arg3[%add3A_1049] : memref<640000xi32, #tpu.memory_space<hbm>> -> memref<80xi32, #tpu.memory_space<hbm>>
        tpu.enqueue_dma source(%dma_start3A_1050 : memref<80xi32, #tpu.memory_space<hbm>>) target(%arg8 : memref<80xi32, #tpu.memory_space<vmem>>) target_semaphore(%arg22 : memref<!tpu.dma_semaphore, #tpu.memory_space<semaphore_mem>>)
        %dma_start3A_1051 = tpu.memref_slice %arg4[%add3A_1049] : memref<640000xi32, #tpu.memory_space<hbm>> -> memref<80xi32, #tpu.memory_space<hbm>>
        %dma_start3A_1052 = tpu.memref_slice %arg4[%add3A_1049] : memref<640000xi32, #tpu.memory_space<hbm>> -> memref<80xi32, #tpu.memory_space<hbm>>
        tpu.enqueue_dma source(%dma_start3A_1052 : memref<80xi32, #tpu.memory_space<hbm>>) target(%arg12 : memref<80xi32, #tpu.memory_space<vmem>>) target_semaphore(%arg22 : memref<!tpu.dma_semaphore, #tpu.memory_space<semaphore_mem>>)
      } else {
      }
      %add3A_238 = arith.constant 2 : i32
      %add3A_239 = arith.addi %add3A_189, %add3A_238 : i32
      %ge3A_240 = arith.constant 0 : i32
      %ge3A_241 = arith.cmpi sge, %add3A_239, %ge3A_240 : i32
      %mul3A_242 = arith.constant 16 : i32
      %mul3A_243 = arith.muli %add3A_239, %mul3A_242 : i32
      %add3A_244 = arith.addi %mul3A_243, %arg1 : i32
      %lt3A_245 = arith.constant 4000 : i32
      %lt3A_246 = arith.cmpi slt, %add3A_244, %lt3A_245 : i32
      %and3A_247 = arith.andi %ge3A_241, %lt3A_246 : i1
      %convert_element_type3A_248 = arith.extui %and3A_247 : i1 to i32
      %cond3A_249 = arith.constant 0 : i32
      %cond3A_250 = arith.cmpi ne, %convert_element_type3A_248, %cond3A_249 : i32
      scf.if %cond3A_250 {
        %mul3A_1044 = arith.constant 16 : i32
        %mul3A_1045 = arith.muli %add3A_239, %mul3A_1044 : i32
        %add3A_1046 = arith.addi %mul3A_1045, %arg1 : i32
        %mul3A_1047 = arith.constant 80 : i32
        %mul3A_1048 = arith.muli %add3A_1046, %mul3A_1047 : i32
        %add3A_1049 = arith.addi %mul3A_39, %mul3A_1048 : i32
        %dma_wait3A = tpu.memref_slice %arg3[%add3A_1049] : memref<640000xi32, #tpu.memory_space<hbm>> -> memref<80xi32, #tpu.memory_space<hbm>>
        %dma_wait3A_1050 = tpu.memref_slice %arg3[%add3A_1049] : memref<640000xi32, #tpu.memory_space<hbm>> -> memref<80xi32, #tpu.memory_space<hbm>>
        tpu.wait_dma2 semaphore(%arg25 : memref<!tpu.dma_semaphore, #tpu.memory_space<semaphore_mem>>) src(%dma_wait3A_1050 : memref<80xi32, #tpu.memory_space<hbm>>) dst(%arg11 : memref<80xi32, #tpu.memory_space<vmem>>)
        %dma_wait3A_1051 = tpu.memref_slice %arg4[%add3A_1049] : memref<640000xi32, #tpu.memory_space<hbm>> -> memref<80xi32, #tpu.memory_space<hbm>>
        %dma_wait3A_1052 = tpu.memref_slice %arg4[%add3A_1049] : memref<640000xi32, #tpu.memory_space<hbm>> -> memref<80xi32, #tpu.memory_space<hbm>>
        tpu.wait_dma2 semaphore(%arg25 : memref<!tpu.dma_semaphore, #tpu.memory_space<semaphore_mem>>) src(%dma_wait3A_1052 : memref<80xi32, #tpu.memory_space<hbm>>) dst(%arg15 : memref<80xi32, #tpu.memory_space<vmem>>)
      } else {
      }
      %add3A_251 = arith.constant 2 : i32
      %add3A_252 = arith.addi %add3A_189, %add3A_251 : i32
      %ge3A_253 = arith.constant 0 : i32
      %ge3A_254 = arith.cmpi sge, %add3A_252, %ge3A_253 : i32
      %mul3A_255 = arith.constant 16 : i32
      %mul3A_256 = arith.muli %add3A_252, %mul3A_255 : i32
      %add3A_257 = arith.addi %mul3A_256, %arg1 : i32
      %lt3A_258 = arith.constant 4000 : i32
      %lt3A_259 = arith.cmpi slt, %add3A_257, %lt3A_258 : i32
      %and3A_260 = arith.andi %ge3A_254, %lt3A_259 : i1
      %convert_element_type3A_261 = arith.extui %and3A_260 : i1 to i32
      %cond3A_262 = arith.constant 0 : i32
      %cond3A_263 = arith.cmpi ne, %convert_element_type3A_261, %cond3A_262 : i32
      scf.if %cond3A_263 {
        %dma_start3A = arith.constant 0 : i32
        %dma_start3A_1044 = arith.constant 0 : i32
        %dma_start3A_1045 = tpu.memref_slice %arg2[%dma_start3A, %dma_start3A_1044] : memref<20000x128xf32, #tpu.memory_space<hbm>> -> memref<20000x128xf32, #tpu.memory_space<hbm>>
        tpu.enqueue_indirect_dma source(%dma_start3A_1045 : memref<20000x128xf32, #tpu.memory_space<hbm>>) target(%arg16 : memref<80x128xf32, #tpu.memory_space<vmem>>) offsets(%arg11 : memref<80xi32, #tpu.memory_space<vmem>>) semaphore(%arg26 : memref<!tpu.dma_semaphore, #tpu.memory_space<semaphore_mem>>)
      } else {
      }
      %mul3A_264 = arith.constant 12 : i32
      %mul3A_265 = arith.muli %scan3A_109, %mul3A_264 : i32
      %add3A_266 = arith.constant 2 : i32
      %add3A_267 = arith.addi %mul3A_265, %add3A_266 : i32
      %ge3A_268 = arith.constant 0 : i32
      %ge3A_269 = arith.cmpi sge, %add3A_267, %ge3A_268 : i32
      %mul3A_270 = arith.constant 16 : i32
      %mul3A_271 = arith.muli %add3A_267, %mul3A_270 : i32
      %add3A_272 = arith.addi %mul3A_271, %arg1 : i32
      %lt3A_273 = arith.constant 4000 : i32
      %lt3A_274 = arith.cmpi slt, %add3A_272, %lt3A_273 : i32
      %and3A_275 = arith.andi %ge3A_269, %lt3A_274 : i1
      %convert_element_type3A_276 = arith.extui %and3A_275 : i1 to i32
      %cond3A_277 = arith.constant 0 : i32
      %cond3A_278 = arith.cmpi ne, %convert_element_type3A_276, %cond3A_277 : i32
      scf.if %cond3A_278 {
        %dma_wait3A = arith.constant 0 : i32
        %dma_wait3A_1044 = arith.constant 0 : i32
        %dma_wait3A_1045 = tpu.memref_slice %arg2[%dma_wait3A, %dma_wait3A_1044] : memref<20000x128xf32, #tpu.memory_space<hbm>> -> memref<20000x128xf32, #tpu.memory_space<hbm>>
        tpu.wait_indirect_dma semaphore(%arg28 : memref<!tpu.dma_semaphore, #tpu.memory_space<semaphore_mem>>) src(%dma_wait3A_1045 : memref<20000x128xf32, #tpu.memory_space<hbm>>) dst(%arg18 : memref<80x128xf32, #tpu.memory_space<vmem>>)
      } else {
      }
      %ge3A_279 = arith.constant 0 : i32
      %ge3A_280 = arith.cmpi sge, %add3A_267, %ge3A_279 : i32
      %mul3A_281 = arith.constant 16 : i32
      %mul3A_282 = arith.muli %add3A_267, %mul3A_281 : i32
      %add3A_283 = arith.addi %mul3A_282, %arg1 : i32
      %lt3A_284 = arith.constant 4000 : i32
      %lt3A_285 = arith.cmpi slt, %add3A_283, %lt3A_284 : i32
      %and3A_286 = arith.andi %ge3A_280, %lt3A_285 : i1
      %convert_element_type3A_287 = arith.extui %and3A_286 : i1 to i32
      %cond3A_288 = arith.constant 0 : i32
      %cond3A_289 = arith.cmpi ne, %convert_element_type3A_287, %cond3A_288 : i32
      scf.if %cond3A_289 {
        %dma_start3A = arith.constant 0 : i32
        %dma_start3A_1044 = arith.constant 0 : i32
        %dma_start3A_1045 = tpu.memref_slice %arg20[%dma_start3A, %dma_start3A_1044] : memref<10000x128xf32, #tpu.memory_space<vmem_shared>> -> memref<10000x128xf32, #tpu.memory_space<vmem_shared>>
        tpu.enqueue_indirect_dma source(%arg18 : memref<80x128xf32, #tpu.memory_space<vmem>>) target(%dma_start3A_1045 : memref<10000x128xf32, #tpu.memory_space<vmem_shared>>) offsets(%arg14 : memref<80xi32, #tpu.memory_space<vmem>>) semaphore(%arg31 : memref<!tpu.dma_semaphore, #tpu.memory_space<semaphore_mem>>) {add = true}
        %dma_start3A_1046 = arith.constant 0 : i32
        %dma_start3A_1047 = arith.constant 0 : i32
        %dma_start3A_1048 = tpu.memref_slice %arg21[%dma_start3A_1046, %dma_start3A_1047] : memref<10000x16xf32, #tpu.memory_space<vmem_shared>> -> memref<10000x16xf32, #tpu.memory_space<vmem_shared>>
        tpu.enqueue_indirect_dma source(%arg19 : memref<80x16xf32, #tpu.memory_space<vmem>>) target(%dma_start3A_1048 : memref<10000x16xf32, #tpu.memory_space<vmem_shared>>) offsets(%arg14 : memref<80xi32, #tpu.memory_space<vmem>>) semaphore(%arg31 : memref<!tpu.dma_semaphore, #tpu.memory_space<semaphore_mem>>) {add = true}
      } else {
      }
      %sub3A_290 = arith.constant 1 : i32
      %sub3A_291 = arith.subi %add3A_267, %sub3A_290 : i32
      %ge3A_292 = arith.constant 0 : i32
      %ge3A_293 = arith.cmpi sge, %sub3A_291, %ge3A_292 : i32
      %mul3A_294 = arith.constant 16 : i32
      %mul3A_295 = arith.muli %sub3A_291, %mul3A_294 : i32
      %add3A_296 = arith.addi %mul3A_295, %arg1 : i32
      %lt3A_297 = arith.constant 4000 : i32
      %lt3A_298 = arith.cmpi slt, %add3A_296, %lt3A_297 : i32
      %and3A_299 = arith.andi %ge3A_293, %lt3A_298 : i1
      %convert_element_type3A_300 = arith.extui %and3A_299 : i1 to i32
      %cond3A_301 = arith.constant 0 : i32
      %cond3A_302 = arith.cmpi ne, %convert_element_type3A_300, %cond3A_301 : i32
      scf.if %cond3A_302 {
        %dma_wait3A = arith.constant 0 : i32
        %dma_wait3A_1044 = arith.constant 0 : i32
        %dma_wait3A_1045 = tpu.memref_slice %arg20[%dma_wait3A, %dma_wait3A_1044] : memref<10000x128xf32, #tpu.memory_space<vmem_shared>> -> memref<10000x128xf32, #tpu.memory_space<vmem_shared>>
        tpu.wait_indirect_dma semaphore(%arg30 : memref<!tpu.dma_semaphore, #tpu.memory_space<semaphore_mem>>) src(%arg17 : memref<80x128xf32, #tpu.memory_space<vmem>>) dst(%dma_wait3A_1045 : memref<10000x128xf32, #tpu.memory_space<vmem_shared>>)
        %dma_wait3A_1046 = arith.constant 0 : i32
        %dma_wait3A_1047 = arith.constant 0 : i32
        %dma_wait3A_1048 = tpu.memref_slice %arg21[%dma_wait3A_1046, %dma_wait3A_1047] : memref<10000x16xf32, #tpu.memory_space<vmem_shared>> -> memref<10000x16xf32, #tpu.memory_space<vmem_shared>>
        tpu.wait_indirect_dma semaphore(%arg30 : memref<!tpu.dma_semaphore, #tpu.memory_space<semaphore_mem>>) src(%arg19 : memref<80x16xf32, #tpu.memory_space<vmem>>) dst(%dma_wait3A_1048 : memref<10000x16xf32, #tpu.memory_space<vmem_shared>>)
      } else {
      }
      %add3A_303 = arith.constant 3 : i32
      %add3A_304 = arith.addi %add3A_267, %add3A_303 : i32
      %ge3A_305 = arith.constant 0 : i32
      %ge3A_306 = arith.cmpi sge, %add3A_304, %ge3A_305 : i32
      %mul3A_307 = arith.constant 16 : i32
      %mul3A_308 = arith.muli %add3A_304, %mul3A_307 : i32
      %add3A_309 = arith.addi %mul3A_308, %arg1 : i32
      %lt3A_310 = arith.constant 4000 : i32
      %lt3A_311 = arith.cmpi slt, %add3A_309, %lt3A_310 : i32
      %and3A_312 = arith.andi %ge3A_306, %lt3A_311 : i1
      %convert_element_type3A_313 = arith.extui %and3A_312 : i1 to i32
      %cond3A_314 = arith.constant 0 : i32
      %cond3A_315 = arith.cmpi ne, %convert_element_type3A_313, %cond3A_314 : i32
      scf.if %cond3A_315 {
        %mul3A_1044 = arith.constant 16 : i32
        %mul3A_1045 = arith.muli %add3A_304, %mul3A_1044 : i32
        %add3A_1046 = arith.addi %mul3A_1045, %arg1 : i32
        %mul3A_1047 = arith.constant 80 : i32
        %mul3A_1048 = arith.muli %add3A_1046, %mul3A_1047 : i32
        %add3A_1049 = arith.addi %mul3A_39, %mul3A_1048 : i32
        %dma_start3A = tpu.memref_slice %arg3[%add3A_1049] : memref<640000xi32, #tpu.memory_space<hbm>> -> memref<80xi32, #tpu.memory_space<hbm>>
        %dma_start3A_1050 = tpu.memref_slice %arg3[%add3A_1049] : memref<640000xi32, #tpu.memory_space<hbm>> -> memref<80xi32, #tpu.memory_space<hbm>>
        tpu.enqueue_dma source(%dma_start3A_1050 : memref<80xi32, #tpu.memory_space<hbm>>) target(%arg9 : memref<80xi32, #tpu.memory_space<vmem>>) target_semaphore(%arg23 : memref<!tpu.dma_semaphore, #tpu.memory_space<semaphore_mem>>)
        %dma_start3A_1051 = tpu.memref_slice %arg4[%add3A_1049] : memref<640000xi32, #tpu.memory_space<hbm>> -> memref<80xi32, #tpu.memory_space<hbm>>
        %dma_start3A_1052 = tpu.memref_slice %arg4[%add3A_1049] : memref<640000xi32, #tpu.memory_space<hbm>> -> memref<80xi32, #tpu.memory_space<hbm>>
        tpu.enqueue_dma source(%dma_start3A_1052 : memref<80xi32, #tpu.memory_space<hbm>>) target(%arg13 : memref<80xi32, #tpu.memory_space<vmem>>) target_semaphore(%arg23 : memref<!tpu.dma_semaphore, #tpu.memory_space<semaphore_mem>>)
      } else {
      }
      %add3A_316 = arith.constant 2 : i32
      %add3A_317 = arith.addi %add3A_267, %add3A_316 : i32
      %ge3A_318 = arith.constant 0 : i32
      %ge3A_319 = arith.cmpi sge, %add3A_317, %ge3A_318 : i32
      %mul3A_320 = arith.constant 16 : i32
      %mul3A_321 = arith.muli %add3A_317, %mul3A_320 : i32
      %add3A_322 = arith.addi %mul3A_321, %arg1 : i32
      %lt3A_323 = arith.constant 4000 : i32
      %lt3A_324 = arith.cmpi slt, %add3A_322, %lt3A_323 : i32
      %and3A_325 = arith.andi %ge3A_319, %lt3A_324 : i1
      %convert_element_type3A_326 = arith.extui %and3A_325 : i1 to i32
      %cond3A_327 = arith.constant 0 : i32
      %cond3A_328 = arith.cmpi ne, %convert_element_type3A_326, %cond3A_327 : i32
      scf.if %cond3A_328 {
        %mul3A_1044 = arith.constant 16 : i32
        %mul3A_1045 = arith.muli %add3A_317, %mul3A_1044 : i32
        %add3A_1046 = arith.addi %mul3A_1045, %arg1 : i32
        %mul3A_1047 = arith.constant 80 : i32
        %mul3A_1048 = arith.muli %add3A_1046, %mul3A_1047 : i32
        %add3A_1049 = arith.addi %mul3A_39, %mul3A_1048 : i32
        %dma_wait3A = tpu.memref_slice %arg3[%add3A_1049] : memref<640000xi32, #tpu.memory_space<hbm>> -> memref<80xi32, #tpu.memory_space<hbm>>
        %dma_wait3A_1050 = tpu.memref_slice %arg3[%add3A_1049] : memref<640000xi32, #tpu.memory_space<hbm>> -> memref<80xi32, #tpu.memory_space<hbm>>
        tpu.wait_dma2 semaphore(%arg22 : memref<!tpu.dma_semaphore, #tpu.memory_space<semaphore_mem>>) src(%dma_wait3A_1050 : memref<80xi32, #tpu.memory_space<hbm>>) dst(%arg8 : memref<80xi32, #tpu.memory_space<vmem>>)
        %dma_wait3A_1051 = tpu.memref_slice %arg4[%add3A_1049] : memref<640000xi32, #tpu.memory_space<hbm>> -> memref<80xi32, #tpu.memory_space<hbm>>
        %dma_wait3A_1052 = tpu.memref_slice %arg4[%add3A_1049] : memref<640000xi32, #tpu.memory_space<hbm>> -> memref<80xi32, #tpu.memory_space<hbm>>
        tpu.wait_dma2 semaphore(%arg22 : memref<!tpu.dma_semaphore, #tpu.memory_space<semaphore_mem>>) src(%dma_wait3A_1052 : memref<80xi32, #tpu.memory_space<hbm>>) dst(%arg12 : memref<80xi32, #tpu.memory_space<vmem>>)
      } else {
      }
      %add3A_329 = arith.constant 2 : i32
      %add3A_330 = arith.addi %add3A_267, %add3A_329 : i32
      %ge3A_331 = arith.constant 0 : i32
      %ge3A_332 = arith.cmpi sge, %add3A_330, %ge3A_331 : i32
      %mul3A_333 = arith.constant 16 : i32
      %mul3A_334 = arith.muli %add3A_330, %mul3A_333 : i32
      %add3A_335 = arith.addi %mul3A_334, %arg1 : i32
      %lt3A_336 = arith.constant 4000 : i32
      %lt3A_337 = arith.cmpi slt, %add3A_335, %lt3A_336 : i32
      %and3A_338 = arith.andi %ge3A_332, %lt3A_337 : i1
      %convert_element_type3A_339 = arith.extui %and3A_338 : i1 to i32
      %cond3A_340 = arith.constant 0 : i32
      %cond3A_341 = arith.cmpi ne, %convert_element_type3A_339, %cond3A_340 : i32
      scf.if %cond3A_341 {
        %dma_start3A = arith.constant 0 : i32
        %dma_start3A_1044 = arith.constant 0 : i32
        %dma_start3A_1045 = tpu.memref_slice %arg2[%dma_start3A, %dma_start3A_1044] : memref<20000x128xf32, #tpu.memory_space<hbm>> -> memref<20000x128xf32, #tpu.memory_space<hbm>>
        tpu.enqueue_indirect_dma source(%dma_start3A_1045 : memref<20000x128xf32, #tpu.memory_space<hbm>>) target(%arg17 : memref<80x128xf32, #tpu.memory_space<vmem>>) offsets(%arg8 : memref<80xi32, #tpu.memory_space<vmem>>) semaphore(%arg27 : memref<!tpu.dma_semaphore, #tpu.memory_space<semaphore_mem>>)
      } else {
      }
      %mul3A_342 = arith.constant 12 : i32
      %mul3A_343 = arith.muli %scan3A_109, %mul3A_342 : i32
      %add3A_344 = arith.constant 3 : i32
      %add3A_345 = arith.addi %mul3A_343, %add3A_344 : i32
      %ge3A_346 = arith.constant 0 : i32
      %ge3A_347 = arith.cmpi sge, %add3A_345, %ge3A_346 : i32
      %mul3A_348 = arith.constant 16 : i32
      %mul3A_349 = arith.muli %add3A_345, %mul3A_348 : i32
      %add3A_350 = arith.addi %mul3A_349, %arg1 : i32
      %lt3A_351 = arith.constant 4000 : i32
      %lt3A_352 = arith.cmpi slt, %add3A_350, %lt3A_351 : i32
      %and3A_353 = arith.andi %ge3A_347, %lt3A_352 : i1
      %convert_element_type3A_354 = arith.extui %and3A_353 : i1 to i32
      %cond3A_355 = arith.constant 0 : i32
      %cond3A_356 = arith.cmpi ne, %convert_element_type3A_354, %cond3A_355 : i32
      scf.if %cond3A_356 {
        %dma_wait3A = arith.constant 0 : i32
        %dma_wait3A_1044 = arith.constant 0 : i32
        %dma_wait3A_1045 = tpu.memref_slice %arg2[%dma_wait3A, %dma_wait3A_1044] : memref<20000x128xf32, #tpu.memory_space<hbm>> -> memref<20000x128xf32, #tpu.memory_space<hbm>>
        tpu.wait_indirect_dma semaphore(%arg26 : memref<!tpu.dma_semaphore, #tpu.memory_space<semaphore_mem>>) src(%dma_wait3A_1045 : memref<20000x128xf32, #tpu.memory_space<hbm>>) dst(%arg16 : memref<80x128xf32, #tpu.memory_space<vmem>>)
      } else {
      }
      %ge3A_357 = arith.constant 0 : i32
      %ge3A_358 = arith.cmpi sge, %add3A_345, %ge3A_357 : i32
      %mul3A_359 = arith.constant 16 : i32
      %mul3A_360 = arith.muli %add3A_345, %mul3A_359 : i32
      %add3A_361 = arith.addi %mul3A_360, %arg1 : i32
      %lt3A_362 = arith.constant 4000 : i32
      %lt3A_363 = arith.cmpi slt, %add3A_361, %lt3A_362 : i32
      %and3A_364 = arith.andi %ge3A_358, %lt3A_363 : i1
      %convert_element_type3A_365 = arith.extui %and3A_364 : i1 to i32
      %cond3A_366 = arith.constant 0 : i32
      %cond3A_367 = arith.cmpi ne, %convert_element_type3A_365, %cond3A_366 : i32
      scf.if %cond3A_367 {
        %dma_start3A = arith.constant 0 : i32
        %dma_start3A_1044 = arith.constant 0 : i32
        %dma_start3A_1045 = tpu.memref_slice %arg20[%dma_start3A, %dma_start3A_1044] : memref<10000x128xf32, #tpu.memory_space<vmem_shared>> -> memref<10000x128xf32, #tpu.memory_space<vmem_shared>>
        tpu.enqueue_indirect_dma source(%arg16 : memref<80x128xf32, #tpu.memory_space<vmem>>) target(%dma_start3A_1045 : memref<10000x128xf32, #tpu.memory_space<vmem_shared>>) offsets(%arg15 : memref<80xi32, #tpu.memory_space<vmem>>) semaphore(%arg29 : memref<!tpu.dma_semaphore, #tpu.memory_space<semaphore_mem>>) {add = true}
        %dma_start3A_1046 = arith.constant 0 : i32
        %dma_start3A_1047 = arith.constant 0 : i32
        %dma_start3A_1048 = tpu.memref_slice %arg21[%dma_start3A_1046, %dma_start3A_1047] : memref<10000x16xf32, #tpu.memory_space<vmem_shared>> -> memref<10000x16xf32, #tpu.memory_space<vmem_shared>>
        tpu.enqueue_indirect_dma source(%arg19 : memref<80x16xf32, #tpu.memory_space<vmem>>) target(%dma_start3A_1048 : memref<10000x16xf32, #tpu.memory_space<vmem_shared>>) offsets(%arg15 : memref<80xi32, #tpu.memory_space<vmem>>) semaphore(%arg29 : memref<!tpu.dma_semaphore, #tpu.memory_space<semaphore_mem>>) {add = true}
      } else {
      }
      %sub3A_368 = arith.constant 1 : i32
      %sub3A_369 = arith.subi %add3A_345, %sub3A_368 : i32
      %ge3A_370 = arith.constant 0 : i32
      %ge3A_371 = arith.cmpi sge, %sub3A_369, %ge3A_370 : i32
      %mul3A_372 = arith.constant 16 : i32
      %mul3A_373 = arith.muli %sub3A_369, %mul3A_372 : i32
      %add3A_374 = arith.addi %mul3A_373, %arg1 : i32
      %lt3A_375 = arith.constant 4000 : i32
      %lt3A_376 = arith.cmpi slt, %add3A_374, %lt3A_375 : i32
      %and3A_377 = arith.andi %ge3A_371, %lt3A_376 : i1
      %convert_element_type3A_378 = arith.extui %and3A_377 : i1 to i32
      %cond3A_379 = arith.constant 0 : i32
      %cond3A_380 = arith.cmpi ne, %convert_element_type3A_378, %cond3A_379 : i32
      scf.if %cond3A_380 {
        %dma_wait3A = arith.constant 0 : i32
        %dma_wait3A_1044 = arith.constant 0 : i32
        %dma_wait3A_1045 = tpu.memref_slice %arg20[%dma_wait3A, %dma_wait3A_1044] : memref<10000x128xf32, #tpu.memory_space<vmem_shared>> -> memref<10000x128xf32, #tpu.memory_space<vmem_shared>>
        tpu.wait_indirect_dma semaphore(%arg31 : memref<!tpu.dma_semaphore, #tpu.memory_space<semaphore_mem>>) src(%arg18 : memref<80x128xf32, #tpu.memory_space<vmem>>) dst(%dma_wait3A_1045 : memref<10000x128xf32, #tpu.memory_space<vmem_shared>>)
        %dma_wait3A_1046 = arith.constant 0 : i32
        %dma_wait3A_1047 = arith.constant 0 : i32
        %dma_wait3A_1048 = tpu.memref_slice %arg21[%dma_wait3A_1046, %dma_wait3A_1047] : memref<10000x16xf32, #tpu.memory_space<vmem_shared>> -> memref<10000x16xf32, #tpu.memory_space<vmem_shared>>
        tpu.wait_indirect_dma semaphore(%arg31 : memref<!tpu.dma_semaphore, #tpu.memory_space<semaphore_mem>>) src(%arg19 : memref<80x16xf32, #tpu.memory_space<vmem>>) dst(%dma_wait3A_1048 : memref<10000x16xf32, #tpu.memory_space<vmem_shared>>)
      } else {
      }
      %add3A_381 = arith.constant 3 : i32
      %add3A_382 = arith.addi %add3A_345, %add3A_381 : i32
      %ge3A_383 = arith.constant 0 : i32
      %ge3A_384 = arith.cmpi sge, %add3A_382, %ge3A_383 : i32
      %mul3A_385 = arith.constant 16 : i32
      %mul3A_386 = arith.muli %add3A_382, %mul3A_385 : i32
      %add3A_387 = arith.addi %mul3A_386, %arg1 : i32
      %lt3A_388 = arith.constant 4000 : i32
      %lt3A_389 = arith.cmpi slt, %add3A_387, %lt3A_388 : i32
      %and3A_390 = arith.andi %ge3A_384, %lt3A_389 : i1
      %convert_element_type3A_391 = arith.extui %and3A_390 : i1 to i32
      %cond3A_392 = arith.constant 0 : i32
      %cond3A_393 = arith.cmpi ne, %convert_element_type3A_391, %cond3A_392 : i32
      scf.if %cond3A_393 {
        %mul3A_1044 = arith.constant 16 : i32
        %mul3A_1045 = arith.muli %add3A_382, %mul3A_1044 : i32
        %add3A_1046 = arith.addi %mul3A_1045, %arg1 : i32
        %mul3A_1047 = arith.constant 80 : i32
        %mul3A_1048 = arith.muli %add3A_1046, %mul3A_1047 : i32
        %add3A_1049 = arith.addi %mul3A_39, %mul3A_1048 : i32
        %dma_start3A = tpu.memref_slice %arg3[%add3A_1049] : memref<640000xi32, #tpu.memory_space<hbm>> -> memref<80xi32, #tpu.memory_space<hbm>>
        %dma_start3A_1050 = tpu.memref_slice %arg3[%add3A_1049] : memref<640000xi32, #tpu.memory_space<hbm>> -> memref<80xi32, #tpu.memory_space<hbm>>
        tpu.enqueue_dma source(%dma_start3A_1050 : memref<80xi32, #tpu.memory_space<hbm>>) target(%arg10 : memref<80xi32, #tpu.memory_space<vmem>>) target_semaphore(%arg24 : memref<!tpu.dma_semaphore, #tpu.memory_space<semaphore_mem>>)
        %dma_start3A_1051 = tpu.memref_slice %arg4[%add3A_1049] : memref<640000xi32, #tpu.memory_space<hbm>> -> memref<80xi32, #tpu.memory_space<hbm>>
        %dma_start3A_1052 = tpu.memref_slice %arg4[%add3A_1049] : memref<640000xi32, #tpu.memory_space<hbm>> -> memref<80xi32, #tpu.memory_space<hbm>>
        tpu.enqueue_dma source(%dma_start3A_1052 : memref<80xi32, #tpu.memory_space<hbm>>) target(%arg14 : memref<80xi32, #tpu.memory_space<vmem>>) target_semaphore(%arg24 : memref<!tpu.dma_semaphore, #tpu.memory_space<semaphore_mem>>)
      } else {
      }
      %add3A_394 = arith.constant 2 : i32
      %add3A_395 = arith.addi %add3A_345, %add3A_394 : i32
      %ge3A_396 = arith.constant 0 : i32
      %ge3A_397 = arith.cmpi sge, %add3A_395, %ge3A_396 : i32
      %mul3A_398 = arith.constant 16 : i32
      %mul3A_399 = arith.muli %add3A_395, %mul3A_398 : i32
      %add3A_400 = arith.addi %mul3A_399, %arg1 : i32
      %lt3A_401 = arith.constant 4000 : i32
      %lt3A_402 = arith.cmpi slt, %add3A_400, %lt3A_401 : i32
      %and3A_403 = arith.andi %ge3A_397, %lt3A_402 : i1
      %convert_element_type3A_404 = arith.extui %and3A_403 : i1 to i32
      %cond3A_405 = arith.constant 0 : i32
      %cond3A_406 = arith.cmpi ne, %convert_element_type3A_404, %cond3A_405 : i32
      scf.if %cond3A_406 {
        %mul3A_1044 = arith.constant 16 : i32
        %mul3A_1045 = arith.muli %add3A_395, %mul3A_1044 : i32
        %add3A_1046 = arith.addi %mul3A_1045, %arg1 : i32
        %mul3A_1047 = arith.constant 80 : i32
        %mul3A_1048 = arith.muli %add3A_1046, %mul3A_1047 : i32
        %add3A_1049 = arith.addi %mul3A_39, %mul3A_1048 : i32
        %dma_wait3A = tpu.memref_slice %arg3[%add3A_1049] : memref<640000xi32, #tpu.memory_space<hbm>> -> memref<80xi32, #tpu.memory_space<hbm>>
        %dma_wait3A_1050 = tpu.memref_slice %arg3[%add3A_1049] : memref<640000xi32, #tpu.memory_space<hbm>> -> memref<80xi32, #tpu.memory_space<hbm>>
        tpu.wait_dma2 semaphore(%arg23 : memref<!tpu.dma_semaphore, #tpu.memory_space<semaphore_mem>>) src(%dma_wait3A_1050 : memref<80xi32, #tpu.memory_space<hbm>>) dst(%arg9 : memref<80xi32, #tpu.memory_space<vmem>>)
        %dma_wait3A_1051 = tpu.memref_slice %arg4[%add3A_1049] : memref<640000xi32, #tpu.memory_space<hbm>> -> memref<80xi32, #tpu.memory_space<hbm>>
        %dma_wait3A_1052 = tpu.memref_slice %arg4[%add3A_1049] : memref<640000xi32, #tpu.memory_space<hbm>> -> memref<80xi32, #tpu.memory_space<hbm>>
        tpu.wait_dma2 semaphore(%arg23 : memref<!tpu.dma_semaphore, #tpu.memory_space<semaphore_mem>>) src(%dma_wait3A_1052 : memref<80xi32, #tpu.memory_space<hbm>>) dst(%arg13 : memref<80xi32, #tpu.memory_space<vmem>>)
      } else {
      }
      %add3A_407 = arith.constant 2 : i32
      %add3A_408 = arith.addi %add3A_345, %add3A_407 : i32
      %ge3A_409 = arith.constant 0 : i32
      %ge3A_410 = arith.cmpi sge, %add3A_408, %ge3A_409 : i32
      %mul3A_411 = arith.constant 16 : i32
      %mul3A_412 = arith.muli %add3A_408, %mul3A_411 : i32
      %add3A_413 = arith.addi %mul3A_412, %arg1 : i32
      %lt3A_414 = arith.constant 4000 : i32
      %lt3A_415 = arith.cmpi slt, %add3A_413, %lt3A_414 : i32
      %and3A_416 = arith.andi %ge3A_410, %lt3A_415 : i1
      %convert_element_type3A_417 = arith.extui %and3A_416 : i1 to i32
      %cond3A_418 = arith.constant 0 : i32
      %cond3A_419 = arith.cmpi ne, %convert_element_type3A_417, %cond3A_418 : i32
      scf.if %cond3A_419 {
        %dma_start3A = arith.constant 0 : i32
        %dma_start3A_1044 = arith.constant 0 : i32
        %dma_start3A_1045 = tpu.memref_slice %arg2[%dma_start3A, %dma_start3A_1044] : memref<20000x128xf32, #tpu.memory_space<hbm>> -> memref<20000x128xf32, #tpu.memory_space<hbm>>
        tpu.enqueue_indirect_dma source(%dma_start3A_1045 : memref<20000x128xf32, #tpu.memory_space<hbm>>) target(%arg18 : memref<80x128xf32, #tpu.memory_space<vmem>>) offsets(%arg9 : memref<80xi32, #tpu.memory_space<vmem>>) semaphore(%arg28 : memref<!tpu.dma_semaphore, #tpu.memory_space<semaphore_mem>>)
      } else {
      }
      %mul3A_420 = arith.constant 12 : i32
      %mul3A_421 = arith.muli %scan3A_109, %mul3A_420 : i32
      %add3A_422 = arith.constant 4 : i32
      %add3A_423 = arith.addi %mul3A_421, %add3A_422 : i32
      %ge3A_424 = arith.constant 0 : i32
      %ge3A_425 = arith.cmpi sge, %add3A_423, %ge3A_424 : i32
      %mul3A_426 = arith.constant 16 : i32
      %mul3A_427 = arith.muli %add3A_423, %mul3A_426 : i32
      %add3A_428 = arith.addi %mul3A_427, %arg1 : i32
      %lt3A_429 = arith.constant 4000 : i32
      %lt3A_430 = arith.cmpi slt, %add3A_428, %lt3A_429 : i32
      %and3A_431 = arith.andi %ge3A_425, %lt3A_430 : i1
      %convert_element_type3A_432 = arith.extui %and3A_431 : i1 to i32
      %cond3A_433 = arith.constant 0 : i32
      %cond3A_434 = arith.cmpi ne, %convert_element_type3A_432, %cond3A_433 : i32
      scf.if %cond3A_434 {
        %dma_wait3A = arith.constant 0 : i32
        %dma_wait3A_1044 = arith.constant 0 : i32
        %dma_wait3A_1045 = tpu.memref_slice %arg2[%dma_wait3A, %dma_wait3A_1044] : memref<20000x128xf32, #tpu.memory_space<hbm>> -> memref<20000x128xf32, #tpu.memory_space<hbm>>
        tpu.wait_indirect_dma semaphore(%arg27 : memref<!tpu.dma_semaphore, #tpu.memory_space<semaphore_mem>>) src(%dma_wait3A_1045 : memref<20000x128xf32, #tpu.memory_space<hbm>>) dst(%arg17 : memref<80x128xf32, #tpu.memory_space<vmem>>)
      } else {
      }
      %ge3A_435 = arith.constant 0 : i32
      %ge3A_436 = arith.cmpi sge, %add3A_423, %ge3A_435 : i32
      %mul3A_437 = arith.constant 16 : i32
      %mul3A_438 = arith.muli %add3A_423, %mul3A_437 : i32
      %add3A_439 = arith.addi %mul3A_438, %arg1 : i32
      %lt3A_440 = arith.constant 4000 : i32
      %lt3A_441 = arith.cmpi slt, %add3A_439, %lt3A_440 : i32
      %and3A_442 = arith.andi %ge3A_436, %lt3A_441 : i1
      %convert_element_type3A_443 = arith.extui %and3A_442 : i1 to i32
      %cond3A_444 = arith.constant 0 : i32
      %cond3A_445 = arith.cmpi ne, %convert_element_type3A_443, %cond3A_444 : i32
      scf.if %cond3A_445 {
        %dma_start3A = arith.constant 0 : i32
        %dma_start3A_1044 = arith.constant 0 : i32
        %dma_start3A_1045 = tpu.memref_slice %arg20[%dma_start3A, %dma_start3A_1044] : memref<10000x128xf32, #tpu.memory_space<vmem_shared>> -> memref<10000x128xf32, #tpu.memory_space<vmem_shared>>
        tpu.enqueue_indirect_dma source(%arg17 : memref<80x128xf32, #tpu.memory_space<vmem>>) target(%dma_start3A_1045 : memref<10000x128xf32, #tpu.memory_space<vmem_shared>>) offsets(%arg12 : memref<80xi32, #tpu.memory_space<vmem>>) semaphore(%arg30 : memref<!tpu.dma_semaphore, #tpu.memory_space<semaphore_mem>>) {add = true}
        %dma_start3A_1046 = arith.constant 0 : i32
        %dma_start3A_1047 = arith.constant 0 : i32
        %dma_start3A_1048 = tpu.memref_slice %arg21[%dma_start3A_1046, %dma_start3A_1047] : memref<10000x16xf32, #tpu.memory_space<vmem_shared>> -> memref<10000x16xf32, #tpu.memory_space<vmem_shared>>
        tpu.enqueue_indirect_dma source(%arg19 : memref<80x16xf32, #tpu.memory_space<vmem>>) target(%dma_start3A_1048 : memref<10000x16xf32, #tpu.memory_space<vmem_shared>>) offsets(%arg12 : memref<80xi32, #tpu.memory_space<vmem>>) semaphore(%arg30 : memref<!tpu.dma_semaphore, #tpu.memory_space<semaphore_mem>>) {add = true}
      } else {
      }
      %sub3A_446 = arith.constant 1 : i32
      %sub3A_447 = arith.subi %add3A_423, %sub3A_446 : i32
      %ge3A_448 = arith.constant 0 : i32
      %ge3A_449 = arith.cmpi sge, %sub3A_447, %ge3A_448 : i32
      %mul3A_450 = arith.constant 16 : i32
      %mul3A_451 = arith.muli %sub3A_447, %mul3A_450 : i32
      %add3A_452 = arith.addi %mul3A_451, %arg1 : i32
      %lt3A_453 = arith.constant 4000 : i32
      %lt3A_454 = arith.cmpi slt, %add3A_452, %lt3A_453 : i32
      %and3A_455 = arith.andi %ge3A_449, %lt3A_454 : i1
      %convert_element_type3A_456 = arith.extui %and3A_455 : i1 to i32
      %cond3A_457 = arith.constant 0 : i32
      %cond3A_458 = arith.cmpi ne, %convert_element_type3A_456, %cond3A_457 : i32
      scf.if %cond3A_458 {
        %dma_wait3A = arith.constant 0 : i32
        %dma_wait3A_1044 = arith.constant 0 : i32
        %dma_wait3A_1045 = tpu.memref_slice %arg20[%dma_wait3A, %dma_wait3A_1044] : memref<10000x128xf32, #tpu.memory_space<vmem_shared>> -> memref<10000x128xf32, #tpu.memory_space<vmem_shared>>
        tpu.wait_indirect_dma semaphore(%arg29 : memref<!tpu.dma_semaphore, #tpu.memory_space<semaphore_mem>>) src(%arg16 : memref<80x128xf32, #tpu.memory_space<vmem>>) dst(%dma_wait3A_1045 : memref<10000x128xf32, #tpu.memory_space<vmem_shared>>)
        %dma_wait3A_1046 = arith.constant 0 : i32
        %dma_wait3A_1047 = arith.constant 0 : i32
        %dma_wait3A_1048 = tpu.memref_slice %arg21[%dma_wait3A_1046, %dma_wait3A_1047] : memref<10000x16xf32, #tpu.memory_space<vmem_shared>> -> memref<10000x16xf32, #tpu.memory_space<vmem_shared>>
        tpu.wait_indirect_dma semaphore(%arg29 : memref<!tpu.dma_semaphore, #tpu.memory_space<semaphore_mem>>) src(%arg19 : memref<80x16xf32, #tpu.memory_space<vmem>>) dst(%dma_wait3A_1048 : memref<10000x16xf32, #tpu.memory_space<vmem_shared>>)
      } else {
      }
      %add3A_459 = arith.constant 3 : i32
      %add3A_460 = arith.addi %add3A_423, %add3A_459 : i32
      %ge3A_461 = arith.constant 0 : i32
      %ge3A_462 = arith.cmpi sge, %add3A_460, %ge3A_461 : i32
      %mul3A_463 = arith.constant 16 : i32
      %mul3A_464 = arith.muli %add3A_460, %mul3A_463 : i32
      %add3A_465 = arith.addi %mul3A_464, %arg1 : i32
      %lt3A_466 = arith.constant 4000 : i32
      %lt3A_467 = arith.cmpi slt, %add3A_465, %lt3A_466 : i32
      %and3A_468 = arith.andi %ge3A_462, %lt3A_467 : i1
      %convert_element_type3A_469 = arith.extui %and3A_468 : i1 to i32
      %cond3A_470 = arith.constant 0 : i32
      %cond3A_471 = arith.cmpi ne, %convert_element_type3A_469, %cond3A_470 : i32
      scf.if %cond3A_471 {
        %mul3A_1044 = arith.constant 16 : i32
        %mul3A_1045 = arith.muli %add3A_460, %mul3A_1044 : i32
        %add3A_1046 = arith.addi %mul3A_1045, %arg1 : i32
        %mul3A_1047 = arith.constant 80 : i32
        %mul3A_1048 = arith.muli %add3A_1046, %mul3A_1047 : i32
        %add3A_1049 = arith.addi %mul3A_39, %mul3A_1048 : i32
        %dma_start3A = tpu.memref_slice %arg3[%add3A_1049] : memref<640000xi32, #tpu.memory_space<hbm>> -> memref<80xi32, #tpu.memory_space<hbm>>
        %dma_start3A_1050 = tpu.memref_slice %arg3[%add3A_1049] : memref<640000xi32, #tpu.memory_space<hbm>> -> memref<80xi32, #tpu.memory_space<hbm>>
        tpu.enqueue_dma source(%dma_start3A_1050 : memref<80xi32, #tpu.memory_space<hbm>>) target(%arg11 : memref<80xi32, #tpu.memory_space<vmem>>) target_semaphore(%arg25 : memref<!tpu.dma_semaphore, #tpu.memory_space<semaphore_mem>>)
        %dma_start3A_1051 = tpu.memref_slice %arg4[%add3A_1049] : memref<640000xi32, #tpu.memory_space<hbm>> -> memref<80xi32, #tpu.memory_space<hbm>>
        %dma_start3A_1052 = tpu.memref_slice %arg4[%add3A_1049] : memref<640000xi32, #tpu.memory_space<hbm>> -> memref<80xi32, #tpu.memory_space<hbm>>
        tpu.enqueue_dma source(%dma_start3A_1052 : memref<80xi32, #tpu.memory_space<hbm>>) target(%arg15 : memref<80xi32, #tpu.memory_space<vmem>>) target_semaphore(%arg25 : memref<!tpu.dma_semaphore, #tpu.memory_space<semaphore_mem>>)
      } else {
      }
      %add3A_472 = arith.constant 2 : i32
      %add3A_473 = arith.addi %add3A_423, %add3A_472 : i32
      %ge3A_474 = arith.constant 0 : i32
      %ge3A_475 = arith.cmpi sge, %add3A_473, %ge3A_474 : i32
      %mul3A_476 = arith.constant 16 : i32
      %mul3A_477 = arith.muli %add3A_473, %mul3A_476 : i32
      %add3A_478 = arith.addi %mul3A_477, %arg1 : i32
      %lt3A_479 = arith.constant 4000 : i32
      %lt3A_480 = arith.cmpi slt, %add3A_478, %lt3A_479 : i32
      %and3A_481 = arith.andi %ge3A_475, %lt3A_480 : i1
      %convert_element_type3A_482 = arith.extui %and3A_481 : i1 to i32
      %cond3A_483 = arith.constant 0 : i32
      %cond3A_484 = arith.cmpi ne, %convert_element_type3A_482, %cond3A_483 : i32
      scf.if %cond3A_484 {
        %mul3A_1044 = arith.constant 16 : i32
        %mul3A_1045 = arith.muli %add3A_473, %mul3A_1044 : i32
        %add3A_1046 = arith.addi %mul3A_1045, %arg1 : i32
        %mul3A_1047 = arith.constant 80 : i32
        %mul3A_1048 = arith.muli %add3A_1046, %mul3A_1047 : i32
        %add3A_1049 = arith.addi %mul3A_39, %mul3A_1048 : i32
        %dma_wait3A = tpu.memref_slice %arg3[%add3A_1049] : memref<640000xi32, #tpu.memory_space<hbm>> -> memref<80xi32, #tpu.memory_space<hbm>>
        %dma_wait3A_1050 = tpu.memref_slice %arg3[%add3A_1049] : memref<640000xi32, #tpu.memory_space<hbm>> -> memref<80xi32, #tpu.memory_space<hbm>>
        tpu.wait_dma2 semaphore(%arg24 : memref<!tpu.dma_semaphore, #tpu.memory_space<semaphore_mem>>) src(%dma_wait3A_1050 : memref<80xi32, #tpu.memory_space<hbm>>) dst(%arg10 : memref<80xi32, #tpu.memory_space<vmem>>)
        %dma_wait3A_1051 = tpu.memref_slice %arg4[%add3A_1049] : memref<640000xi32, #tpu.memory_space<hbm>> -> memref<80xi32, #tpu.memory_space<hbm>>
        %dma_wait3A_1052 = tpu.memref_slice %arg4[%add3A_1049] : memref<640000xi32, #tpu.memory_space<hbm>> -> memref<80xi32, #tpu.memory_space<hbm>>
        tpu.wait_dma2 semaphore(%arg24 : memref<!tpu.dma_semaphore, #tpu.memory_space<semaphore_mem>>) src(%dma_wait3A_1052 : memref<80xi32, #tpu.memory_space<hbm>>) dst(%arg14 : memref<80xi32, #tpu.memory_space<vmem>>)
      } else {
      }
      %add3A_485 = arith.constant 2 : i32
      %add3A_486 = arith.addi %add3A_423, %add3A_485 : i32
      %ge3A_487 = arith.constant 0 : i32
      %ge3A_488 = arith.cmpi sge, %add3A_486, %ge3A_487 : i32
      %mul3A_489 = arith.constant 16 : i32
      %mul3A_490 = arith.muli %add3A_486, %mul3A_489 : i32
      %add3A_491 = arith.addi %mul3A_490, %arg1 : i32
      %lt3A_492 = arith.constant 4000 : i32
      %lt3A_493 = arith.cmpi slt, %add3A_491, %lt3A_492 : i32
      %and3A_494 = arith.andi %ge3A_488, %lt3A_493 : i1
      %convert_element_type3A_495 = arith.extui %and3A_494 : i1 to i32
      %cond3A_496 = arith.constant 0 : i32
      %cond3A_497 = arith.cmpi ne, %convert_element_type3A_495, %cond3A_496 : i32
      scf.if %cond3A_497 {
        %dma_start3A = arith.constant 0 : i32
        %dma_start3A_1044 = arith.constant 0 : i32
        %dma_start3A_1045 = tpu.memref_slice %arg2[%dma_start3A, %dma_start3A_1044] : memref<20000x128xf32, #tpu.memory_space<hbm>> -> memref<20000x128xf32, #tpu.memory_space<hbm>>
        tpu.enqueue_indirect_dma source(%dma_start3A_1045 : memref<20000x128xf32, #tpu.memory_space<hbm>>) target(%arg16 : memref<80x128xf32, #tpu.memory_space<vmem>>) offsets(%arg10 : memref<80xi32, #tpu.memory_space<vmem>>) semaphore(%arg26 : memref<!tpu.dma_semaphore, #tpu.memory_space<semaphore_mem>>)
      } else {
      }
      %mul3A_498 = arith.constant 12 : i32
      %mul3A_499 = arith.muli %scan3A_109, %mul3A_498 : i32
      %add3A_500 = arith.constant 5 : i32
      %add3A_501 = arith.addi %mul3A_499, %add3A_500 : i32
      %ge3A_502 = arith.constant 0 : i32
      %ge3A_503 = arith.cmpi sge, %add3A_501, %ge3A_502 : i32
      %mul3A_504 = arith.constant 16 : i32
      %mul3A_505 = arith.muli %add3A_501, %mul3A_504 : i32
      %add3A_506 = arith.addi %mul3A_505, %arg1 : i32
      %lt3A_507 = arith.constant 4000 : i32
      %lt3A_508 = arith.cmpi slt, %add3A_506, %lt3A_507 : i32
      %and3A_509 = arith.andi %ge3A_503, %lt3A_508 : i1
      %convert_element_type3A_510 = arith.extui %and3A_509 : i1 to i32
      %cond3A_511 = arith.constant 0 : i32
      %cond3A_512 = arith.cmpi ne, %convert_element_type3A_510, %cond3A_511 : i32
      scf.if %cond3A_512 {
        %dma_wait3A = arith.constant 0 : i32
        %dma_wait3A_1044 = arith.constant 0 : i32
        %dma_wait3A_1045 = tpu.memref_slice %arg2[%dma_wait3A, %dma_wait3A_1044] : memref<20000x128xf32, #tpu.memory_space<hbm>> -> memref<20000x128xf32, #tpu.memory_space<hbm>>
        tpu.wait_indirect_dma semaphore(%arg28 : memref<!tpu.dma_semaphore, #tpu.memory_space<semaphore_mem>>) src(%dma_wait3A_1045 : memref<20000x128xf32, #tpu.memory_space<hbm>>) dst(%arg18 : memref<80x128xf32, #tpu.memory_space<vmem>>)
      } else {
      }
      %ge3A_513 = arith.constant 0 : i32
      %ge3A_514 = arith.cmpi sge, %add3A_501, %ge3A_513 : i32
      %mul3A_515 = arith.constant 16 : i32
      %mul3A_516 = arith.muli %add3A_501, %mul3A_515 : i32
      %add3A_517 = arith.addi %mul3A_516, %arg1 : i32
      %lt3A_518 = arith.constant 4000 : i32
      %lt3A_519 = arith.cmpi slt, %add3A_517, %lt3A_518 : i32
      %and3A_520 = arith.andi %ge3A_514, %lt3A_519 : i1
      %convert_element_type3A_521 = arith.extui %and3A_520 : i1 to i32
      %cond3A_522 = arith.constant 0 : i32
      %cond3A_523 = arith.cmpi ne, %convert_element_type3A_521, %cond3A_522 : i32
      scf.if %cond3A_523 {
        %dma_start3A = arith.constant 0 : i32
        %dma_start3A_1044 = arith.constant 0 : i32
        %dma_start3A_1045 = tpu.memref_slice %arg20[%dma_start3A, %dma_start3A_1044] : memref<10000x128xf32, #tpu.memory_space<vmem_shared>> -> memref<10000x128xf32, #tpu.memory_space<vmem_shared>>
        tpu.enqueue_indirect_dma source(%arg18 : memref<80x128xf32, #tpu.memory_space<vmem>>) target(%dma_start3A_1045 : memref<10000x128xf32, #tpu.memory_space<vmem_shared>>) offsets(%arg13 : memref<80xi32, #tpu.memory_space<vmem>>) semaphore(%arg31 : memref<!tpu.dma_semaphore, #tpu.memory_space<semaphore_mem>>) {add = true}
        %dma_start3A_1046 = arith.constant 0 : i32
        %dma_start3A_1047 = arith.constant 0 : i32
        %dma_start3A_1048 = tpu.memref_slice %arg21[%dma_start3A_1046, %dma_start3A_1047] : memref<10000x16xf32, #tpu.memory_space<vmem_shared>> -> memref<10000x16xf32, #tpu.memory_space<vmem_shared>>
        tpu.enqueue_indirect_dma source(%arg19 : memref<80x16xf32, #tpu.memory_space<vmem>>) target(%dma_start3A_1048 : memref<10000x16xf32, #tpu.memory_space<vmem_shared>>) offsets(%arg13 : memref<80xi32, #tpu.memory_space<vmem>>) semaphore(%arg31 : memref<!tpu.dma_semaphore, #tpu.memory_space<semaphore_mem>>) {add = true}
      } else {
      }
      %sub3A_524 = arith.constant 1 : i32
      %sub3A_525 = arith.subi %add3A_501, %sub3A_524 : i32
      %ge3A_526 = arith.constant 0 : i32
      %ge3A_527 = arith.cmpi sge, %sub3A_525, %ge3A_526 : i32
      %mul3A_528 = arith.constant 16 : i32
      %mul3A_529 = arith.muli %sub3A_525, %mul3A_528 : i32
      %add3A_530 = arith.addi %mul3A_529, %arg1 : i32
      %lt3A_531 = arith.constant 4000 : i32
      %lt3A_532 = arith.cmpi slt, %add3A_530, %lt3A_531 : i32
      %and3A_533 = arith.andi %ge3A_527, %lt3A_532 : i1
      %convert_element_type3A_534 = arith.extui %and3A_533 : i1 to i32
      %cond3A_535 = arith.constant 0 : i32
      %cond3A_536 = arith.cmpi ne, %convert_element_type3A_534, %cond3A_535 : i32
      scf.if %cond3A_536 {
        %dma_wait3A = arith.constant 0 : i32
        %dma_wait3A_1044 = arith.constant 0 : i32
        %dma_wait3A_1045 = tpu.memref_slice %arg20[%dma_wait3A, %dma_wait3A_1044] : memref<10000x128xf32, #tpu.memory_space<vmem_shared>> -> memref<10000x128xf32, #tpu.memory_space<vmem_shared>>
        tpu.wait_indirect_dma semaphore(%arg30 : memref<!tpu.dma_semaphore, #tpu.memory_space<semaphore_mem>>) src(%arg17 : memref<80x128xf32, #tpu.memory_space<vmem>>) dst(%dma_wait3A_1045 : memref<10000x128xf32, #tpu.memory_space<vmem_shared>>)
        %dma_wait3A_1046 = arith.constant 0 : i32
        %dma_wait3A_1047 = arith.constant 0 : i32
        %dma_wait3A_1048 = tpu.memref_slice %arg21[%dma_wait3A_1046, %dma_wait3A_1047] : memref<10000x16xf32, #tpu.memory_space<vmem_shared>> -> memref<10000x16xf32, #tpu.memory_space<vmem_shared>>
        tpu.wait_indirect_dma semaphore(%arg30 : memref<!tpu.dma_semaphore, #tpu.memory_space<semaphore_mem>>) src(%arg19 : memref<80x16xf32, #tpu.memory_space<vmem>>) dst(%dma_wait3A_1048 : memref<10000x16xf32, #tpu.memory_space<vmem_shared>>)
      } else {
      }
      %add3A_537 = arith.constant 3 : i32
      %add3A_538 = arith.addi %add3A_501, %add3A_537 : i32
      %ge3A_539 = arith.constant 0 : i32
      %ge3A_540 = arith.cmpi sge, %add3A_538, %ge3A_539 : i32
      %mul3A_541 = arith.constant 16 : i32
      %mul3A_542 = arith.muli %add3A_538, %mul3A_541 : i32
      %add3A_543 = arith.addi %mul3A_542, %arg1 : i32
      %lt3A_544 = arith.constant 4000 : i32
      %lt3A_545 = arith.cmpi slt, %add3A_543, %lt3A_544 : i32
      %and3A_546 = arith.andi %ge3A_540, %lt3A_545 : i1
      %convert_element_type3A_547 = arith.extui %and3A_546 : i1 to i32
      %cond3A_548 = arith.constant 0 : i32
      %cond3A_549 = arith.cmpi ne, %convert_element_type3A_547, %cond3A_548 : i32
      scf.if %cond3A_549 {
        %mul3A_1044 = arith.constant 16 : i32
        %mul3A_1045 = arith.muli %add3A_538, %mul3A_1044 : i32
        %add3A_1046 = arith.addi %mul3A_1045, %arg1 : i32
        %mul3A_1047 = arith.constant 80 : i32
        %mul3A_1048 = arith.muli %add3A_1046, %mul3A_1047 : i32
        %add3A_1049 = arith.addi %mul3A_39, %mul3A_1048 : i32
        %dma_start3A = tpu.memref_slice %arg3[%add3A_1049] : memref<640000xi32, #tpu.memory_space<hbm>> -> memref<80xi32, #tpu.memory_space<hbm>>
        %dma_start3A_1050 = tpu.memref_slice %arg3[%add3A_1049] : memref<640000xi32, #tpu.memory_space<hbm>> -> memref<80xi32, #tpu.memory_space<hbm>>
        tpu.enqueue_dma source(%dma_start3A_1050 : memref<80xi32, #tpu.memory_space<hbm>>) target(%arg8 : memref<80xi32, #tpu.memory_space<vmem>>) target_semaphore(%arg22 : memref<!tpu.dma_semaphore, #tpu.memory_space<semaphore_mem>>)
        %dma_start3A_1051 = tpu.memref_slice %arg4[%add3A_1049] : memref<640000xi32, #tpu.memory_space<hbm>> -> memref<80xi32, #tpu.memory_space<hbm>>
        %dma_start3A_1052 = tpu.memref_slice %arg4[%add3A_1049] : memref<640000xi32, #tpu.memory_space<hbm>> -> memref<80xi32, #tpu.memory_space<hbm>>
        tpu.enqueue_dma source(%dma_start3A_1052 : memref<80xi32, #tpu.memory_space<hbm>>) target(%arg12 : memref<80xi32, #tpu.memory_space<vmem>>) target_semaphore(%arg22 : memref<!tpu.dma_semaphore, #tpu.memory_space<semaphore_mem>>)
      } else {
      }
      %add3A_550 = arith.constant 2 : i32
      %add3A_551 = arith.addi %add3A_501, %add3A_550 : i32
      %ge3A_552 = arith.constant 0 : i32
      %ge3A_553 = arith.cmpi sge, %add3A_551, %ge3A_552 : i32
      %mul3A_554 = arith.constant 16 : i32
      %mul3A_555 = arith.muli %add3A_551, %mul3A_554 : i32
      %add3A_556 = arith.addi %mul3A_555, %arg1 : i32
      %lt3A_557 = arith.constant 4000 : i32
      %lt3A_558 = arith.cmpi slt, %add3A_556, %lt3A_557 : i32
      %and3A_559 = arith.andi %ge3A_553, %lt3A_558 : i1
      %convert_element_type3A_560 = arith.extui %and3A_559 : i1 to i32
      %cond3A_561 = arith.constant 0 : i32
      %cond3A_562 = arith.cmpi ne, %convert_element_type3A_560, %cond3A_561 : i32
      scf.if %cond3A_562 {
        %mul3A_1044 = arith.constant 16 : i32
        %mul3A_1045 = arith.muli %add3A_551, %mul3A_1044 : i32
        %add3A_1046 = arith.addi %mul3A_1045, %arg1 : i32
        %mul3A_1047 = arith.constant 80 : i32
        %mul3A_1048 = arith.muli %add3A_1046, %mul3A_1047 : i32
        %add3A_1049 = arith.addi %mul3A_39, %mul3A_1048 : i32
        %dma_wait3A = tpu.memref_slice %arg3[%add3A_1049] : memref<640000xi32, #tpu.memory_space<hbm>> -> memref<80xi32, #tpu.memory_space<hbm>>
        %dma_wait3A_1050 = tpu.memref_slice %arg3[%add3A_1049] : memref<640000xi32, #tpu.memory_space<hbm>> -> memref<80xi32, #tpu.memory_space<hbm>>
        tpu.wait_dma2 semaphore(%arg25 : memref<!tpu.dma_semaphore, #tpu.memory_space<semaphore_mem>>) src(%dma_wait3A_1050 : memref<80xi32, #tpu.memory_space<hbm>>) dst(%arg11 : memref<80xi32, #tpu.memory_space<vmem>>)
        %dma_wait3A_1051 = tpu.memref_slice %arg4[%add3A_1049] : memref<640000xi32, #tpu.memory_space<hbm>> -> memref<80xi32, #tpu.memory_space<hbm>>
        %dma_wait3A_1052 = tpu.memref_slice %arg4[%add3A_1049] : memref<640000xi32, #tpu.memory_space<hbm>> -> memref<80xi32, #tpu.memory_space<hbm>>
        tpu.wait_dma2 semaphore(%arg25 : memref<!tpu.dma_semaphore, #tpu.memory_space<semaphore_mem>>) src(%dma_wait3A_1052 : memref<80xi32, #tpu.memory_space<hbm>>) dst(%arg15 : memref<80xi32, #tpu.memory_space<vmem>>)
      } else {
      }
      %add3A_563 = arith.constant 2 : i32
      %add3A_564 = arith.addi %add3A_501, %add3A_563 : i32
      %ge3A_565 = arith.constant 0 : i32
      %ge3A_566 = arith.cmpi sge, %add3A_564, %ge3A_565 : i32
      %mul3A_567 = arith.constant 16 : i32
      %mul3A_568 = arith.muli %add3A_564, %mul3A_567 : i32
      %add3A_569 = arith.addi %mul3A_568, %arg1 : i32
      %lt3A_570 = arith.constant 4000 : i32
      %lt3A_571 = arith.cmpi slt, %add3A_569, %lt3A_570 : i32
      %and3A_572 = arith.andi %ge3A_566, %lt3A_571 : i1
      %convert_element_type3A_573 = arith.extui %and3A_572 : i1 to i32
      %cond3A_574 = arith.constant 0 : i32
      %cond3A_575 = arith.cmpi ne, %convert_element_type3A_573, %cond3A_574 : i32
      scf.if %cond3A_575 {
        %dma_start3A = arith.constant 0 : i32
        %dma_start3A_1044 = arith.constant 0 : i32
        %dma_start3A_1045 = tpu.memref_slice %arg2[%dma_start3A, %dma_start3A_1044] : memref<20000x128xf32, #tpu.memory_space<hbm>> -> memref<20000x128xf32, #tpu.memory_space<hbm>>
        tpu.enqueue_indirect_dma source(%dma_start3A_1045 : memref<20000x128xf32, #tpu.memory_space<hbm>>) target(%arg17 : memref<80x128xf32, #tpu.memory_space<vmem>>) offsets(%arg11 : memref<80xi32, #tpu.memory_space<vmem>>) semaphore(%arg27 : memref<!tpu.dma_semaphore, #tpu.memory_space<semaphore_mem>>)
      } else {
      }
      %mul3A_576 = arith.constant 12 : i32
      %mul3A_577 = arith.muli %scan3A_109, %mul3A_576 : i32
      %add3A_578 = arith.constant 6 : i32
      %add3A_579 = arith.addi %mul3A_577, %add3A_578 : i32
      %ge3A_580 = arith.constant 0 : i32
      %ge3A_581 = arith.cmpi sge, %add3A_579, %ge3A_580 : i32
      %mul3A_582 = arith.constant 16 : i32
      %mul3A_583 = arith.muli %add3A_579, %mul3A_582 : i32
      %add3A_584 = arith.addi %mul3A_583, %arg1 : i32
      %lt3A_585 = arith.constant 4000 : i32
      %lt3A_586 = arith.cmpi slt, %add3A_584, %lt3A_585 : i32
      %and3A_587 = arith.andi %ge3A_581, %lt3A_586 : i1
      %convert_element_type3A_588 = arith.extui %and3A_587 : i1 to i32
      %cond3A_589 = arith.constant 0 : i32
      %cond3A_590 = arith.cmpi ne, %convert_element_type3A_588, %cond3A_589 : i32
      scf.if %cond3A_590 {
        %dma_wait3A = arith.constant 0 : i32
        %dma_wait3A_1044 = arith.constant 0 : i32
        %dma_wait3A_1045 = tpu.memref_slice %arg2[%dma_wait3A, %dma_wait3A_1044] : memref<20000x128xf32, #tpu.memory_space<hbm>> -> memref<20000x128xf32, #tpu.memory_space<hbm>>
        tpu.wait_indirect_dma semaphore(%arg26 : memref<!tpu.dma_semaphore, #tpu.memory_space<semaphore_mem>>) src(%dma_wait3A_1045 : memref<20000x128xf32, #tpu.memory_space<hbm>>) dst(%arg16 : memref<80x128xf32, #tpu.memory_space<vmem>>)
      } else {
      }
      %ge3A_591 = arith.constant 0 : i32
      %ge3A_592 = arith.cmpi sge, %add3A_579, %ge3A_591 : i32
      %mul3A_593 = arith.constant 16 : i32
      %mul3A_594 = arith.muli %add3A_579, %mul3A_593 : i32
      %add3A_595 = arith.addi %mul3A_594, %arg1 : i32
      %lt3A_596 = arith.constant 4000 : i32
      %lt3A_597 = arith.cmpi slt, %add3A_595, %lt3A_596 : i32
      %and3A_598 = arith.andi %ge3A_592, %lt3A_597 : i1
      %convert_element_type3A_599 = arith.extui %and3A_598 : i1 to i32
      %cond3A_600 = arith.constant 0 : i32
      %cond3A_601 = arith.cmpi ne, %convert_element_type3A_599, %cond3A_600 : i32
      scf.if %cond3A_601 {
        %dma_start3A = arith.constant 0 : i32
        %dma_start3A_1044 = arith.constant 0 : i32
        %dma_start3A_1045 = tpu.memref_slice %arg20[%dma_start3A, %dma_start3A_1044] : memref<10000x128xf32, #tpu.memory_space<vmem_shared>> -> memref<10000x128xf32, #tpu.memory_space<vmem_shared>>
        tpu.enqueue_indirect_dma source(%arg16 : memref<80x128xf32, #tpu.memory_space<vmem>>) target(%dma_start3A_1045 : memref<10000x128xf32, #tpu.memory_space<vmem_shared>>) offsets(%arg14 : memref<80xi32, #tpu.memory_space<vmem>>) semaphore(%arg29 : memref<!tpu.dma_semaphore, #tpu.memory_space<semaphore_mem>>) {add = true}
        %dma_start3A_1046 = arith.constant 0 : i32
        %dma_start3A_1047 = arith.constant 0 : i32
        %dma_start3A_1048 = tpu.memref_slice %arg21[%dma_start3A_1046, %dma_start3A_1047] : memref<10000x16xf32, #tpu.memory_space<vmem_shared>> -> memref<10000x16xf32, #tpu.memory_space<vmem_shared>>
        tpu.enqueue_indirect_dma source(%arg19 : memref<80x16xf32, #tpu.memory_space<vmem>>) target(%dma_start3A_1048 : memref<10000x16xf32, #tpu.memory_space<vmem_shared>>) offsets(%arg14 : memref<80xi32, #tpu.memory_space<vmem>>) semaphore(%arg29 : memref<!tpu.dma_semaphore, #tpu.memory_space<semaphore_mem>>) {add = true}
      } else {
      }
      %sub3A_602 = arith.constant 1 : i32
      %sub3A_603 = arith.subi %add3A_579, %sub3A_602 : i32
      %ge3A_604 = arith.constant 0 : i32
      %ge3A_605 = arith.cmpi sge, %sub3A_603, %ge3A_604 : i32
      %mul3A_606 = arith.constant 16 : i32
      %mul3A_607 = arith.muli %sub3A_603, %mul3A_606 : i32
      %add3A_608 = arith.addi %mul3A_607, %arg1 : i32
      %lt3A_609 = arith.constant 4000 : i32
      %lt3A_610 = arith.cmpi slt, %add3A_608, %lt3A_609 : i32
      %and3A_611 = arith.andi %ge3A_605, %lt3A_610 : i1
      %convert_element_type3A_612 = arith.extui %and3A_611 : i1 to i32
      %cond3A_613 = arith.constant 0 : i32
      %cond3A_614 = arith.cmpi ne, %convert_element_type3A_612, %cond3A_613 : i32
      scf.if %cond3A_614 {
        %dma_wait3A = arith.constant 0 : i32
        %dma_wait3A_1044 = arith.constant 0 : i32
        %dma_wait3A_1045 = tpu.memref_slice %arg20[%dma_wait3A, %dma_wait3A_1044] : memref<10000x128xf32, #tpu.memory_space<vmem_shared>> -> memref<10000x128xf32, #tpu.memory_space<vmem_shared>>
        tpu.wait_indirect_dma semaphore(%arg31 : memref<!tpu.dma_semaphore, #tpu.memory_space<semaphore_mem>>) src(%arg18 : memref<80x128xf32, #tpu.memory_space<vmem>>) dst(%dma_wait3A_1045 : memref<10000x128xf32, #tpu.memory_space<vmem_shared>>)
        %dma_wait3A_1046 = arith.constant 0 : i32
        %dma_wait3A_1047 = arith.constant 0 : i32
        %dma_wait3A_1048 = tpu.memref_slice %arg21[%dma_wait3A_1046, %dma_wait3A_1047] : memref<10000x16xf32, #tpu.memory_space<vmem_shared>> -> memref<10000x16xf32, #tpu.memory_space<vmem_shared>>
        tpu.wait_indirect_dma semaphore(%arg31 : memref<!tpu.dma_semaphore, #tpu.memory_space<semaphore_mem>>) src(%arg19 : memref<80x16xf32, #tpu.memory_space<vmem>>) dst(%dma_wait3A_1048 : memref<10000x16xf32, #tpu.memory_space<vmem_shared>>)
      } else {
      }
      %add3A_615 = arith.constant 3 : i32
      %add3A_616 = arith.addi %add3A_579, %add3A_615 : i32
      %ge3A_617 = arith.constant 0 : i32
      %ge3A_618 = arith.cmpi sge, %add3A_616, %ge3A_617 : i32
      %mul3A_619 = arith.constant 16 : i32
      %mul3A_620 = arith.muli %add3A_616, %mul3A_619 : i32
      %add3A_621 = arith.addi %mul3A_620, %arg1 : i32
      %lt3A_622 = arith.constant 4000 : i32
      %lt3A_623 = arith.cmpi slt, %add3A_621, %lt3A_622 : i32
      %and3A_624 = arith.andi %ge3A_618, %lt3A_623 : i1
      %convert_element_type3A_625 = arith.extui %and3A_624 : i1 to i32
      %cond3A_626 = arith.constant 0 : i32
      %cond3A_627 = arith.cmpi ne, %convert_element_type3A_625, %cond3A_626 : i32
      scf.if %cond3A_627 {
        %mul3A_1044 = arith.constant 16 : i32
        %mul3A_1045 = arith.muli %add3A_616, %mul3A_1044 : i32
        %add3A_1046 = arith.addi %mul3A_1045, %arg1 : i32
        %mul3A_1047 = arith.constant 80 : i32
        %mul3A_1048 = arith.muli %add3A_1046, %mul3A_1047 : i32
        %add3A_1049 = arith.addi %mul3A_39, %mul3A_1048 : i32
        %dma_start3A = tpu.memref_slice %arg3[%add3A_1049] : memref<640000xi32, #tpu.memory_space<hbm>> -> memref<80xi32, #tpu.memory_space<hbm>>
        %dma_start3A_1050 = tpu.memref_slice %arg3[%add3A_1049] : memref<640000xi32, #tpu.memory_space<hbm>> -> memref<80xi32, #tpu.memory_space<hbm>>
        tpu.enqueue_dma source(%dma_start3A_1050 : memref<80xi32, #tpu.memory_space<hbm>>) target(%arg9 : memref<80xi32, #tpu.memory_space<vmem>>) target_semaphore(%arg23 : memref<!tpu.dma_semaphore, #tpu.memory_space<semaphore_mem>>)
        %dma_start3A_1051 = tpu.memref_slice %arg4[%add3A_1049] : memref<640000xi32, #tpu.memory_space<hbm>> -> memref<80xi32, #tpu.memory_space<hbm>>
        %dma_start3A_1052 = tpu.memref_slice %arg4[%add3A_1049] : memref<640000xi32, #tpu.memory_space<hbm>> -> memref<80xi32, #tpu.memory_space<hbm>>
        tpu.enqueue_dma source(%dma_start3A_1052 : memref<80xi32, #tpu.memory_space<hbm>>) target(%arg13 : memref<80xi32, #tpu.memory_space<vmem>>) target_semaphore(%arg23 : memref<!tpu.dma_semaphore, #tpu.memory_space<semaphore_mem>>)
      } else {
      }
      %add3A_628 = arith.constant 2 : i32
      %add3A_629 = arith.addi %add3A_579, %add3A_628 : i32
      %ge3A_630 = arith.constant 0 : i32
      %ge3A_631 = arith.cmpi sge, %add3A_629, %ge3A_630 : i32
      %mul3A_632 = arith.constant 16 : i32
      %mul3A_633 = arith.muli %add3A_629, %mul3A_632 : i32
      %add3A_634 = arith.addi %mul3A_633, %arg1 : i32
      %lt3A_635 = arith.constant 4000 : i32
      %lt3A_636 = arith.cmpi slt, %add3A_634, %lt3A_635 : i32
      %and3A_637 = arith.andi %ge3A_631, %lt3A_636 : i1
      %convert_element_type3A_638 = arith.extui %and3A_637 : i1 to i32
      %cond3A_639 = arith.constant 0 : i32
      %cond3A_640 = arith.cmpi ne, %convert_element_type3A_638, %cond3A_639 : i32
      scf.if %cond3A_640 {
        %mul3A_1044 = arith.constant 16 : i32
        %mul3A_1045 = arith.muli %add3A_629, %mul3A_1044 : i32
        %add3A_1046 = arith.addi %mul3A_1045, %arg1 : i32
        %mul3A_1047 = arith.constant 80 : i32
        %mul3A_1048 = arith.muli %add3A_1046, %mul3A_1047 : i32
        %add3A_1049 = arith.addi %mul3A_39, %mul3A_1048 : i32
        %dma_wait3A = tpu.memref_slice %arg3[%add3A_1049] : memref<640000xi32, #tpu.memory_space<hbm>> -> memref<80xi32, #tpu.memory_space<hbm>>
        %dma_wait3A_1050 = tpu.memref_slice %arg3[%add3A_1049] : memref<640000xi32, #tpu.memory_space<hbm>> -> memref<80xi32, #tpu.memory_space<hbm>>
        tpu.wait_dma2 semaphore(%arg22 : memref<!tpu.dma_semaphore, #tpu.memory_space<semaphore_mem>>) src(%dma_wait3A_1050 : memref<80xi32, #tpu.memory_space<hbm>>) dst(%arg8 : memref<80xi32, #tpu.memory_space<vmem>>)
        %dma_wait3A_1051 = tpu.memref_slice %arg4[%add3A_1049] : memref<640000xi32, #tpu.memory_space<hbm>> -> memref<80xi32, #tpu.memory_space<hbm>>
        %dma_wait3A_1052 = tpu.memref_slice %arg4[%add3A_1049] : memref<640000xi32, #tpu.memory_space<hbm>> -> memref<80xi32, #tpu.memory_space<hbm>>
        tpu.wait_dma2 semaphore(%arg22 : memref<!tpu.dma_semaphore, #tpu.memory_space<semaphore_mem>>) src(%dma_wait3A_1052 : memref<80xi32, #tpu.memory_space<hbm>>) dst(%arg12 : memref<80xi32, #tpu.memory_space<vmem>>)
      } else {
      }
      %add3A_641 = arith.constant 2 : i32
      %add3A_642 = arith.addi %add3A_579, %add3A_641 : i32
      %ge3A_643 = arith.constant 0 : i32
      %ge3A_644 = arith.cmpi sge, %add3A_642, %ge3A_643 : i32
      %mul3A_645 = arith.constant 16 : i32
      %mul3A_646 = arith.muli %add3A_642, %mul3A_645 : i32
      %add3A_647 = arith.addi %mul3A_646, %arg1 : i32
      %lt3A_648 = arith.constant 4000 : i32
      %lt3A_649 = arith.cmpi slt, %add3A_647, %lt3A_648 : i32
      %and3A_650 = arith.andi %ge3A_644, %lt3A_649 : i1
      %convert_element_type3A_651 = arith.extui %and3A_650 : i1 to i32
      %cond3A_652 = arith.constant 0 : i32
      %cond3A_653 = arith.cmpi ne, %convert_element_type3A_651, %cond3A_652 : i32
      scf.if %cond3A_653 {
        %dma_start3A = arith.constant 0 : i32
        %dma_start3A_1044 = arith.constant 0 : i32
        %dma_start3A_1045 = tpu.memref_slice %arg2[%dma_start3A, %dma_start3A_1044] : memref<20000x128xf32, #tpu.memory_space<hbm>> -> memref<20000x128xf32, #tpu.memory_space<hbm>>
        tpu.enqueue_indirect_dma source(%dma_start3A_1045 : memref<20000x128xf32, #tpu.memory_space<hbm>>) target(%arg18 : memref<80x128xf32, #tpu.memory_space<vmem>>) offsets(%arg8 : memref<80xi32, #tpu.memory_space<vmem>>) semaphore(%arg28 : memref<!tpu.dma_semaphore, #tpu.memory_space<semaphore_mem>>)
      } else {
      }
      %mul3A_654 = arith.constant 12 : i32
      %mul3A_655 = arith.muli %scan3A_109, %mul3A_654 : i32
      %add3A_656 = arith.constant 7 : i32
      %add3A_657 = arith.addi %mul3A_655, %add3A_656 : i32
      %ge3A_658 = arith.constant 0 : i32
      %ge3A_659 = arith.cmpi sge, %add3A_657, %ge3A_658 : i32
      %mul3A_660 = arith.constant 16 : i32
      %mul3A_661 = arith.muli %add3A_657, %mul3A_660 : i32
      %add3A_662 = arith.addi %mul3A_661, %arg1 : i32
      %lt3A_663 = arith.constant 4000 : i32
      %lt3A_664 = arith.cmpi slt, %add3A_662, %lt3A_663 : i32
      %and3A_665 = arith.andi %ge3A_659, %lt3A_664 : i1
      %convert_element_type3A_666 = arith.extui %and3A_665 : i1 to i32
      %cond3A_667 = arith.constant 0 : i32
      %cond3A_668 = arith.cmpi ne, %convert_element_type3A_666, %cond3A_667 : i32
      scf.if %cond3A_668 {
        %dma_wait3A = arith.constant 0 : i32
        %dma_wait3A_1044 = arith.constant 0 : i32
        %dma_wait3A_1045 = tpu.memref_slice %arg2[%dma_wait3A, %dma_wait3A_1044] : memref<20000x128xf32, #tpu.memory_space<hbm>> -> memref<20000x128xf32, #tpu.memory_space<hbm>>
        tpu.wait_indirect_dma semaphore(%arg27 : memref<!tpu.dma_semaphore, #tpu.memory_space<semaphore_mem>>) src(%dma_wait3A_1045 : memref<20000x128xf32, #tpu.memory_space<hbm>>) dst(%arg17 : memref<80x128xf32, #tpu.memory_space<vmem>>)
      } else {
      }
      %ge3A_669 = arith.constant 0 : i32
      %ge3A_670 = arith.cmpi sge, %add3A_657, %ge3A_669 : i32
      %mul3A_671 = arith.constant 16 : i32
      %mul3A_672 = arith.muli %add3A_657, %mul3A_671 : i32
      %add3A_673 = arith.addi %mul3A_672, %arg1 : i32
      %lt3A_674 = arith.constant 4000 : i32
      %lt3A_675 = arith.cmpi slt, %add3A_673, %lt3A_674 : i32
      %and3A_676 = arith.andi %ge3A_670, %lt3A_675 : i1
      %convert_element_type3A_677 = arith.extui %and3A_676 : i1 to i32
      %cond3A_678 = arith.constant 0 : i32
      %cond3A_679 = arith.cmpi ne, %convert_element_type3A_677, %cond3A_678 : i32
      scf.if %cond3A_679 {
        %dma_start3A = arith.constant 0 : i32
        %dma_start3A_1044 = arith.constant 0 : i32
        %dma_start3A_1045 = tpu.memref_slice %arg20[%dma_start3A, %dma_start3A_1044] : memref<10000x128xf32, #tpu.memory_space<vmem_shared>> -> memref<10000x128xf32, #tpu.memory_space<vmem_shared>>
        tpu.enqueue_indirect_dma source(%arg17 : memref<80x128xf32, #tpu.memory_space<vmem>>) target(%dma_start3A_1045 : memref<10000x128xf32, #tpu.memory_space<vmem_shared>>) offsets(%arg15 : memref<80xi32, #tpu.memory_space<vmem>>) semaphore(%arg30 : memref<!tpu.dma_semaphore, #tpu.memory_space<semaphore_mem>>) {add = true}
        %dma_start3A_1046 = arith.constant 0 : i32
        %dma_start3A_1047 = arith.constant 0 : i32
        %dma_start3A_1048 = tpu.memref_slice %arg21[%dma_start3A_1046, %dma_start3A_1047] : memref<10000x16xf32, #tpu.memory_space<vmem_shared>> -> memref<10000x16xf32, #tpu.memory_space<vmem_shared>>
        tpu.enqueue_indirect_dma source(%arg19 : memref<80x16xf32, #tpu.memory_space<vmem>>) target(%dma_start3A_1048 : memref<10000x16xf32, #tpu.memory_space<vmem_shared>>) offsets(%arg15 : memref<80xi32, #tpu.memory_space<vmem>>) semaphore(%arg30 : memref<!tpu.dma_semaphore, #tpu.memory_space<semaphore_mem>>) {add = true}
      } else {
      }
      %sub3A_680 = arith.constant 1 : i32
      %sub3A_681 = arith.subi %add3A_657, %sub3A_680 : i32
      %ge3A_682 = arith.constant 0 : i32
      %ge3A_683 = arith.cmpi sge, %sub3A_681, %ge3A_682 : i32
      %mul3A_684 = arith.constant 16 : i32
      %mul3A_685 = arith.muli %sub3A_681, %mul3A_684 : i32
      %add3A_686 = arith.addi %mul3A_685, %arg1 : i32
      %lt3A_687 = arith.constant 4000 : i32
      %lt3A_688 = arith.cmpi slt, %add3A_686, %lt3A_687 : i32
      %and3A_689 = arith.andi %ge3A_683, %lt3A_688 : i1
      %convert_element_type3A_690 = arith.extui %and3A_689 : i1 to i32
      %cond3A_691 = arith.constant 0 : i32
      %cond3A_692 = arith.cmpi ne, %convert_element_type3A_690, %cond3A_691 : i32
      scf.if %cond3A_692 {
        %dma_wait3A = arith.constant 0 : i32
        %dma_wait3A_1044 = arith.constant 0 : i32
        %dma_wait3A_1045 = tpu.memref_slice %arg20[%dma_wait3A, %dma_wait3A_1044] : memref<10000x128xf32, #tpu.memory_space<vmem_shared>> -> memref<10000x128xf32, #tpu.memory_space<vmem_shared>>
        tpu.wait_indirect_dma semaphore(%arg29 : memref<!tpu.dma_semaphore, #tpu.memory_space<semaphore_mem>>) src(%arg16 : memref<80x128xf32, #tpu.memory_space<vmem>>) dst(%dma_wait3A_1045 : memref<10000x128xf32, #tpu.memory_space<vmem_shared>>)
        %dma_wait3A_1046 = arith.constant 0 : i32
        %dma_wait3A_1047 = arith.constant 0 : i32
        %dma_wait3A_1048 = tpu.memref_slice %arg21[%dma_wait3A_1046, %dma_wait3A_1047] : memref<10000x16xf32, #tpu.memory_space<vmem_shared>> -> memref<10000x16xf32, #tpu.memory_space<vmem_shared>>
        tpu.wait_indirect_dma semaphore(%arg29 : memref<!tpu.dma_semaphore, #tpu.memory_space<semaphore_mem>>) src(%arg19 : memref<80x16xf32, #tpu.memory_space<vmem>>) dst(%dma_wait3A_1048 : memref<10000x16xf32, #tpu.memory_space<vmem_shared>>)
      } else {
      }
      %add3A_693 = arith.constant 3 : i32
      %add3A_694 = arith.addi %add3A_657, %add3A_693 : i32
      %ge3A_695 = arith.constant 0 : i32
      %ge3A_696 = arith.cmpi sge, %add3A_694, %ge3A_695 : i32
      %mul3A_697 = arith.constant 16 : i32
      %mul3A_698 = arith.muli %add3A_694, %mul3A_697 : i32
      %add3A_699 = arith.addi %mul3A_698, %arg1 : i32
      %lt3A_700 = arith.constant 4000 : i32
      %lt3A_701 = arith.cmpi slt, %add3A_699, %lt3A_700 : i32
      %and3A_702 = arith.andi %ge3A_696, %lt3A_701 : i1
      %convert_element_type3A_703 = arith.extui %and3A_702 : i1 to i32
      %cond3A_704 = arith.constant 0 : i32
      %cond3A_705 = arith.cmpi ne, %convert_element_type3A_703, %cond3A_704 : i32
      scf.if %cond3A_705 {
        %mul3A_1044 = arith.constant 16 : i32
        %mul3A_1045 = arith.muli %add3A_694, %mul3A_1044 : i32
        %add3A_1046 = arith.addi %mul3A_1045, %arg1 : i32
        %mul3A_1047 = arith.constant 80 : i32
        %mul3A_1048 = arith.muli %add3A_1046, %mul3A_1047 : i32
        %add3A_1049 = arith.addi %mul3A_39, %mul3A_1048 : i32
        %dma_start3A = tpu.memref_slice %arg3[%add3A_1049] : memref<640000xi32, #tpu.memory_space<hbm>> -> memref<80xi32, #tpu.memory_space<hbm>>
        %dma_start3A_1050 = tpu.memref_slice %arg3[%add3A_1049] : memref<640000xi32, #tpu.memory_space<hbm>> -> memref<80xi32, #tpu.memory_space<hbm>>
        tpu.enqueue_dma source(%dma_start3A_1050 : memref<80xi32, #tpu.memory_space<hbm>>) target(%arg10 : memref<80xi32, #tpu.memory_space<vmem>>) target_semaphore(%arg24 : memref<!tpu.dma_semaphore, #tpu.memory_space<semaphore_mem>>)
        %dma_start3A_1051 = tpu.memref_slice %arg4[%add3A_1049] : memref<640000xi32, #tpu.memory_space<hbm>> -> memref<80xi32, #tpu.memory_space<hbm>>
        %dma_start3A_1052 = tpu.memref_slice %arg4[%add3A_1049] : memref<640000xi32, #tpu.memory_space<hbm>> -> memref<80xi32, #tpu.memory_space<hbm>>
        tpu.enqueue_dma source(%dma_start3A_1052 : memref<80xi32, #tpu.memory_space<hbm>>) target(%arg14 : memref<80xi32, #tpu.memory_space<vmem>>) target_semaphore(%arg24 : memref<!tpu.dma_semaphore, #tpu.memory_space<semaphore_mem>>)
      } else {
      }
      %add3A_706 = arith.constant 2 : i32
      %add3A_707 = arith.addi %add3A_657, %add3A_706 : i32
      %ge3A_708 = arith.constant 0 : i32
      %ge3A_709 = arith.cmpi sge, %add3A_707, %ge3A_708 : i32
      %mul3A_710 = arith.constant 16 : i32
      %mul3A_711 = arith.muli %add3A_707, %mul3A_710 : i32
      %add3A_712 = arith.addi %mul3A_711, %arg1 : i32
      %lt3A_713 = arith.constant 4000 : i32
      %lt3A_714 = arith.cmpi slt, %add3A_712, %lt3A_713 : i32
      %and3A_715 = arith.andi %ge3A_709, %lt3A_714 : i1
      %convert_element_type3A_716 = arith.extui %and3A_715 : i1 to i32
      %cond3A_717 = arith.constant 0 : i32
      %cond3A_718 = arith.cmpi ne, %convert_element_type3A_716, %cond3A_717 : i32
      scf.if %cond3A_718 {
        %mul3A_1044 = arith.constant 16 : i32
        %mul3A_1045 = arith.muli %add3A_707, %mul3A_1044 : i32
        %add3A_1046 = arith.addi %mul3A_1045, %arg1 : i32
        %mul3A_1047 = arith.constant 80 : i32
        %mul3A_1048 = arith.muli %add3A_1046, %mul3A_1047 : i32
        %add3A_1049 = arith.addi %mul3A_39, %mul3A_1048 : i32
        %dma_wait3A = tpu.memref_slice %arg3[%add3A_1049] : memref<640000xi32, #tpu.memory_space<hbm>> -> memref<80xi32, #tpu.memory_space<hbm>>
        %dma_wait3A_1050 = tpu.memref_slice %arg3[%add3A_1049] : memref<640000xi32, #tpu.memory_space<hbm>> -> memref<80xi32, #tpu.memory_space<hbm>>
        tpu.wait_dma2 semaphore(%arg23 : memref<!tpu.dma_semaphore, #tpu.memory_space<semaphore_mem>>) src(%dma_wait3A_1050 : memref<80xi32, #tpu.memory_space<hbm>>) dst(%arg9 : memref<80xi32, #tpu.memory_space<vmem>>)
        %dma_wait3A_1051 = tpu.memref_slice %arg4[%add3A_1049] : memref<640000xi32, #tpu.memory_space<hbm>> -> memref<80xi32, #tpu.memory_space<hbm>>
        %dma_wait3A_1052 = tpu.memref_slice %arg4[%add3A_1049] : memref<640000xi32, #tpu.memory_space<hbm>> -> memref<80xi32, #tpu.memory_space<hbm>>
        tpu.wait_dma2 semaphore(%arg23 : memref<!tpu.dma_semaphore, #tpu.memory_space<semaphore_mem>>) src(%dma_wait3A_1052 : memref<80xi32, #tpu.memory_space<hbm>>) dst(%arg13 : memref<80xi32, #tpu.memory_space<vmem>>)
      } else {
      }
      %add3A_719 = arith.constant 2 : i32
      %add3A_720 = arith.addi %add3A_657, %add3A_719 : i32
      %ge3A_721 = arith.constant 0 : i32
      %ge3A_722 = arith.cmpi sge, %add3A_720, %ge3A_721 : i32
      %mul3A_723 = arith.constant 16 : i32
      %mul3A_724 = arith.muli %add3A_720, %mul3A_723 : i32
      %add3A_725 = arith.addi %mul3A_724, %arg1 : i32
      %lt3A_726 = arith.constant 4000 : i32
      %lt3A_727 = arith.cmpi slt, %add3A_725, %lt3A_726 : i32
      %and3A_728 = arith.andi %ge3A_722, %lt3A_727 : i1
      %convert_element_type3A_729 = arith.extui %and3A_728 : i1 to i32
      %cond3A_730 = arith.constant 0 : i32
      %cond3A_731 = arith.cmpi ne, %convert_element_type3A_729, %cond3A_730 : i32
      scf.if %cond3A_731 {
        %dma_start3A = arith.constant 0 : i32
        %dma_start3A_1044 = arith.constant 0 : i32
        %dma_start3A_1045 = tpu.memref_slice %arg2[%dma_start3A, %dma_start3A_1044] : memref<20000x128xf32, #tpu.memory_space<hbm>> -> memref<20000x128xf32, #tpu.memory_space<hbm>>
        tpu.enqueue_indirect_dma source(%dma_start3A_1045 : memref<20000x128xf32, #tpu.memory_space<hbm>>) target(%arg16 : memref<80x128xf32, #tpu.memory_space<vmem>>) offsets(%arg9 : memref<80xi32, #tpu.memory_space<vmem>>) semaphore(%arg26 : memref<!tpu.dma_semaphore, #tpu.memory_space<semaphore_mem>>)
      } else {
      }
      %mul3A_732 = arith.constant 12 : i32
      %mul3A_733 = arith.muli %scan3A_109, %mul3A_732 : i32
      %add3A_734 = arith.constant 8 : i32
      %add3A_735 = arith.addi %mul3A_733, %add3A_734 : i32
      %ge3A_736 = arith.constant 0 : i32
      %ge3A_737 = arith.cmpi sge, %add3A_735, %ge3A_736 : i32
      %mul3A_738 = arith.constant 16 : i32
      %mul3A_739 = arith.muli %add3A_735, %mul3A_738 : i32
      %add3A_740 = arith.addi %mul3A_739, %arg1 : i32
      %lt3A_741 = arith.constant 4000 : i32
      %lt3A_742 = arith.cmpi slt, %add3A_740, %lt3A_741 : i32
      %and3A_743 = arith.andi %ge3A_737, %lt3A_742 : i1
      %convert_element_type3A_744 = arith.extui %and3A_743 : i1 to i32
      %cond3A_745 = arith.constant 0 : i32
      %cond3A_746 = arith.cmpi ne, %convert_element_type3A_744, %cond3A_745 : i32
      scf.if %cond3A_746 {
        %dma_wait3A = arith.constant 0 : i32
        %dma_wait3A_1044 = arith.constant 0 : i32
        %dma_wait3A_1045 = tpu.memref_slice %arg2[%dma_wait3A, %dma_wait3A_1044] : memref<20000x128xf32, #tpu.memory_space<hbm>> -> memref<20000x128xf32, #tpu.memory_space<hbm>>
        tpu.wait_indirect_dma semaphore(%arg28 : memref<!tpu.dma_semaphore, #tpu.memory_space<semaphore_mem>>) src(%dma_wait3A_1045 : memref<20000x128xf32, #tpu.memory_space<hbm>>) dst(%arg18 : memref<80x128xf32, #tpu.memory_space<vmem>>)
      } else {
      }
      %ge3A_747 = arith.constant 0 : i32
      %ge3A_748 = arith.cmpi sge, %add3A_735, %ge3A_747 : i32
      %mul3A_749 = arith.constant 16 : i32
      %mul3A_750 = arith.muli %add3A_735, %mul3A_749 : i32
      %add3A_751 = arith.addi %mul3A_750, %arg1 : i32
      %lt3A_752 = arith.constant 4000 : i32
      %lt3A_753 = arith.cmpi slt, %add3A_751, %lt3A_752 : i32
      %and3A_754 = arith.andi %ge3A_748, %lt3A_753 : i1
      %convert_element_type3A_755 = arith.extui %and3A_754 : i1 to i32
      %cond3A_756 = arith.constant 0 : i32
      %cond3A_757 = arith.cmpi ne, %convert_element_type3A_755, %cond3A_756 : i32
      scf.if %cond3A_757 {
        %dma_start3A = arith.constant 0 : i32
        %dma_start3A_1044 = arith.constant 0 : i32
        %dma_start3A_1045 = tpu.memref_slice %arg20[%dma_start3A, %dma_start3A_1044] : memref<10000x128xf32, #tpu.memory_space<vmem_shared>> -> memref<10000x128xf32, #tpu.memory_space<vmem_shared>>
        tpu.enqueue_indirect_dma source(%arg18 : memref<80x128xf32, #tpu.memory_space<vmem>>) target(%dma_start3A_1045 : memref<10000x128xf32, #tpu.memory_space<vmem_shared>>) offsets(%arg12 : memref<80xi32, #tpu.memory_space<vmem>>) semaphore(%arg31 : memref<!tpu.dma_semaphore, #tpu.memory_space<semaphore_mem>>) {add = true}
        %dma_start3A_1046 = arith.constant 0 : i32
        %dma_start3A_1047 = arith.constant 0 : i32
        %dma_start3A_1048 = tpu.memref_slice %arg21[%dma_start3A_1046, %dma_start3A_1047] : memref<10000x16xf32, #tpu.memory_space<vmem_shared>> -> memref<10000x16xf32, #tpu.memory_space<vmem_shared>>
        tpu.enqueue_indirect_dma source(%arg19 : memref<80x16xf32, #tpu.memory_space<vmem>>) target(%dma_start3A_1048 : memref<10000x16xf32, #tpu.memory_space<vmem_shared>>) offsets(%arg12 : memref<80xi32, #tpu.memory_space<vmem>>) semaphore(%arg31 : memref<!tpu.dma_semaphore, #tpu.memory_space<semaphore_mem>>) {add = true}
      } else {
      }
      %sub3A_758 = arith.constant 1 : i32
      %sub3A_759 = arith.subi %add3A_735, %sub3A_758 : i32
      %ge3A_760 = arith.constant 0 : i32
      %ge3A_761 = arith.cmpi sge, %sub3A_759, %ge3A_760 : i32
      %mul3A_762 = arith.constant 16 : i32
      %mul3A_763 = arith.muli %sub3A_759, %mul3A_762 : i32
      %add3A_764 = arith.addi %mul3A_763, %arg1 : i32
      %lt3A_765 = arith.constant 4000 : i32
      %lt3A_766 = arith.cmpi slt, %add3A_764, %lt3A_765 : i32
      %and3A_767 = arith.andi %ge3A_761, %lt3A_766 : i1
      %convert_element_type3A_768 = arith.extui %and3A_767 : i1 to i32
      %cond3A_769 = arith.constant 0 : i32
      %cond3A_770 = arith.cmpi ne, %convert_element_type3A_768, %cond3A_769 : i32
      scf.if %cond3A_770 {
        %dma_wait3A = arith.constant 0 : i32
        %dma_wait3A_1044 = arith.constant 0 : i32
        %dma_wait3A_1045 = tpu.memref_slice %arg20[%dma_wait3A, %dma_wait3A_1044] : memref<10000x128xf32, #tpu.memory_space<vmem_shared>> -> memref<10000x128xf32, #tpu.memory_space<vmem_shared>>
        tpu.wait_indirect_dma semaphore(%arg30 : memref<!tpu.dma_semaphore, #tpu.memory_space<semaphore_mem>>) src(%arg17 : memref<80x128xf32, #tpu.memory_space<vmem>>) dst(%dma_wait3A_1045 : memref<10000x128xf32, #tpu.memory_space<vmem_shared>>)
        %dma_wait3A_1046 = arith.constant 0 : i32
        %dma_wait3A_1047 = arith.constant 0 : i32
        %dma_wait3A_1048 = tpu.memref_slice %arg21[%dma_wait3A_1046, %dma_wait3A_1047] : memref<10000x16xf32, #tpu.memory_space<vmem_shared>> -> memref<10000x16xf32, #tpu.memory_space<vmem_shared>>
        tpu.wait_indirect_dma semaphore(%arg30 : memref<!tpu.dma_semaphore, #tpu.memory_space<semaphore_mem>>) src(%arg19 : memref<80x16xf32, #tpu.memory_space<vmem>>) dst(%dma_wait3A_1048 : memref<10000x16xf32, #tpu.memory_space<vmem_shared>>)
      } else {
      }
      %add3A_771 = arith.constant 3 : i32
      %add3A_772 = arith.addi %add3A_735, %add3A_771 : i32
      %ge3A_773 = arith.constant 0 : i32
      %ge3A_774 = arith.cmpi sge, %add3A_772, %ge3A_773 : i32
      %mul3A_775 = arith.constant 16 : i32
      %mul3A_776 = arith.muli %add3A_772, %mul3A_775 : i32
      %add3A_777 = arith.addi %mul3A_776, %arg1 : i32
      %lt3A_778 = arith.constant 4000 : i32
      %lt3A_779 = arith.cmpi slt, %add3A_777, %lt3A_778 : i32
      %and3A_780 = arith.andi %ge3A_774, %lt3A_779 : i1
      %convert_element_type3A_781 = arith.extui %and3A_780 : i1 to i32
      %cond3A_782 = arith.constant 0 : i32
      %cond3A_783 = arith.cmpi ne, %convert_element_type3A_781, %cond3A_782 : i32
      scf.if %cond3A_783 {
        %mul3A_1044 = arith.constant 16 : i32
        %mul3A_1045 = arith.muli %add3A_772, %mul3A_1044 : i32
        %add3A_1046 = arith.addi %mul3A_1045, %arg1 : i32
        %mul3A_1047 = arith.constant 80 : i32
        %mul3A_1048 = arith.muli %add3A_1046, %mul3A_1047 : i32
        %add3A_1049 = arith.addi %mul3A_39, %mul3A_1048 : i32
        %dma_start3A = tpu.memref_slice %arg3[%add3A_1049] : memref<640000xi32, #tpu.memory_space<hbm>> -> memref<80xi32, #tpu.memory_space<hbm>>
        %dma_start3A_1050 = tpu.memref_slice %arg3[%add3A_1049] : memref<640000xi32, #tpu.memory_space<hbm>> -> memref<80xi32, #tpu.memory_space<hbm>>
        tpu.enqueue_dma source(%dma_start3A_1050 : memref<80xi32, #tpu.memory_space<hbm>>) target(%arg11 : memref<80xi32, #tpu.memory_space<vmem>>) target_semaphore(%arg25 : memref<!tpu.dma_semaphore, #tpu.memory_space<semaphore_mem>>)
        %dma_start3A_1051 = tpu.memref_slice %arg4[%add3A_1049] : memref<640000xi32, #tpu.memory_space<hbm>> -> memref<80xi32, #tpu.memory_space<hbm>>
        %dma_start3A_1052 = tpu.memref_slice %arg4[%add3A_1049] : memref<640000xi32, #tpu.memory_space<hbm>> -> memref<80xi32, #tpu.memory_space<hbm>>
        tpu.enqueue_dma source(%dma_start3A_1052 : memref<80xi32, #tpu.memory_space<hbm>>) target(%arg15 : memref<80xi32, #tpu.memory_space<vmem>>) target_semaphore(%arg25 : memref<!tpu.dma_semaphore, #tpu.memory_space<semaphore_mem>>)
      } else {
      }
      %add3A_784 = arith.constant 2 : i32
      %add3A_785 = arith.addi %add3A_735, %add3A_784 : i32
      %ge3A_786 = arith.constant 0 : i32
      %ge3A_787 = arith.cmpi sge, %add3A_785, %ge3A_786 : i32
      %mul3A_788 = arith.constant 16 : i32
      %mul3A_789 = arith.muli %add3A_785, %mul3A_788 : i32
      %add3A_790 = arith.addi %mul3A_789, %arg1 : i32
      %lt3A_791 = arith.constant 4000 : i32
      %lt3A_792 = arith.cmpi slt, %add3A_790, %lt3A_791 : i32
      %and3A_793 = arith.andi %ge3A_787, %lt3A_792 : i1
      %convert_element_type3A_794 = arith.extui %and3A_793 : i1 to i32
      %cond3A_795 = arith.constant 0 : i32
      %cond3A_796 = arith.cmpi ne, %convert_element_type3A_794, %cond3A_795 : i32
      scf.if %cond3A_796 {
        %mul3A_1044 = arith.constant 16 : i32
        %mul3A_1045 = arith.muli %add3A_785, %mul3A_1044 : i32
        %add3A_1046 = arith.addi %mul3A_1045, %arg1 : i32
        %mul3A_1047 = arith.constant 80 : i32
        %mul3A_1048 = arith.muli %add3A_1046, %mul3A_1047 : i32
        %add3A_1049 = arith.addi %mul3A_39, %mul3A_1048 : i32
        %dma_wait3A = tpu.memref_slice %arg3[%add3A_1049] : memref<640000xi32, #tpu.memory_space<hbm>> -> memref<80xi32, #tpu.memory_space<hbm>>
        %dma_wait3A_1050 = tpu.memref_slice %arg3[%add3A_1049] : memref<640000xi32, #tpu.memory_space<hbm>> -> memref<80xi32, #tpu.memory_space<hbm>>
        tpu.wait_dma2 semaphore(%arg24 : memref<!tpu.dma_semaphore, #tpu.memory_space<semaphore_mem>>) src(%dma_wait3A_1050 : memref<80xi32, #tpu.memory_space<hbm>>) dst(%arg10 : memref<80xi32, #tpu.memory_space<vmem>>)
        %dma_wait3A_1051 = tpu.memref_slice %arg4[%add3A_1049] : memref<640000xi32, #tpu.memory_space<hbm>> -> memref<80xi32, #tpu.memory_space<hbm>>
        %dma_wait3A_1052 = tpu.memref_slice %arg4[%add3A_1049] : memref<640000xi32, #tpu.memory_space<hbm>> -> memref<80xi32, #tpu.memory_space<hbm>>
        tpu.wait_dma2 semaphore(%arg24 : memref<!tpu.dma_semaphore, #tpu.memory_space<semaphore_mem>>) src(%dma_wait3A_1052 : memref<80xi32, #tpu.memory_space<hbm>>) dst(%arg14 : memref<80xi32, #tpu.memory_space<vmem>>)
      } else {
      }
      %add3A_797 = arith.constant 2 : i32
      %add3A_798 = arith.addi %add3A_735, %add3A_797 : i32
      %ge3A_799 = arith.constant 0 : i32
      %ge3A_800 = arith.cmpi sge, %add3A_798, %ge3A_799 : i32
      %mul3A_801 = arith.constant 16 : i32
      %mul3A_802 = arith.muli %add3A_798, %mul3A_801 : i32
      %add3A_803 = arith.addi %mul3A_802, %arg1 : i32
      %lt3A_804 = arith.constant 4000 : i32
      %lt3A_805 = arith.cmpi slt, %add3A_803, %lt3A_804 : i32
      %and3A_806 = arith.andi %ge3A_800, %lt3A_805 : i1
      %convert_element_type3A_807 = arith.extui %and3A_806 : i1 to i32
      %cond3A_808 = arith.constant 0 : i32
      %cond3A_809 = arith.cmpi ne, %convert_element_type3A_807, %cond3A_808 : i32
      scf.if %cond3A_809 {
        %dma_start3A = arith.constant 0 : i32
        %dma_start3A_1044 = arith.constant 0 : i32
        %dma_start3A_1045 = tpu.memref_slice %arg2[%dma_start3A, %dma_start3A_1044] : memref<20000x128xf32, #tpu.memory_space<hbm>> -> memref<20000x128xf32, #tpu.memory_space<hbm>>
        tpu.enqueue_indirect_dma source(%dma_start3A_1045 : memref<20000x128xf32, #tpu.memory_space<hbm>>) target(%arg17 : memref<80x128xf32, #tpu.memory_space<vmem>>) offsets(%arg10 : memref<80xi32, #tpu.memory_space<vmem>>) semaphore(%arg27 : memref<!tpu.dma_semaphore, #tpu.memory_space<semaphore_mem>>)
      } else {
      }
      %mul3A_810 = arith.constant 12 : i32
      %mul3A_811 = arith.muli %scan3A_109, %mul3A_810 : i32
      %add3A_812 = arith.constant 9 : i32
      %add3A_813 = arith.addi %mul3A_811, %add3A_812 : i32
      %ge3A_814 = arith.constant 0 : i32
      %ge3A_815 = arith.cmpi sge, %add3A_813, %ge3A_814 : i32
      %mul3A_816 = arith.constant 16 : i32
      %mul3A_817 = arith.muli %add3A_813, %mul3A_816 : i32
      %add3A_818 = arith.addi %mul3A_817, %arg1 : i32
      %lt3A_819 = arith.constant 4000 : i32
      %lt3A_820 = arith.cmpi slt, %add3A_818, %lt3A_819 : i32
      %and3A_821 = arith.andi %ge3A_815, %lt3A_820 : i1
      %convert_element_type3A_822 = arith.extui %and3A_821 : i1 to i32
      %cond3A_823 = arith.constant 0 : i32
      %cond3A_824 = arith.cmpi ne, %convert_element_type3A_822, %cond3A_823 : i32
      scf.if %cond3A_824 {
        %dma_wait3A = arith.constant 0 : i32
        %dma_wait3A_1044 = arith.constant 0 : i32
        %dma_wait3A_1045 = tpu.memref_slice %arg2[%dma_wait3A, %dma_wait3A_1044] : memref<20000x128xf32, #tpu.memory_space<hbm>> -> memref<20000x128xf32, #tpu.memory_space<hbm>>
        tpu.wait_indirect_dma semaphore(%arg26 : memref<!tpu.dma_semaphore, #tpu.memory_space<semaphore_mem>>) src(%dma_wait3A_1045 : memref<20000x128xf32, #tpu.memory_space<hbm>>) dst(%arg16 : memref<80x128xf32, #tpu.memory_space<vmem>>)
      } else {
      }
      %ge3A_825 = arith.constant 0 : i32
      %ge3A_826 = arith.cmpi sge, %add3A_813, %ge3A_825 : i32
      %mul3A_827 = arith.constant 16 : i32
      %mul3A_828 = arith.muli %add3A_813, %mul3A_827 : i32
      %add3A_829 = arith.addi %mul3A_828, %arg1 : i32
      %lt3A_830 = arith.constant 4000 : i32
      %lt3A_831 = arith.cmpi slt, %add3A_829, %lt3A_830 : i32
      %and3A_832 = arith.andi %ge3A_826, %lt3A_831 : i1
      %convert_element_type3A_833 = arith.extui %and3A_832 : i1 to i32
      %cond3A_834 = arith.constant 0 : i32
      %cond3A_835 = arith.cmpi ne, %convert_element_type3A_833, %cond3A_834 : i32
      scf.if %cond3A_835 {
        %dma_start3A = arith.constant 0 : i32
        %dma_start3A_1044 = arith.constant 0 : i32
        %dma_start3A_1045 = tpu.memref_slice %arg20[%dma_start3A, %dma_start3A_1044] : memref<10000x128xf32, #tpu.memory_space<vmem_shared>> -> memref<10000x128xf32, #tpu.memory_space<vmem_shared>>
        tpu.enqueue_indirect_dma source(%arg16 : memref<80x128xf32, #tpu.memory_space<vmem>>) target(%dma_start3A_1045 : memref<10000x128xf32, #tpu.memory_space<vmem_shared>>) offsets(%arg13 : memref<80xi32, #tpu.memory_space<vmem>>) semaphore(%arg29 : memref<!tpu.dma_semaphore, #tpu.memory_space<semaphore_mem>>) {add = true}
        %dma_start3A_1046 = arith.constant 0 : i32
        %dma_start3A_1047 = arith.constant 0 : i32
        %dma_start3A_1048 = tpu.memref_slice %arg21[%dma_start3A_1046, %dma_start3A_1047] : memref<10000x16xf32, #tpu.memory_space<vmem_shared>> -> memref<10000x16xf32, #tpu.memory_space<vmem_shared>>
        tpu.enqueue_indirect_dma source(%arg19 : memref<80x16xf32, #tpu.memory_space<vmem>>) target(%dma_start3A_1048 : memref<10000x16xf32, #tpu.memory_space<vmem_shared>>) offsets(%arg13 : memref<80xi32, #tpu.memory_space<vmem>>) semaphore(%arg29 : memref<!tpu.dma_semaphore, #tpu.memory_space<semaphore_mem>>) {add = true}
      } else {
      }
      %sub3A_836 = arith.constant 1 : i32
      %sub3A_837 = arith.subi %add3A_813, %sub3A_836 : i32
      %ge3A_838 = arith.constant 0 : i32
      %ge3A_839 = arith.cmpi sge, %sub3A_837, %ge3A_838 : i32
      %mul3A_840 = arith.constant 16 : i32
      %mul3A_841 = arith.muli %sub3A_837, %mul3A_840 : i32
      %add3A_842 = arith.addi %mul3A_841, %arg1 : i32
      %lt3A_843 = arith.constant 4000 : i32
      %lt3A_844 = arith.cmpi slt, %add3A_842, %lt3A_843 : i32
      %and3A_845 = arith.andi %ge3A_839, %lt3A_844 : i1
      %convert_element_type3A_846 = arith.extui %and3A_845 : i1 to i32
      %cond3A_847 = arith.constant 0 : i32
      %cond3A_848 = arith.cmpi ne, %convert_element_type3A_846, %cond3A_847 : i32
      scf.if %cond3A_848 {
        %dma_wait3A = arith.constant 0 : i32
        %dma_wait3A_1044 = arith.constant 0 : i32
        %dma_wait3A_1045 = tpu.memref_slice %arg20[%dma_wait3A, %dma_wait3A_1044] : memref<10000x128xf32, #tpu.memory_space<vmem_shared>> -> memref<10000x128xf32, #tpu.memory_space<vmem_shared>>
        tpu.wait_indirect_dma semaphore(%arg31 : memref<!tpu.dma_semaphore, #tpu.memory_space<semaphore_mem>>) src(%arg18 : memref<80x128xf32, #tpu.memory_space<vmem>>) dst(%dma_wait3A_1045 : memref<10000x128xf32, #tpu.memory_space<vmem_shared>>)
        %dma_wait3A_1046 = arith.constant 0 : i32
        %dma_wait3A_1047 = arith.constant 0 : i32
        %dma_wait3A_1048 = tpu.memref_slice %arg21[%dma_wait3A_1046, %dma_wait3A_1047] : memref<10000x16xf32, #tpu.memory_space<vmem_shared>> -> memref<10000x16xf32, #tpu.memory_space<vmem_shared>>
        tpu.wait_indirect_dma semaphore(%arg31 : memref<!tpu.dma_semaphore, #tpu.memory_space<semaphore_mem>>) src(%arg19 : memref<80x16xf32, #tpu.memory_space<vmem>>) dst(%dma_wait3A_1048 : memref<10000x16xf32, #tpu.memory_space<vmem_shared>>)
      } else {
      }
      %add3A_849 = arith.constant 3 : i32
      %add3A_850 = arith.addi %add3A_813, %add3A_849 : i32
      %ge3A_851 = arith.constant 0 : i32
      %ge3A_852 = arith.cmpi sge, %add3A_850, %ge3A_851 : i32
      %mul3A_853 = arith.constant 16 : i32
      %mul3A_854 = arith.muli %add3A_850, %mul3A_853 : i32
      %add3A_855 = arith.addi %mul3A_854, %arg1 : i32
      %lt3A_856 = arith.constant 4000 : i32
      %lt3A_857 = arith.cmpi slt, %add3A_855, %lt3A_856 : i32
      %and3A_858 = arith.andi %ge3A_852, %lt3A_857 : i1
      %convert_element_type3A_859 = arith.extui %and3A_858 : i1 to i32
      %cond3A_860 = arith.constant 0 : i32
      %cond3A_861 = arith.cmpi ne, %convert_element_type3A_859, %cond3A_860 : i32
      scf.if %cond3A_861 {
        %mul3A_1044 = arith.constant 16 : i32
        %mul3A_1045 = arith.muli %add3A_850, %mul3A_1044 : i32
        %add3A_1046 = arith.addi %mul3A_1045, %arg1 : i32
        %mul3A_1047 = arith.constant 80 : i32
        %mul3A_1048 = arith.muli %add3A_1046, %mul3A_1047 : i32
        %add3A_1049 = arith.addi %mul3A_39, %mul3A_1048 : i32
        %dma_start3A = tpu.memref_slice %arg3[%add3A_1049] : memref<640000xi32, #tpu.memory_space<hbm>> -> memref<80xi32, #tpu.memory_space<hbm>>
        %dma_start3A_1050 = tpu.memref_slice %arg3[%add3A_1049] : memref<640000xi32, #tpu.memory_space<hbm>> -> memref<80xi32, #tpu.memory_space<hbm>>
        tpu.enqueue_dma source(%dma_start3A_1050 : memref<80xi32, #tpu.memory_space<hbm>>) target(%arg8 : memref<80xi32, #tpu.memory_space<vmem>>) target_semaphore(%arg22 : memref<!tpu.dma_semaphore, #tpu.memory_space<semaphore_mem>>)
        %dma_start3A_1051 = tpu.memref_slice %arg4[%add3A_1049] : memref<640000xi32, #tpu.memory_space<hbm>> -> memref<80xi32, #tpu.memory_space<hbm>>
        %dma_start3A_1052 = tpu.memref_slice %arg4[%add3A_1049] : memref<640000xi32, #tpu.memory_space<hbm>> -> memref<80xi32, #tpu.memory_space<hbm>>
        tpu.enqueue_dma source(%dma_start3A_1052 : memref<80xi32, #tpu.memory_space<hbm>>) target(%arg12 : memref<80xi32, #tpu.memory_space<vmem>>) target_semaphore(%arg22 : memref<!tpu.dma_semaphore, #tpu.memory_space<semaphore_mem>>)
      } else {
      }
      %add3A_862 = arith.constant 2 : i32
      %add3A_863 = arith.addi %add3A_813, %add3A_862 : i32
      %ge3A_864 = arith.constant 0 : i32
      %ge3A_865 = arith.cmpi sge, %add3A_863, %ge3A_864 : i32
      %mul3A_866 = arith.constant 16 : i32
      %mul3A_867 = arith.muli %add3A_863, %mul3A_866 : i32
      %add3A_868 = arith.addi %mul3A_867, %arg1 : i32
      %lt3A_869 = arith.constant 4000 : i32
      %lt3A_870 = arith.cmpi slt, %add3A_868, %lt3A_869 : i32
      %and3A_871 = arith.andi %ge3A_865, %lt3A_870 : i1
      %convert_element_type3A_872 = arith.extui %and3A_871 : i1 to i32
      %cond3A_873 = arith.constant 0 : i32
      %cond3A_874 = arith.cmpi ne, %convert_element_type3A_872, %cond3A_873 : i32
      scf.if %cond3A_874 {
        %mul3A_1044 = arith.constant 16 : i32
        %mul3A_1045 = arith.muli %add3A_863, %mul3A_1044 : i32
        %add3A_1046 = arith.addi %mul3A_1045, %arg1 : i32
        %mul3A_1047 = arith.constant 80 : i32
        %mul3A_1048 = arith.muli %add3A_1046, %mul3A_1047 : i32
        %add3A_1049 = arith.addi %mul3A_39, %mul3A_1048 : i32
        %dma_wait3A = tpu.memref_slice %arg3[%add3A_1049] : memref<640000xi32, #tpu.memory_space<hbm>> -> memref<80xi32, #tpu.memory_space<hbm>>
        %dma_wait3A_1050 = tpu.memref_slice %arg3[%add3A_1049] : memref<640000xi32, #tpu.memory_space<hbm>> -> memref<80xi32, #tpu.memory_space<hbm>>
        tpu.wait_dma2 semaphore(%arg25 : memref<!tpu.dma_semaphore, #tpu.memory_space<semaphore_mem>>) src(%dma_wait3A_1050 : memref<80xi32, #tpu.memory_space<hbm>>) dst(%arg11 : memref<80xi32, #tpu.memory_space<vmem>>)
        %dma_wait3A_1051 = tpu.memref_slice %arg4[%add3A_1049] : memref<640000xi32, #tpu.memory_space<hbm>> -> memref<80xi32, #tpu.memory_space<hbm>>
        %dma_wait3A_1052 = tpu.memref_slice %arg4[%add3A_1049] : memref<640000xi32, #tpu.memory_space<hbm>> -> memref<80xi32, #tpu.memory_space<hbm>>
        tpu.wait_dma2 semaphore(%arg25 : memref<!tpu.dma_semaphore, #tpu.memory_space<semaphore_mem>>) src(%dma_wait3A_1052 : memref<80xi32, #tpu.memory_space<hbm>>) dst(%arg15 : memref<80xi32, #tpu.memory_space<vmem>>)
      } else {
      }
      %add3A_875 = arith.constant 2 : i32
      %add3A_876 = arith.addi %add3A_813, %add3A_875 : i32
      %ge3A_877 = arith.constant 0 : i32
      %ge3A_878 = arith.cmpi sge, %add3A_876, %ge3A_877 : i32
      %mul3A_879 = arith.constant 16 : i32
      %mul3A_880 = arith.muli %add3A_876, %mul3A_879 : i32
      %add3A_881 = arith.addi %mul3A_880, %arg1 : i32
      %lt3A_882 = arith.constant 4000 : i32
      %lt3A_883 = arith.cmpi slt, %add3A_881, %lt3A_882 : i32
      %and3A_884 = arith.andi %ge3A_878, %lt3A_883 : i1
      %convert_element_type3A_885 = arith.extui %and3A_884 : i1 to i32
      %cond3A_886 = arith.constant 0 : i32
      %cond3A_887 = arith.cmpi ne, %convert_element_type3A_885, %cond3A_886 : i32
      scf.if %cond3A_887 {
        %dma_start3A = arith.constant 0 : i32
        %dma_start3A_1044 = arith.constant 0 : i32
        %dma_start3A_1045 = tpu.memref_slice %arg2[%dma_start3A, %dma_start3A_1044] : memref<20000x128xf32, #tpu.memory_space<hbm>> -> memref<20000x128xf32, #tpu.memory_space<hbm>>
        tpu.enqueue_indirect_dma source(%dma_start3A_1045 : memref<20000x128xf32, #tpu.memory_space<hbm>>) target(%arg18 : memref<80x128xf32, #tpu.memory_space<vmem>>) offsets(%arg11 : memref<80xi32, #tpu.memory_space<vmem>>) semaphore(%arg28 : memref<!tpu.dma_semaphore, #tpu.memory_space<semaphore_mem>>)
      } else {
      }
      %mul3A_888 = arith.constant 12 : i32
      %mul3A_889 = arith.muli %scan3A_109, %mul3A_888 : i32
      %add3A_890 = arith.constant 10 : i32
      %add3A_891 = arith.addi %mul3A_889, %add3A_890 : i32
      %ge3A_892 = arith.constant 0 : i32
      %ge3A_893 = arith.cmpi sge, %add3A_891, %ge3A_892 : i32
      %mul3A_894 = arith.constant 16 : i32
      %mul3A_895 = arith.muli %add3A_891, %mul3A_894 : i32
      %add3A_896 = arith.addi %mul3A_895, %arg1 : i32
      %lt3A_897 = arith.constant 4000 : i32
      %lt3A_898 = arith.cmpi slt, %add3A_896, %lt3A_897 : i32
      %and3A_899 = arith.andi %ge3A_893, %lt3A_898 : i1
      %convert_element_type3A_900 = arith.extui %and3A_899 : i1 to i32
      %cond3A_901 = arith.constant 0 : i32
      %cond3A_902 = arith.cmpi ne, %convert_element_type3A_900, %cond3A_901 : i32
      scf.if %cond3A_902 {
        %dma_wait3A = arith.constant 0 : i32
        %dma_wait3A_1044 = arith.constant 0 : i32
        %dma_wait3A_1045 = tpu.memref_slice %arg2[%dma_wait3A, %dma_wait3A_1044] : memref<20000x128xf32, #tpu.memory_space<hbm>> -> memref<20000x128xf32, #tpu.memory_space<hbm>>
        tpu.wait_indirect_dma semaphore(%arg27 : memref<!tpu.dma_semaphore, #tpu.memory_space<semaphore_mem>>) src(%dma_wait3A_1045 : memref<20000x128xf32, #tpu.memory_space<hbm>>) dst(%arg17 : memref<80x128xf32, #tpu.memory_space<vmem>>)
      } else {
      }
      %ge3A_903 = arith.constant 0 : i32
      %ge3A_904 = arith.cmpi sge, %add3A_891, %ge3A_903 : i32
      %mul3A_905 = arith.constant 16 : i32
      %mul3A_906 = arith.muli %add3A_891, %mul3A_905 : i32
      %add3A_907 = arith.addi %mul3A_906, %arg1 : i32
      %lt3A_908 = arith.constant 4000 : i32
      %lt3A_909 = arith.cmpi slt, %add3A_907, %lt3A_908 : i32
      %and3A_910 = arith.andi %ge3A_904, %lt3A_909 : i1
      %convert_element_type3A_911 = arith.extui %and3A_910 : i1 to i32
      %cond3A_912 = arith.constant 0 : i32
      %cond3A_913 = arith.cmpi ne, %convert_element_type3A_911, %cond3A_912 : i32
      scf.if %cond3A_913 {
        %dma_start3A = arith.constant 0 : i32
        %dma_start3A_1044 = arith.constant 0 : i32
        %dma_start3A_1045 = tpu.memref_slice %arg20[%dma_start3A, %dma_start3A_1044] : memref<10000x128xf32, #tpu.memory_space<vmem_shared>> -> memref<10000x128xf32, #tpu.memory_space<vmem_shared>>
        tpu.enqueue_indirect_dma source(%arg17 : memref<80x128xf32, #tpu.memory_space<vmem>>) target(%dma_start3A_1045 : memref<10000x128xf32, #tpu.memory_space<vmem_shared>>) offsets(%arg14 : memref<80xi32, #tpu.memory_space<vmem>>) semaphore(%arg30 : memref<!tpu.dma_semaphore, #tpu.memory_space<semaphore_mem>>) {add = true}
        %dma_start3A_1046 = arith.constant 0 : i32
        %dma_start3A_1047 = arith.constant 0 : i32
        %dma_start3A_1048 = tpu.memref_slice %arg21[%dma_start3A_1046, %dma_start3A_1047] : memref<10000x16xf32, #tpu.memory_space<vmem_shared>> -> memref<10000x16xf32, #tpu.memory_space<vmem_shared>>
        tpu.enqueue_indirect_dma source(%arg19 : memref<80x16xf32, #tpu.memory_space<vmem>>) target(%dma_start3A_1048 : memref<10000x16xf32, #tpu.memory_space<vmem_shared>>) offsets(%arg14 : memref<80xi32, #tpu.memory_space<vmem>>) semaphore(%arg30 : memref<!tpu.dma_semaphore, #tpu.memory_space<semaphore_mem>>) {add = true}
      } else {
      }
      %sub3A_914 = arith.constant 1 : i32
      %sub3A_915 = arith.subi %add3A_891, %sub3A_914 : i32
      %ge3A_916 = arith.constant 0 : i32
      %ge3A_917 = arith.cmpi sge, %sub3A_915, %ge3A_916 : i32
      %mul3A_918 = arith.constant 16 : i32
      %mul3A_919 = arith.muli %sub3A_915, %mul3A_918 : i32
      %add3A_920 = arith.addi %mul3A_919, %arg1 : i32
      %lt3A_921 = arith.constant 4000 : i32
      %lt3A_922 = arith.cmpi slt, %add3A_920, %lt3A_921 : i32
      %and3A_923 = arith.andi %ge3A_917, %lt3A_922 : i1
      %convert_element_type3A_924 = arith.extui %and3A_923 : i1 to i32
      %cond3A_925 = arith.constant 0 : i32
      %cond3A_926 = arith.cmpi ne, %convert_element_type3A_924, %cond3A_925 : i32
      scf.if %cond3A_926 {
        %dma_wait3A = arith.constant 0 : i32
        %dma_wait3A_1044 = arith.constant 0 : i32
        %dma_wait3A_1045 = tpu.memref_slice %arg20[%dma_wait3A, %dma_wait3A_1044] : memref<10000x128xf32, #tpu.memory_space<vmem_shared>> -> memref<10000x128xf32, #tpu.memory_space<vmem_shared>>
        tpu.wait_indirect_dma semaphore(%arg29 : memref<!tpu.dma_semaphore, #tpu.memory_space<semaphore_mem>>) src(%arg16 : memref<80x128xf32, #tpu.memory_space<vmem>>) dst(%dma_wait3A_1045 : memref<10000x128xf32, #tpu.memory_space<vmem_shared>>)
        %dma_wait3A_1046 = arith.constant 0 : i32
        %dma_wait3A_1047 = arith.constant 0 : i32
        %dma_wait3A_1048 = tpu.memref_slice %arg21[%dma_wait3A_1046, %dma_wait3A_1047] : memref<10000x16xf32, #tpu.memory_space<vmem_shared>> -> memref<10000x16xf32, #tpu.memory_space<vmem_shared>>
        tpu.wait_indirect_dma semaphore(%arg29 : memref<!tpu.dma_semaphore, #tpu.memory_space<semaphore_mem>>) src(%arg19 : memref<80x16xf32, #tpu.memory_space<vmem>>) dst(%dma_wait3A_1048 : memref<10000x16xf32, #tpu.memory_space<vmem_shared>>)
      } else {
      }
      %add3A_927 = arith.constant 3 : i32
      %add3A_928 = arith.addi %add3A_891, %add3A_927 : i32
      %ge3A_929 = arith.constant 0 : i32
      %ge3A_930 = arith.cmpi sge, %add3A_928, %ge3A_929 : i32
      %mul3A_931 = arith.constant 16 : i32
      %mul3A_932 = arith.muli %add3A_928, %mul3A_931 : i32
      %add3A_933 = arith.addi %mul3A_932, %arg1 : i32
      %lt3A_934 = arith.constant 4000 : i32
      %lt3A_935 = arith.cmpi slt, %add3A_933, %lt3A_934 : i32
      %and3A_936 = arith.andi %ge3A_930, %lt3A_935 : i1
      %convert_element_type3A_937 = arith.extui %and3A_936 : i1 to i32
      %cond3A_938 = arith.constant 0 : i32
      %cond3A_939 = arith.cmpi ne, %convert_element_type3A_937, %cond3A_938 : i32
      scf.if %cond3A_939 {
        %mul3A_1044 = arith.constant 16 : i32
        %mul3A_1045 = arith.muli %add3A_928, %mul3A_1044 : i32
        %add3A_1046 = arith.addi %mul3A_1045, %arg1 : i32
        %mul3A_1047 = arith.constant 80 : i32
        %mul3A_1048 = arith.muli %add3A_1046, %mul3A_1047 : i32
        %add3A_1049 = arith.addi %mul3A_39, %mul3A_1048 : i32
        %dma_start3A = tpu.memref_slice %arg3[%add3A_1049] : memref<640000xi32, #tpu.memory_space<hbm>> -> memref<80xi32, #tpu.memory_space<hbm>>
        %dma_start3A_1050 = tpu.memref_slice %arg3[%add3A_1049] : memref<640000xi32, #tpu.memory_space<hbm>> -> memref<80xi32, #tpu.memory_space<hbm>>
        tpu.enqueue_dma source(%dma_start3A_1050 : memref<80xi32, #tpu.memory_space<hbm>>) target(%arg9 : memref<80xi32, #tpu.memory_space<vmem>>) target_semaphore(%arg23 : memref<!tpu.dma_semaphore, #tpu.memory_space<semaphore_mem>>)
        %dma_start3A_1051 = tpu.memref_slice %arg4[%add3A_1049] : memref<640000xi32, #tpu.memory_space<hbm>> -> memref<80xi32, #tpu.memory_space<hbm>>
        %dma_start3A_1052 = tpu.memref_slice %arg4[%add3A_1049] : memref<640000xi32, #tpu.memory_space<hbm>> -> memref<80xi32, #tpu.memory_space<hbm>>
        tpu.enqueue_dma source(%dma_start3A_1052 : memref<80xi32, #tpu.memory_space<hbm>>) target(%arg13 : memref<80xi32, #tpu.memory_space<vmem>>) target_semaphore(%arg23 : memref<!tpu.dma_semaphore, #tpu.memory_space<semaphore_mem>>)
      } else {
      }
      %add3A_940 = arith.constant 2 : i32
      %add3A_941 = arith.addi %add3A_891, %add3A_940 : i32
      %ge3A_942 = arith.constant 0 : i32
      %ge3A_943 = arith.cmpi sge, %add3A_941, %ge3A_942 : i32
      %mul3A_944 = arith.constant 16 : i32
      %mul3A_945 = arith.muli %add3A_941, %mul3A_944 : i32
      %add3A_946 = arith.addi %mul3A_945, %arg1 : i32
      %lt3A_947 = arith.constant 4000 : i32
      %lt3A_948 = arith.cmpi slt, %add3A_946, %lt3A_947 : i32
      %and3A_949 = arith.andi %ge3A_943, %lt3A_948 : i1
      %convert_element_type3A_950 = arith.extui %and3A_949 : i1 to i32
      %cond3A_951 = arith.constant 0 : i32
      %cond3A_952 = arith.cmpi ne, %convert_element_type3A_950, %cond3A_951 : i32
      scf.if %cond3A_952 {
        %mul3A_1044 = arith.constant 16 : i32
        %mul3A_1045 = arith.muli %add3A_941, %mul3A_1044 : i32
        %add3A_1046 = arith.addi %mul3A_1045, %arg1 : i32
        %mul3A_1047 = arith.constant 80 : i32
        %mul3A_1048 = arith.muli %add3A_1046, %mul3A_1047 : i32
        %add3A_1049 = arith.addi %mul3A_39, %mul3A_1048 : i32
        %dma_wait3A = tpu.memref_slice %arg3[%add3A_1049] : memref<640000xi32, #tpu.memory_space<hbm>> -> memref<80xi32, #tpu.memory_space<hbm>>
        %dma_wait3A_1050 = tpu.memref_slice %arg3[%add3A_1049] : memref<640000xi32, #tpu.memory_space<hbm>> -> memref<80xi32, #tpu.memory_space<hbm>>
        tpu.wait_dma2 semaphore(%arg22 : memref<!tpu.dma_semaphore, #tpu.memory_space<semaphore_mem>>) src(%dma_wait3A_1050 : memref<80xi32, #tpu.memory_space<hbm>>) dst(%arg8 : memref<80xi32, #tpu.memory_space<vmem>>)
        %dma_wait3A_1051 = tpu.memref_slice %arg4[%add3A_1049] : memref<640000xi32, #tpu.memory_space<hbm>> -> memref<80xi32, #tpu.memory_space<hbm>>
        %dma_wait3A_1052 = tpu.memref_slice %arg4[%add3A_1049] : memref<640000xi32, #tpu.memory_space<hbm>> -> memref<80xi32, #tpu.memory_space<hbm>>
        tpu.wait_dma2 semaphore(%arg22 : memref<!tpu.dma_semaphore, #tpu.memory_space<semaphore_mem>>) src(%dma_wait3A_1052 : memref<80xi32, #tpu.memory_space<hbm>>) dst(%arg12 : memref<80xi32, #tpu.memory_space<vmem>>)
      } else {
      }
      %add3A_953 = arith.constant 2 : i32
      %add3A_954 = arith.addi %add3A_891, %add3A_953 : i32
      %ge3A_955 = arith.constant 0 : i32
      %ge3A_956 = arith.cmpi sge, %add3A_954, %ge3A_955 : i32
      %mul3A_957 = arith.constant 16 : i32
      %mul3A_958 = arith.muli %add3A_954, %mul3A_957 : i32
      %add3A_959 = arith.addi %mul3A_958, %arg1 : i32
      %lt3A_960 = arith.constant 4000 : i32
      %lt3A_961 = arith.cmpi slt, %add3A_959, %lt3A_960 : i32
      %and3A_962 = arith.andi %ge3A_956, %lt3A_961 : i1
      %convert_element_type3A_963 = arith.extui %and3A_962 : i1 to i32
      %cond3A_964 = arith.constant 0 : i32
      %cond3A_965 = arith.cmpi ne, %convert_element_type3A_963, %cond3A_964 : i32
      scf.if %cond3A_965 {
        %dma_start3A = arith.constant 0 : i32
        %dma_start3A_1044 = arith.constant 0 : i32
        %dma_start3A_1045 = tpu.memref_slice %arg2[%dma_start3A, %dma_start3A_1044] : memref<20000x128xf32, #tpu.memory_space<hbm>> -> memref<20000x128xf32, #tpu.memory_space<hbm>>
        tpu.enqueue_indirect_dma source(%dma_start3A_1045 : memref<20000x128xf32, #tpu.memory_space<hbm>>) target(%arg16 : memref<80x128xf32, #tpu.memory_space<vmem>>) offsets(%arg8 : memref<80xi32, #tpu.memory_space<vmem>>) semaphore(%arg26 : memref<!tpu.dma_semaphore, #tpu.memory_space<semaphore_mem>>)
      } else {
      }
      %mul3A_966 = arith.constant 12 : i32
      %mul3A_967 = arith.muli %scan3A_109, %mul3A_966 : i32
      %add3A_968 = arith.constant 11 : i32
      %add3A_969 = arith.addi %mul3A_967, %add3A_968 : i32
      %ge3A_970 = arith.constant 0 : i32
      %ge3A_971 = arith.cmpi sge, %add3A_969, %ge3A_970 : i32
      %mul3A_972 = arith.constant 16 : i32
      %mul3A_973 = arith.muli %add3A_969, %mul3A_972 : i32
      %add3A_974 = arith.addi %mul3A_973, %arg1 : i32
      %lt3A_975 = arith.constant 4000 : i32
      %lt3A_976 = arith.cmpi slt, %add3A_974, %lt3A_975 : i32
      %and3A_977 = arith.andi %ge3A_971, %lt3A_976 : i1
      %convert_element_type3A_978 = arith.extui %and3A_977 : i1 to i32
      %cond3A_979 = arith.constant 0 : i32
      %cond3A_980 = arith.cmpi ne, %convert_element_type3A_978, %cond3A_979 : i32
      scf.if %cond3A_980 {
        %dma_wait3A = arith.constant 0 : i32
        %dma_wait3A_1044 = arith.constant 0 : i32
        %dma_wait3A_1045 = tpu.memref_slice %arg2[%dma_wait3A, %dma_wait3A_1044] : memref<20000x128xf32, #tpu.memory_space<hbm>> -> memref<20000x128xf32, #tpu.memory_space<hbm>>
        tpu.wait_indirect_dma semaphore(%arg28 : memref<!tpu.dma_semaphore, #tpu.memory_space<semaphore_mem>>) src(%dma_wait3A_1045 : memref<20000x128xf32, #tpu.memory_space<hbm>>) dst(%arg18 : memref<80x128xf32, #tpu.memory_space<vmem>>)
      } else {
      }
      %ge3A_981 = arith.constant 0 : i32
      %ge3A_982 = arith.cmpi sge, %add3A_969, %ge3A_981 : i32
      %mul3A_983 = arith.constant 16 : i32
      %mul3A_984 = arith.muli %add3A_969, %mul3A_983 : i32
      %add3A_985 = arith.addi %mul3A_984, %arg1 : i32
      %lt3A_986 = arith.constant 4000 : i32
      %lt3A_987 = arith.cmpi slt, %add3A_985, %lt3A_986 : i32
      %and3A_988 = arith.andi %ge3A_982, %lt3A_987 : i1
      %convert_element_type3A_989 = arith.extui %and3A_988 : i1 to i32
      %cond3A_990 = arith.constant 0 : i32
      %cond3A_991 = arith.cmpi ne, %convert_element_type3A_989, %cond3A_990 : i32
      scf.if %cond3A_991 {
        %dma_start3A = arith.constant 0 : i32
        %dma_start3A_1044 = arith.constant 0 : i32
        %dma_start3A_1045 = tpu.memref_slice %arg20[%dma_start3A, %dma_start3A_1044] : memref<10000x128xf32, #tpu.memory_space<vmem_shared>> -> memref<10000x128xf32, #tpu.memory_space<vmem_shared>>
        tpu.enqueue_indirect_dma source(%arg18 : memref<80x128xf32, #tpu.memory_space<vmem>>) target(%dma_start3A_1045 : memref<10000x128xf32, #tpu.memory_space<vmem_shared>>) offsets(%arg15 : memref<80xi32, #tpu.memory_space<vmem>>) semaphore(%arg31 : memref<!tpu.dma_semaphore, #tpu.memory_space<semaphore_mem>>) {add = true}
        %dma_start3A_1046 = arith.constant 0 : i32
        %dma_start3A_1047 = arith.constant 0 : i32
        %dma_start3A_1048 = tpu.memref_slice %arg21[%dma_start3A_1046, %dma_start3A_1047] : memref<10000x16xf32, #tpu.memory_space<vmem_shared>> -> memref<10000x16xf32, #tpu.memory_space<vmem_shared>>
        tpu.enqueue_indirect_dma source(%arg19 : memref<80x16xf32, #tpu.memory_space<vmem>>) target(%dma_start3A_1048 : memref<10000x16xf32, #tpu.memory_space<vmem_shared>>) offsets(%arg15 : memref<80xi32, #tpu.memory_space<vmem>>) semaphore(%arg31 : memref<!tpu.dma_semaphore, #tpu.memory_space<semaphore_mem>>) {add = true}
      } else {
      }
      %sub3A_992 = arith.constant 1 : i32
      %sub3A_993 = arith.subi %add3A_969, %sub3A_992 : i32
      %ge3A_994 = arith.constant 0 : i32
      %ge3A_995 = arith.cmpi sge, %sub3A_993, %ge3A_994 : i32
      %mul3A_996 = arith.constant 16 : i32
      %mul3A_997 = arith.muli %sub3A_993, %mul3A_996 : i32
      %add3A_998 = arith.addi %mul3A_997, %arg1 : i32
      %lt3A_999 = arith.constant 4000 : i32
      %lt3A_1000 = arith.cmpi slt, %add3A_998, %lt3A_999 : i32
      %and3A_1001 = arith.andi %ge3A_995, %lt3A_1000 : i1
      %convert_element_type3A_1002 = arith.extui %and3A_1001 : i1 to i32
      %cond3A_1003 = arith.constant 0 : i32
      %cond3A_1004 = arith.cmpi ne, %convert_element_type3A_1002, %cond3A_1003 : i32
      scf.if %cond3A_1004 {
        %dma_wait3A = arith.constant 0 : i32
        %dma_wait3A_1044 = arith.constant 0 : i32
        %dma_wait3A_1045 = tpu.memref_slice %arg20[%dma_wait3A, %dma_wait3A_1044] : memref<10000x128xf32, #tpu.memory_space<vmem_shared>> -> memref<10000x128xf32, #tpu.memory_space<vmem_shared>>
        tpu.wait_indirect_dma semaphore(%arg30 : memref<!tpu.dma_semaphore, #tpu.memory_space<semaphore_mem>>) src(%arg17 : memref<80x128xf32, #tpu.memory_space<vmem>>) dst(%dma_wait3A_1045 : memref<10000x128xf32, #tpu.memory_space<vmem_shared>>)
        %dma_wait3A_1046 = arith.constant 0 : i32
        %dma_wait3A_1047 = arith.constant 0 : i32
        %dma_wait3A_1048 = tpu.memref_slice %arg21[%dma_wait3A_1046, %dma_wait3A_1047] : memref<10000x16xf32, #tpu.memory_space<vmem_shared>> -> memref<10000x16xf32, #tpu.memory_space<vmem_shared>>
        tpu.wait_indirect_dma semaphore(%arg30 : memref<!tpu.dma_semaphore, #tpu.memory_space<semaphore_mem>>) src(%arg19 : memref<80x16xf32, #tpu.memory_space<vmem>>) dst(%dma_wait3A_1048 : memref<10000x16xf32, #tpu.memory_space<vmem_shared>>)
      } else {
      }
      %add3A_1005 = arith.constant 3 : i32
      %add3A_1006 = arith.addi %add3A_969, %add3A_1005 : i32
      %ge3A_1007 = arith.constant 0 : i32
      %ge3A_1008 = arith.cmpi sge, %add3A_1006, %ge3A_1007 : i32
      %mul3A_1009 = arith.constant 16 : i32
      %mul3A_1010 = arith.muli %add3A_1006, %mul3A_1009 : i32
      %add3A_1011 = arith.addi %mul3A_1010, %arg1 : i32
      %lt3A_1012 = arith.constant 4000 : i32
      %lt3A_1013 = arith.cmpi slt, %add3A_1011, %lt3A_1012 : i32
      %and3A_1014 = arith.andi %ge3A_1008, %lt3A_1013 : i1
      %convert_element_type3A_1015 = arith.extui %and3A_1014 : i1 to i32
      %cond3A_1016 = arith.constant 0 : i32
      %cond3A_1017 = arith.cmpi ne, %convert_element_type3A_1015, %cond3A_1016 : i32
      scf.if %cond3A_1017 {
        %mul3A_1044 = arith.constant 16 : i32
        %mul3A_1045 = arith.muli %add3A_1006, %mul3A_1044 : i32
        %add3A_1046 = arith.addi %mul3A_1045, %arg1 : i32
        %mul3A_1047 = arith.constant 80 : i32
        %mul3A_1048 = arith.muli %add3A_1046, %mul3A_1047 : i32
        %add3A_1049 = arith.addi %mul3A_39, %mul3A_1048 : i32
        %dma_start3A = tpu.memref_slice %arg3[%add3A_1049] : memref<640000xi32, #tpu.memory_space<hbm>> -> memref<80xi32, #tpu.memory_space<hbm>>
        %dma_start3A_1050 = tpu.memref_slice %arg3[%add3A_1049] : memref<640000xi32, #tpu.memory_space<hbm>> -> memref<80xi32, #tpu.memory_space<hbm>>
        tpu.enqueue_dma source(%dma_start3A_1050 : memref<80xi32, #tpu.memory_space<hbm>>) target(%arg10 : memref<80xi32, #tpu.memory_space<vmem>>) target_semaphore(%arg24 : memref<!tpu.dma_semaphore, #tpu.memory_space<semaphore_mem>>)
        %dma_start3A_1051 = tpu.memref_slice %arg4[%add3A_1049] : memref<640000xi32, #tpu.memory_space<hbm>> -> memref<80xi32, #tpu.memory_space<hbm>>
        %dma_start3A_1052 = tpu.memref_slice %arg4[%add3A_1049] : memref<640000xi32, #tpu.memory_space<hbm>> -> memref<80xi32, #tpu.memory_space<hbm>>
        tpu.enqueue_dma source(%dma_start3A_1052 : memref<80xi32, #tpu.memory_space<hbm>>) target(%arg14 : memref<80xi32, #tpu.memory_space<vmem>>) target_semaphore(%arg24 : memref<!tpu.dma_semaphore, #tpu.memory_space<semaphore_mem>>)
      } else {
      }
      %add3A_1018 = arith.constant 2 : i32
      %add3A_1019 = arith.addi %add3A_969, %add3A_1018 : i32
      %ge3A_1020 = arith.constant 0 : i32
      %ge3A_1021 = arith.cmpi sge, %add3A_1019, %ge3A_1020 : i32
      %mul3A_1022 = arith.constant 16 : i32
      %mul3A_1023 = arith.muli %add3A_1019, %mul3A_1022 : i32
      %add3A_1024 = arith.addi %mul3A_1023, %arg1 : i32
      %lt3A_1025 = arith.constant 4000 : i32
      %lt3A_1026 = arith.cmpi slt, %add3A_1024, %lt3A_1025 : i32
      %and3A_1027 = arith.andi %ge3A_1021, %lt3A_1026 : i1
      %convert_element_type3A_1028 = arith.extui %and3A_1027 : i1 to i32
      %cond3A_1029 = arith.constant 0 : i32
      %cond3A_1030 = arith.cmpi ne, %convert_element_type3A_1028, %cond3A_1029 : i32
      scf.if %cond3A_1030 {
        %mul3A_1044 = arith.constant 16 : i32
        %mul3A_1045 = arith.muli %add3A_1019, %mul3A_1044 : i32
        %add3A_1046 = arith.addi %mul3A_1045, %arg1 : i32
        %mul3A_1047 = arith.constant 80 : i32
        %mul3A_1048 = arith.muli %add3A_1046, %mul3A_1047 : i32
        %add3A_1049 = arith.addi %mul3A_39, %mul3A_1048 : i32
        %dma_wait3A = tpu.memref_slice %arg3[%add3A_1049] : memref<640000xi32, #tpu.memory_space<hbm>> -> memref<80xi32, #tpu.memory_space<hbm>>
        %dma_wait3A_1050 = tpu.memref_slice %arg3[%add3A_1049] : memref<640000xi32, #tpu.memory_space<hbm>> -> memref<80xi32, #tpu.memory_space<hbm>>
        tpu.wait_dma2 semaphore(%arg23 : memref<!tpu.dma_semaphore, #tpu.memory_space<semaphore_mem>>) src(%dma_wait3A_1050 : memref<80xi32, #tpu.memory_space<hbm>>) dst(%arg9 : memref<80xi32, #tpu.memory_space<vmem>>)
        %dma_wait3A_1051 = tpu.memref_slice %arg4[%add3A_1049] : memref<640000xi32, #tpu.memory_space<hbm>> -> memref<80xi32, #tpu.memory_space<hbm>>
        %dma_wait3A_1052 = tpu.memref_slice %arg4[%add3A_1049] : memref<640000xi32, #tpu.memory_space<hbm>> -> memref<80xi32, #tpu.memory_space<hbm>>
        tpu.wait_dma2 semaphore(%arg23 : memref<!tpu.dma_semaphore, #tpu.memory_space<semaphore_mem>>) src(%dma_wait3A_1052 : memref<80xi32, #tpu.memory_space<hbm>>) dst(%arg13 : memref<80xi32, #tpu.memory_space<vmem>>)
      } else {
      }
      %add3A_1031 = arith.constant 2 : i32
      %add3A_1032 = arith.addi %add3A_969, %add3A_1031 : i32
      %ge3A_1033 = arith.constant 0 : i32
      %ge3A_1034 = arith.cmpi sge, %add3A_1032, %ge3A_1033 : i32
      %mul3A_1035 = arith.constant 16 : i32
      %mul3A_1036 = arith.muli %add3A_1032, %mul3A_1035 : i32
      %add3A_1037 = arith.addi %mul3A_1036, %arg1 : i32
      %lt3A_1038 = arith.constant 4000 : i32
      %lt3A_1039 = arith.cmpi slt, %add3A_1037, %lt3A_1038 : i32
      %and3A_1040 = arith.andi %ge3A_1034, %lt3A_1039 : i1
      %convert_element_type3A_1041 = arith.extui %and3A_1040 : i1 to i32
      %cond3A_1042 = arith.constant 0 : i32
      %cond3A_1043 = arith.cmpi ne, %convert_element_type3A_1041, %cond3A_1042 : i32
      scf.if %cond3A_1043 {
        %dma_start3A = arith.constant 0 : i32
        %dma_start3A_1044 = arith.constant 0 : i32
        %dma_start3A_1045 = tpu.memref_slice %arg2[%dma_start3A, %dma_start3A_1044] : memref<20000x128xf32, #tpu.memory_space<hbm>> -> memref<20000x128xf32, #tpu.memory_space<hbm>>
        tpu.enqueue_indirect_dma source(%dma_start3A_1045 : memref<20000x128xf32, #tpu.memory_space<hbm>>) target(%arg17 : memref<80x128xf32, #tpu.memory_space<vmem>>) offsets(%arg9 : memref<80xi32, #tpu.memory_space<vmem>>) semaphore(%arg27 : memref<!tpu.dma_semaphore, #tpu.memory_space<semaphore_mem>>)
      } else {
      }
    }
    %scan3A_104 = arith.constant 21 : i32
    %barrier3A_105 = arith.constant 0 : index
    tpu.barrier barrier_id(%barrier3A_105)
    %mul3A_106 = arith.constant 10000 : i32
    %mul3A_107 = arith.muli %arg0, %mul3A_106 : i32
    %add3A_108 = arith.addi %mul3A_107, %mul3A_0 : i32
    "tpu.region"() ({
      %run_scoped3A = tpu.sem_alloc : memref<!tpu.dma_semaphore, #tpu.memory_space<semaphore_mem>>
      %dma_start3A = arith.constant 0 : i32
      %dma_start3A_109 = tpu.memref_slice %arg6[%add3A_108, %dma_start3A] : memref<20000x128xf32, #tpu.memory_space<hbm>> -> memref<625x128xf32, #tpu.memory_space<hbm>>
      %dma_start3A_110 = arith.constant 0 : i32
      %dma_start3A_111 = tpu.memref_slice %arg20[%mul3A_0, %dma_start3A_110] : memref<10000x128xf32, #tpu.memory_space<vmem_shared>> -> memref<625x128xf32, #tpu.memory_space<vmem_shared>>
      tpu.enqueue_dma source(%dma_start3A_111 : memref<625x128xf32, #tpu.memory_space<vmem_shared>>) target(%dma_start3A_109 : memref<625x128xf32, #tpu.memory_space<hbm>>) target_semaphore(%run_scoped3A : memref<!tpu.dma_semaphore, #tpu.memory_space<semaphore_mem>>)
      %dma_wait3A = arith.constant 0 : i32
      %dma_wait3A_112 = tpu.memref_slice %arg6[%add3A_108, %dma_wait3A] : memref<20000x128xf32, #tpu.memory_space<hbm>> -> memref<625x128xf32, #tpu.memory_space<hbm>>
      %dma_wait3A_113 = arith.constant 0 : i32
      %dma_wait3A_114 = tpu.memref_slice %arg20[%mul3A_0, %dma_wait3A_113] : memref<10000x128xf32, #tpu.memory_space<vmem_shared>> -> memref<625x128xf32, #tpu.memory_space<vmem_shared>>
      tpu.wait_dma2 semaphore(%run_scoped3A : memref<!tpu.dma_semaphore, #tpu.memory_space<semaphore_mem>>) src(%dma_wait3A_114 : memref<625x128xf32, #tpu.memory_space<vmem_shared>>) dst(%dma_wait3A_112 : memref<625x128xf32, #tpu.memory_space<hbm>>)
      tpu.yield
    }) : () -> ()
    "tpu.region"() ({
      %run_scoped3A = tpu.sem_alloc : memref<!tpu.dma_semaphore, #tpu.memory_space<semaphore_mem>>
      %dma_start3A = arith.constant 0 : i32
      %dma_start3A_109 = tpu.memref_slice %arg7[%add3A_108, %dma_start3A] : memref<20000x16xf32, #tpu.memory_space<hbm>> -> memref<625x16xf32, #tpu.memory_space<hbm>>
      %dma_start3A_110 = arith.constant 0 : i32
      %dma_start3A_111 = tpu.memref_slice %arg21[%mul3A_0, %dma_start3A_110] : memref<10000x16xf32, #tpu.memory_space<vmem_shared>> -> memref<625x16xf32, #tpu.memory_space<vmem_shared>>
      tpu.enqueue_dma source(%dma_start3A_111 : memref<625x16xf32, #tpu.memory_space<vmem_shared>>) target(%dma_start3A_109 : memref<625x16xf32, #tpu.memory_space<hbm>>) target_semaphore(%run_scoped3A : memref<!tpu.dma_semaphore, #tpu.memory_space<semaphore_mem>>)
      %dma_wait3A = arith.constant 0 : i32
      %dma_wait3A_112 = tpu.memref_slice %arg7[%add3A_108, %dma_wait3A] : memref<20000x16xf32, #tpu.memory_space<hbm>> -> memref<625x16xf32, #tpu.memory_space<hbm>>
      %dma_wait3A_113 = arith.constant 0 : i32
      %dma_wait3A_114 = tpu.memref_slice %arg21[%mul3A_0, %dma_wait3A_113] : memref<10000x16xf32, #tpu.memory_space<vmem_shared>> -> memref<625x16xf32, #tpu.memory_space<vmem_shared>>
      tpu.wait_dma2 semaphore(%run_scoped3A : memref<!tpu.dma_semaphore, #tpu.memory_space<semaphore_mem>>) src(%dma_wait3A_114 : memref<625x16xf32, #tpu.memory_space<vmem_shared>>) dst(%dma_wait3A_112 : memref<625x16xf32, #tpu.memory_space<hbm>>)
      tpu.yield
    }) : () -> ()
    return
  }
}

module attributes {stable_mosaic.version = 14 : i64} {
  func.func @_tc_body(%arg0: i32, %arg1: i32, %arg2: memref<2000x128xf32, #tpu.memory_space<vmem>>, %arg3: memref<2000x16xf32, #tpu.memory_space<vmem>>, %arg4: memref<2000x128xf32, #tpu.memory_space<vmem>>, %arg5: memref<1x128x128xf32, #tpu.memory_space<vmem>>, %arg6: memref<1x1x128xf32, #tpu.memory_space<vmem>>, %arg7: memref<1x128x128xf32, #tpu.memory_space<vmem>>, %arg8: memref<1x128x1xf32, #tpu.memory_space<vmem>>, %arg9: memref<1x1x1xf32, #tpu.memory_space<vmem>>, %arg10: memref<1x2000x1xf32, #tpu.memory_space<vmem>>) attributes {dimension_semantics = [#tpu.dimension_semantics<arbitrary>, #tpu.dimension_semantics<arbitrary>], iteration_bounds = array<i64: 2, 5>, scalar_prefetch = 0 : i64, scratch_operands = 0 : i64, tpu.core_type = #tpu.core_type<tc>, window_params = [{transform_indices = @transform_0, window_bounds = array<i64: 2000, 128>}, {transform_indices = @transform_1, window_bounds = array<i64: 2000, 16>}, {transform_indices = @transform_2, window_bounds = array<i64: 2000, 128>}, {transform_indices = @transform_3, window_bounds = array<i64: 1, 128, 128>}, {transform_indices = @transform_4, window_bounds = array<i64: 1, 1, 128>}, {transform_indices = @transform_5, window_bounds = array<i64: 1, 128, 128>}, {transform_indices = @transform_6, window_bounds = array<i64: 1, 128, 1>}, {transform_indices = @transform_7, window_bounds = array<i64: 1, 1, 1>}, {transform_indices = @transform_8, window_bounds = array<i64: 1, 2000, 1>}]} {
    %get3A = arith.constant 0 : index
    %get3A_0 = arith.constant 0 : index
    %get3A_1 = vector.load %arg3[%get3A, %get3A_0] : memref<2000x16xf32, #tpu.memory_space<vmem>>, vector<2000x16xf32>
    %reduce_sum3A = arith.constant dense<0.000000e+00> : vector<2000xf32>
    %reduce_sum3A_2 = vector.multi_reduction <add>, %get3A_1, %reduce_sum3A [1] : vector<2000x16xf32> to vector<2000xf32>
    %mul3A = arith.constant 6.250000e-02 : f32
    %mul3A_3 = vector.broadcast %mul3A : f32 to vector<2000xf32>
    %mul3A_4 = arith.mulf %reduce_sum3A_2, %mul3A_3 : vector<2000xf32>
    %get3A_5 = arith.constant 0 : index
    %get3A_6 = arith.constant 0 : index
    %get3A_7 = vector.load %arg2[%get3A_5, %get3A_6] : memref<2000x128xf32, #tpu.memory_space<vmem>>, vector<2000x128xf32>
    %max3A = arith.constant 1.000000e+00 : f32
    %max3A_8 = vector.broadcast %max3A : f32 to vector<2000xf32>
    %max3A_9 = arith.maximumf %mul3A_4, %max3A_8 : vector<2000xf32>
    %broadcast_in_dim3A = vector.shape_cast %max3A_9 : vector<2000xf32> to vector<2000x1xf32>
    %div3A = vector.broadcast %broadcast_in_dim3A : vector<2000x1xf32> to vector<2000x128xf32>
    %div3A_10 = arith.divf %get3A_7, %div3A : vector<2000x128xf32>
    %get3A_11 = arith.constant 0 : index
    %get3A_12 = arith.constant 0 : index
    %get3A_13 = arith.constant 0 : index
    %get3A_14 = vector.load %arg5[%get3A_11, %get3A_12, %get3A_13] : memref<1x128x128xf32, #tpu.memory_space<vmem>>, vector<1x128x128xf32>
    %get3A_15 = vector.shape_cast %get3A_14 : vector<1x128x128xf32> to vector<128x128xf32>
    %dot_general3A = arith.constant dense<0.000000e+00> : vector<2000x128xf32>
    %dot_general3A_16 = tpu.matmul %div3A_10, %get3A_15, %dot_general3A {dimension_numbers = #tpu.dot_dimension_numbers<[1], [0], [0], [1], [0, 0, 1, 1], [], []>, transpose_lhs_hint = false} : vector<2000x128xf32>, vector<128x128xf32>, vector<2000x128xf32> -> vector<2000x128xf32>
    %get3A_17 = arith.constant 0 : index
    %get3A_18 = arith.constant 0 : index
    %get3A_19 = arith.constant 0 : index
    %get3A_20 = vector.load %arg6[%get3A_17, %get3A_18, %get3A_19] : memref<1x1x128xf32, #tpu.memory_space<vmem>>, vector<1x1x128xf32>
    %get3A_21 = vector.shape_cast %get3A_20 : vector<1x1x128xf32> to vector<1x128xf32>
    %add3A = vector.broadcast %get3A_21 : vector<1x128xf32> to vector<2000x128xf32>
    %add3A_22 = arith.addf %dot_general3A_16, %add3A : vector<2000x128xf32>
    %get3A_23 = arith.constant 0 : index
    %get3A_24 = arith.constant 0 : index
    %get3A_25 = vector.load %arg4[%get3A_23, %get3A_24] : memref<2000x128xf32, #tpu.memory_space<vmem>>, vector<2000x128xf32>
    %get3A_26 = arith.constant 0 : index
    %get3A_27 = arith.constant 0 : index
    %get3A_28 = arith.constant 0 : index
    %get3A_29 = vector.load %arg7[%get3A_26, %get3A_27, %get3A_28] : memref<1x128x128xf32, #tpu.memory_space<vmem>>, vector<1x128x128xf32>
    %get3A_30 = vector.shape_cast %get3A_29 : vector<1x128x128xf32> to vector<128x128xf32>
    %dot_general3A_31 = arith.constant dense<0.000000e+00> : vector<2000x128xf32>
    %dot_general3A_32 = tpu.matmul %get3A_25, %get3A_30, %dot_general3A_31 {dimension_numbers = #tpu.dot_dimension_numbers<[1], [0], [0], [1], [0, 0, 1, 1], [], []>, transpose_lhs_hint = false} : vector<2000x128xf32>, vector<128x128xf32>, vector<2000x128xf32> -> vector<2000x128xf32>
    %add3A_33 = arith.addf %add3A_22, %dot_general3A_32 : vector<2000x128xf32>
    %max3A_34 = arith.constant 0.000000e+00 : f32
    %max3A_35 = vector.broadcast %max3A_34 : f32 to vector<2000x128xf32>
    %max3A_36 = arith.maximumf %add3A_33, %max3A_35 : vector<2000x128xf32>
    %get3A_37 = arith.constant 0 : index
    %get3A_38 = arith.constant 0 : index
    %get3A_39 = arith.constant 0 : index
    %get3A_40 = vector.load %arg8[%get3A_37, %get3A_38, %get3A_39] : memref<1x128x1xf32, #tpu.memory_space<vmem>>, vector<1x128x1xf32>
    %get3A_41 = vector.shape_cast %get3A_40 : vector<1x128x1xf32> to vector<128x1xf32>
    %dot_general3A_42 = arith.constant dense<0.000000e+00> : vector<2000x1xf32>
    %dot_general3A_43 = tpu.matmul %max3A_36, %get3A_41, %dot_general3A_42 {dimension_numbers = #tpu.dot_dimension_numbers<[1], [0], [0], [1], [0, 0, 1, 1], [], []>, transpose_lhs_hint = false} : vector<2000x128xf32>, vector<128x1xf32>, vector<2000x1xf32> -> vector<2000x1xf32>
    %get3A_44 = arith.constant 0 : index
    %get3A_45 = arith.constant 0 : index
    %get3A_46 = arith.constant 0 : index
    %get3A_47 = vector.load %arg9[%get3A_44, %get3A_45, %get3A_46] : memref<1x1x1xf32, #tpu.memory_space<vmem>>, vector<1x1x1xf32>
    %get3A_48 = vector.shape_cast %get3A_47 : vector<1x1x1xf32> to vector<1x1xf32>
    %add3A_49 = vector.broadcast %get3A_48 : vector<1x1xf32> to vector<2000x1xf32>
    %add3A_50 = arith.addf %dot_general3A_43, %add3A_49 : vector<2000x1xf32>
    %ge3A = arith.constant 0.000000e+00 : f32
    %ge3A_51 = vector.broadcast %ge3A : f32 to vector<2000x1xf32>
    %ge3A_52 = arith.cmpf oge, %add3A_50, %ge3A_51 : vector<2000x1xf32>
    %mul3A_53 = arith.constant 1.000000e-03 : f32
    %mul3A_54 = vector.broadcast %mul3A_53 : f32 to vector<2000x1xf32>
    %mul3A_55 = arith.mulf %mul3A_54, %add3A_50 : vector<2000x1xf32>
    %select_n3A = arith.select %ge3A_52, %add3A_50, %mul3A_55 : vector<2000x1xi1>, vector<2000x1xf32>
    %broadcast_in_dim3A_56 = vector.shape_cast %select_n3A : vector<2000x1xf32> to vector<1x2000x1xf32>
    %swap3A = arith.constant 0 : index
    %swap3A_57 = arith.constant 0 : index
    %swap3A_58 = arith.constant 0 : index
    %swap3A_59 = vector.load %arg10[%swap3A, %swap3A_57, %swap3A_58] : memref<1x2000x1xf32, #tpu.memory_space<vmem>>, vector<1x2000x1xf32>
    tpu.vector_store %arg10[%swap3A, %swap3A_57, %swap3A_58], %broadcast_in_dim3A_56 {strides = array<i32>} : memref<1x2000x1xf32, #tpu.memory_space<vmem>>, vector<1x2000x1xf32>,
    return
  }
  func.func @transform_0(%arg0: i32, %arg1: i32) -> (i32, i32) {
    %mul3A = arith.constant 5 : i32
    %mul3A_0 = arith.muli %arg0, %mul3A : i32
    %add3A = arith.addi %mul3A_0, %arg1 : i32
    %c0_i32 = arith.constant 0 : i32
    %c0_i32_1 = arith.constant 0 : i32
    return %add3A, %c0_i32 : i32, i32
  }
  func.func @transform_1(%arg0: i32, %arg1: i32) -> (i32, i32) {
    %mul3A = arith.constant 5 : i32
    %mul3A_0 = arith.muli %arg0, %mul3A : i32
    %add3A = arith.addi %mul3A_0, %arg1 : i32
    %c0_i32 = arith.constant 0 : i32
    %c0_i32_1 = arith.constant 0 : i32
    return %add3A, %c0_i32 : i32, i32
  }
  func.func @transform_2(%arg0: i32, %arg1: i32) -> (i32, i32) {
    %sub3A = arith.constant 1 : i32
    %sub3A_0 = arith.subi %sub3A, %arg0 : i32
    %mul3A = arith.constant 5 : i32
    %mul3A_1 = arith.muli %sub3A_0, %mul3A : i32
    %add3A = arith.addi %mul3A_1, %arg1 : i32
    %c0_i32 = arith.constant 0 : i32
    %c0_i32_2 = arith.constant 0 : i32
    return %add3A, %c0_i32 : i32, i32
  }
  func.func @transform_3(%arg0: i32, %arg1: i32) -> (i32, i32, i32) {
    %c0_i32 = arith.constant 0 : i32
    %c0_i32_0 = arith.constant 0 : i32
    %c0_i32_1 = arith.constant 0 : i32
    return %arg0, %c0_i32, %c0_i32_0 : i32, i32, i32
  }
  func.func @transform_4(%arg0: i32, %arg1: i32) -> (i32, i32, i32) {
    %c0_i32 = arith.constant 0 : i32
    %c0_i32_0 = arith.constant 0 : i32
    %c0_i32_1 = arith.constant 0 : i32
    return %arg0, %c0_i32, %c0_i32_0 : i32, i32, i32
  }
  func.func @transform_5(%arg0: i32, %arg1: i32) -> (i32, i32, i32) {
    %c0_i32 = arith.constant 0 : i32
    %c0_i32_0 = arith.constant 0 : i32
    %c0_i32_1 = arith.constant 0 : i32
    return %arg0, %c0_i32, %c0_i32_0 : i32, i32, i32
  }
  func.func @transform_6(%arg0: i32, %arg1: i32) -> (i32, i32, i32) {
    %c0_i32 = arith.constant 0 : i32
    %c0_i32_0 = arith.constant 0 : i32
    %c0_i32_1 = arith.constant 0 : i32
    return %arg0, %c0_i32, %c0_i32_0 : i32, i32, i32
  }
  func.func @transform_7(%arg0: i32, %arg1: i32) -> (i32, i32, i32) {
    %c0_i32 = arith.constant 0 : i32
    %c0_i32_0 = arith.constant 0 : i32
    %c0_i32_1 = arith.constant 0 : i32
    return %arg0, %c0_i32, %c0_i32_0 : i32, i32, i32
  }
  func.func @transform_8(%arg0: i32, %arg1: i32) -> (i32, i32, i32) {
    %c0_i32 = arith.constant 0 : i32
    %c0_i32_0 = arith.constant 0 : i32
    return %arg0, %arg1, %c0_i32 : i32, i32, i32
  }
}

</mosaic_0001>

<sc_bundles>
// kernel: kernel.4.cloned.1.call-start
scs
__scs_entry_jumppad:
0x0: {  	(pc) =	sbr.rel $0x88, $3  }
0x1: {  	(tag) =	ssettag $0x0;
	lr =	simm.s32 $0x1  }
0x2: {  	[smem:$0x3F93] =	sst lr;
	_ =	strace $0xD0000000  }
0x3: {  	_ = 	snop  }
0x4: {  	_ = 	snop  }
0x5: {  	_ = 	snop  }
0x6: {  	_ = 	snop  }
0x7: {  	_ = 	snop  }
__scs_overlays_trampoline_lowered:
0x8: {  	[smem:$0x3FA2] =	sst s0  }
0x9: {  	[smem:$0x3FA3] =	sst s1  }
0xa: {  	[smem:$0x3FA4] =	sst s2  }
0xb: {  	[smem:$0x3FA5] =	sst s3  }
0xc: {  	[smem:$0x3FA6] =	sst s4  }
0xd: {  	[smem:$0x3FA7] =	sst s5  }
0xe: {  	[smem:$0x3FA8] =	sst s6  }
0xf: {  	[smem:$0x3FA9] =	sst s7  }
0x10: {  	[smem:$0x3FAA] =	sst s8  }
0x11: {  	[smem:$0x3FAB] =	sst s9;
	s0 =	simm.s32 @!p0 $0x0  }
0x12: {  	s1 =	sld [smem:$0x3F91];
	s0 =	simm.s32 @p0 $0x1  }
0x13: {  	[smem:$0x3FAC] =	sst s0;
	s0 =	simm.s32 @!p1 $0x0  }
0x14: {  	s2 =	sld [smem:$0x3F90];
	s0 =	simm.s32 @p1 $0x1  }
0x15: {  	[smem:$0x3FAD] =	sst s0;
	s0 =	simm.s32 @!p2 $0x0  }
0x16: {  	s3 =	sld [smem:$0x3FDB];
	s0 =	simm.s32 @p2 $0x1  }
0x17: {  	s4 =	simm.s32 $0x1BF5;
	[smem:$0x3FAF] =	sst s0  }
0x18: {  	s0 =	sld [smem:$0x3F92];
	_ =	swait.ge [sflag:s4], $0x0  }
0x19: {  	s7 =	sld [smem:$0x3F93]  }
0x1a: {  	s8 =	sadd.s32 $0xFFFFE003, lr  }
0x1b: {  	s9 =	sadd.s32 $0xFFFFFEF7, lr;
	s5 =	simm.s32 $0xFFFFFFFF;
	p2 =	slt.u32 s8, $0xFFFFF086  }
0x1c: {  	p1 =	slt.u32 s9, $0xF7A;
	s5 =	simm.s32 @!p2 $0x0  }
0x1d: {  	s5 =	simm.s32 @p1 $0x1;
	p0 =	seq.s32 s7, s2  }
0x1e: {  	s7 =	smul.u32 @!p0 $0xF7A, s2;
	p2 =	seq.s32 @!p0 s5, $0x0  }
0x1f: {  	s9 =	smul.u32 $0xF7A, s1;
	s8 =	simm.s32 @!p0 $0x1BF5;
	p2 =	por !p2, p0  }
0x20: {  	[sflag:s8] =	ssyncset.s32 @!p0 $0xFFFFF086;
	s6 =	sadd.s32 @!p0 s3, s7;
	s7 =	simm.s32 @!p0 $0x108  }
0x21: {  	s3 =	sadd.s32 s3, s9;
	s6 =	sadd.s32 @!p0 $0x88, s6;
	s7 =	simm.s32 @p2 $0x1082  }
0x22: {  	[simem:s7], [sflag:s8] =	dma.local @!p0 [hbm:s6], $0xF7A  }
0x23: {  	s9 =	sor.u32 $0xD0000000, s2;
	s6 =	simm.s32 $0x108;
	_ =	swait.ge @!p0 [sflag:s8], $0x0  }
0x24: {  	s3 =	sadd.s32 $0x88, s3;
	s6 =	simm.s32 @!p1 $0x1082;
	[sflag:s4] =	ssyncset.s32 $0xFFFFF086  }
0x25: {  	[simem:s6], [sflag:s4] =	dma.local [hbm:s3], $0xF7A  }
0x26: {  	[smem:$0x3F93] =	sst s1;
	(tag) =	ssettag s2;
	_ =	strace s9  }
0x27: {  	s1 =	sld [smem:$0x3FA3]  }
0x28: {  	s2 =	sld [smem:$0x3FA4]  }
0x29: {  	s4 =	sld [smem:$0x3FA6]  }
0x2a: {  	p0 =	seq.s32 s5, $0x0;
	s5 =	sld [smem:$0x3FA7]  }
0x2b: {  	s6 =	sld [smem:$0x3FA8]  }
0x2c: {  	s7 =	sld [smem:$0x3FA9]  }
0x2d: {  	s3 =	simm.s32 $0x108;
	s8 =	sld [smem:$0x3FAA]  }
0x2e: {  	s3 =	simm.s32 @!p0 $0x1082;
	s9 =	sld [smem:$0x3FAB]  }
0x2f: {  	lr =	sadd.s32 s0, s3;
	s0 =	sld [smem:$0x3FA2]  }
0x30: {  	s3 =	sld [smem:$0x3FA5]  }
0x31: {  	[smem:$0x3FAE] =	sst s10  }
0x32: {  	s10 =	sld [smem:$0x3FAC];
	_ =	sdelay $0x3  }
0x33: {  	p0 =	seq.s32 s10, $0x1;
	s10 =	sld [smem:$0x3FAE];
	_ =	sdelay $0x3  }
0x34: {  	[smem:$0x3FAE] =	sst s10  }
0x35: {  	s10 =	sld [smem:$0x3FAD];
	_ =	sdelay $0x3  }
0x36: {  	p1 =	seq.s32 s10, $0x1;
	s10 =	sld [smem:$0x3FAE];
	_ =	sdelay $0x3  }
0x37: {  	[smem:$0x3FAE] =	sst s10  }
0x38: {  	s10 =	sld [smem:$0x3FAF]  }
0x39: {  	_ = 	snop;
	(pc) =	sbr.ind lr, $3  }
0x3a: {  	_ = 	snop  }
0x3b: {  	_ = 	snop  }
0x3c: {  	p2 =	seq.s32 s10, $0x1;
	s10 =	sld [smem:$0x3FAE]  }
0x3d: {  	_ =	shalt  }
0x3e: {  	_ =	shalt  }
0x3f: {  	_ =	shalt  }
0x40: {  	_ =	shalt  }
0x41: {  	_ =	shalt  }
0x42: {  	_ =	shalt  }
0x43: {  	_ =	shalt  }
0x44: {  	_ =	shalt  }
0x45: {  	_ =	shalt  }
0x46: {  	_ =	shalt  }
0x47: {  	_ =	shalt  }
0x48: {  	_ =	shalt  }
0x49: {  	_ =	shalt  }
0x4a: {  	_ =	shalt  }
0x4b: {  	_ =	shalt  }
0x4c: {  	_ =	shalt  }
0x4d: {  	_ =	shalt  }
0x4e: {  	_ =	shalt  }
0x4f: {  	_ =	shalt  }
0x50: {  	_ =	shalt  }
0x51: {  	_ =	shalt  }
0x52: {  	_ =	shalt  }
0x53: {  	_ =	shalt  }
0x54: {  	_ =	shalt  }
0x55: {  	_ =	shalt  }
0x56: {  	_ =	shalt  }
0x57: {  	_ =	shalt  }
0x58: {  	_ =	shalt  }
0x59: {  	_ =	shalt  }
0x5a: {  	_ =	shalt  }
0x5b: {  	_ =	shalt  }
0x5c: {  	_ =	shalt  }
0x5d: {  	_ =	shalt  }
0x5e: {  	_ =	shalt  }
0x5f: {  	_ =	shalt  }
0x60: {  	_ =	shalt  }
0x61: {  	_ =	shalt  }
0x62: {  	_ =	shalt  }
0x63: {  	_ =	shalt  }
0x64: {  	_ =	shalt  }
0x65: {  	_ =	shalt  }
0x66: {  	_ =	shalt  }
0x67: {  	_ =	shalt  }
0x68: {  	_ =	shalt  }
0x69: {  	_ =	shalt  }
0x6a: {  	_ =	shalt  }
0x6b: {  	_ =	shalt  }
0x6c: {  	_ =	shalt  }
0x6d: {  	_ =	shalt  }
0x6e: {  	_ =	shalt  }
0x6f: {  	_ =	shalt  }
0x70: {  	_ =	shalt  }
0x71: {  	_ =	shalt  }
0x72: {  	_ =	shalt  }
0x73: {  	_ =	shalt  }
0x74: {  	_ =	shalt  }
0x75: {  	_ =	shalt  }
0x76: {  	_ =	shalt  }
0x77: {  	_ =	shalt  }
0x78: {  	_ =	shalt  }
0x79: {  	_ =	shalt  }
0x7a: {  	_ =	shalt  }
0x7b: {  	_ =	shalt  }
0x7c: {  	_ =	shalt  }
0x7d: {  	_ =	shalt  }
0x7e: {  	_ =	shalt  }
0x7f: {  	_ =	shalt  }
0x80: {  	_ =	shalt  }
0x81: {  	_ =	shalt  }
0x82: {  	_ =	shalt  }
0x83: {  	_ =	shalt  }
0x84: {  	_ =	shalt  }
0x85: {  	_ =	shalt  }
0x86: {  	_ =	shalt  }
0x87: {  	_ =	shalt  }
.Lfunc_end0:
.L_simem_size_0:
called_computation_lowered:
.L_overlay_start_0:
0x88: {  	s2 =	sld [smem:$0x3FD9]  }
0x89: {  	s3 =	sld [smem:$0x3FFE];
	_ =	sdelay $0x1  }
0x8a: {  	s1 =	srdreg.scid  }
0x8b: {  	s0 =	sand.u32 $0x1, s1  }
0x8c: {  	s14 =	sshll.u32 s0, $0xA;
	s2 =	sadd.s32 s3, s2  }
0x8d: {  	s2 =	sadd.s32 s2, s14  }
0x8e: {  	[smem:$0x3FBA] =	sst s2  }
0x8f: {  	_ = 	snop  }
0x90: {  	s2 =	sld [smem:$0x3FD0];
	_ =	sdelay $0x2  }
0x91: {  	s15 =	simm.s32 $0xA;
	s4 =	simm.s32 $0x10  }
0x92: {  	[smem:s4], [sflag:s15] =	dma.local [hbm:s2], $0x1  }
0x93: {  	_ =	swait.eq [sflag:s15], $0x1  }
0x94: {  	[sflag:s15] =	ssyncset.done $0x0  }
0x95: {  	[sflag:s15] =	ssyncadd.s32 $0xFFFFFFFF  }
0x96: {  	s16 =	sld [smem:$0x11];
	(tm) =	ssettm $0x1  }
0x97: {  	s17 =	sld [smem:$0x3FFB];
	_ =	sdelay $0x3  }
0x98: {  	_ =	strace s17  }
0x99: {  	s3 =	sld [smem:$0x3FFC];
	_ =	sdelay $0x3  }
0x9a: {  	_ =	strace s3  }
0x9b: {  	s3 =	sld [smem:$0x3FFD];
	_ =	sdelay $0x3  }
0x9c: {  	_ =	strace s3  }
0x9d: {  	_ =	strace $0x8FFFFFFF  }
0x9e: {  	s18 =	sld [smem:$0x3FDB];
	_ =	sdelay $0x1  }
0x9f: {  	s19 =	simm.s32 $_scs_section_size  }
0xa0: {  	s5 =	simm.s32 $_size__tile_overlayer_lowered;
	s6 =	simm.s32 $_tile_overlayer_lowered  }
0xa1: {  	s22 =	simm.s32 $0x1BFF;
	s21 =	sshll.u32 s6, $0x1;
	s3 =	sadd.s32 s19, s18  }
0xa2: {  	s7 =	simm.s32 $0x0;
	s20 =	sshll.u32 s5, $0x1;
	s5 =	sadd.s32 s21, s3  }
0xa3: {  	[timem:s7], [sflag:s22] =	dma.local [hbm:s5], s20  }
0xa4: {  	_ =	swait.ge [sflag:s22], s20  }
0xa5: {  	s4 =	ssub.s32 $0x0, s20;
	[sflag:s22] =	ssyncset.done $0x0  }
0xa6: {  	[sflag:s22] =	ssyncadd.s32 s4;
	_ =	sdelay $0x1  }
0xa7: {  	s23 =	simm.s32 $0x1B8B  }
0xa8: {  	_ =	swait.ge [sflag:s23], $0x1  }
0xa9: {  	[sflag:s23] =	ssyncset.done $0x0  }
0xaa: {  	s25 =	simm.s32 $0x1B8E;
	s24 =	sld [smem:$0x3FFE];
	[sflag:s23] =	ssyncadd.s32 $0xFFFFFFFF  }
0xab: {  	s26 =	simm.s32 $execute0_lowered;
	[smem:$0x3FD2] =	sst s25  }
0xac: {  	s5 =	sshll.u32 s26, $0x1;
	_ =	strace $0x80000046;
	[dreg:$0x1] =	wrdreg $0xFFFFFFFF  }
0xad: {  	s28 =	simm.s32 $_size_execute0_lowered;
	s3 =	sadd.s32 s3, s5;
	[dreg:$0x0] =	wrdreg $0x0  }
0xae: {  	s5 =	sshll.u32 s28, $0x1;
	[dreg:$0x2] =	wrdreg s3  }
0xaf: {  	[dreg:$0x3] =	wrdreg s5  }
0xb0: {  	[dreg:$0x4] =	wrdreg $0xC0  }
0xb1: {  	_ =	task [dreg:s7], $0x5FFFF  }
0xb2: {  	[dreg:$0x1] =	wrdreg $0xFFFFFFFF  }
0xb3: {  	[dreg:$0x0] =	wrdreg $0x60  }
0xb4: {  	[dreg:$0x2] =	wrdreg s24  }
0xb5: {  	[dreg:$0x3] =	wrdreg s16  }
0xb6: {  	[dreg:$0x4] =	wrdreg $0x7F800  }
0xb7: {  	[dreg:$0x5] =	wrdreg $0x1B8000  }
0xb8: {  	[dreg:$0x6] =	wrdreg $0x9  }
0xb9: {  	_ =	task.clear_ibuf [dreg:s7], $0x7FFFF;
	_ =	strace $0x90000046  }
0xba: {  	s29 =	simm.s32 $0x9;
	_ =	strace $0x80000048  }
0xbb: {  	_ =	swait.ge [sflag:s29], $0x1  }
0xbc: {  	[sflag:s29] =	ssyncadd.s32 $0xFFFFFFFF  }
0xbd: {  	_ =	strace $0x90000048  }
0xbe: {  	_ =	sfence  }
0xbf: {  	s30 =	sld [smem:$0x0];
	_ =	sdelay $0x2  }
0xc0: {  	s31 =	sshll.u32 s1, $0xD;
	s1 =	sshrl.u32 s1, $0x2  }
0xc1: {  	s3 =	sand.u32 $0x4000, s31;
	s1 =	sadd.s32 s1, s30  }
0xc2: {  	s0 =	sor.u32 s3, s0;
	s1 =	sshll.u32 s1, $0x11  }
0xc3: {  	s0 =	sor.u32 s1, s0  }
0xc4: {  	s0 =	sadd.s32 $0x8F2B, s0  }
0xc5: {  	[sflag:s0] =	ssyncadd.remote.s32 $0x1  }
0xc6: {  	_ =	sfence.sel $0xFFFF  }
0xc7: {  	[dreg:$0x0] =	wrdreg $0xFFFFFFFF;
	(pc) =	sbr.abs _section_cstart, $3  }
0xc8: {  	[dreg:$0x1] =	wrdreg $0xFFFFFFFF  }
0xc9: {  	_ =	task.clear_ibuf [dreg:s7], $0x2FFFF;
	_ =	strace $0x9FFFFFFF  }
0xca: {  	(tm) =	ssettm $0x7FFFFFFF  }
0xcb: {  	_ =	shalt  }
tec
execute0_lowered:
.L_overlay_start_1:
0x0: {  	(tag) =	ssettag $0x1  }
0x1: {  	s0 =	rddreg [dreg:$0x0];
	s1 =	srdreg.scid  }
0x2: {  	s17 =	stileid.u32;
	s3 =	rddreg [dreg:$0x2]  }
0x3: {  	s4 =	rddreg [dreg:$0x3];
	s2 =	smul.u32 $0x271, s17  }
0x4: {  	s5 =	simm.s32 $0x0;
	s28 =	simm.s32 $0x8;
	s10 =	smul.u32 $0x4E200, s17  }
0x5: {  	s1 =	sand.u32 $0x1, s1;
	[smem:$0x7FF] =	sst s5;
	s11 =	smul.u32 $0x9C40, s17  }
0x6: {  	s21 =	sadd.s32 $0x1000, s0;
	s19 =	sadd.s32 $0x4F200, s0;
	s6 =	smul.u32 $0x2710, s1  }
0x7: {  	_ =	strace $0x80000047;
	[smem:$0x7EE] =	sst s21;
	s21 =	sadd.s32 $0x62C00, s0  }
0x8: {  	s9 =	ssub.s32 $0x2, s1;
	s1 =	smul.u32 $0x4E200, s1;
	[dreg:$0x5] =	wrdreg s19  }
0x9: {  	s22 =	sshrl.u32 s9, $0x1;
	s23 =	sshrl.u32 s10, $0x2;
	s12 =	sadd.s32 $0x50, s2  }
0xa: {  	s24 =	sshrl.u32 s11, $0x2;
	s31 =	sadd.s32 $0xA0, s2;
	s20 =	sadd.s32 $0x140, s2  }
0xb: {  	[dreg:$0x6] =	wrdreg s21;
	s7 =	sadd.s32 s2, s6;
	s9 =	ssub.s32 s9, s22  }
0xc: {  	s29 =	sadd.s32 s23, s3;
	s25 =	sshll.u32 s12, $0x7;
	s10 =	sadd.s32 s24, s4  }
0xd: {  	s30 =	sshll.u32 s12, $0x4;
	s6 =	sadd.s32 $0xF0, s2;
	s13 =	sshll.u32 s31, $0x7  }
0xe: {  	s22 =	sshll.u32 s20, $0x7;
	s23 =	smul.u32 $0x50, s17;
	s24 =	sshll.u32 s20, $0x4  }
0xf: {  	s8 =	sshll.u32 s7, $0x4;
	s7 =	sshll.u32 s7, $0x1;
	s26 =	sadd.s32 s25, s3  }
0x10: {  	s12 =	sadd.s32 s30, s4;
	s15 =	sshll.u32 s6, $0x7;
	s13 =	sadd.s32 s13, s3  }
0x11: {  	s18 =	sshll.u32 s6, $0x4;
	s25 =	sadd.s32 $0x190, s2;
	[dreg:$0x7] =	wrdreg s29  }
0x12: {  	s8 =	sadd.s32 s8, s0;
	s7 =	sadd.s32 s7, s0;
	[dreg:$0x8] =	wrdreg s26  }
0x13: {  	s0 =	sshll.u32 s31, $0x4;
	[dreg:$0x9] =	wrdreg s13;
	s16 =	sadd.s32 s15, s3  }
0x14: {  	s26 =	sshll.u32 s25, $0x7;
	s30 =	sshll.u32 s25, $0x4;
	s31 =	sadd.s32 $0x1E0, s2  }
0x15: {  	s14 =	sadd.s32 s0, s4;
	[dreg:$0xa] =	wrdreg s16;
	s16 =	sadd.s32 s18, s4  }
0x16: {  	s0 =	sadd.s32 s22, s3;
	s18 =	sadd.s32 s24, s4;
	s20 =	sadd.s32 s30, s4  }
0x17: {  	s6 =	sshll.u32 s31, $0x7;
	s11 =	sshll.u32 s31, $0x4;
	[dreg:$0xb] =	wrdreg s0  }
0x18: {  	s0 =	sadd.s32 s23, s1;
	s1 =	sadd.s32 s26, s3;
	s22 =	sadd.s32 s11, s4  }
0x19: {  	s11 =	sadd.s32 $0x230, s2;
	[dreg:$0xc] =	wrdreg s1;
	s1 =	sadd.s32 s6, s3  }
0x1a: {  	s2 =	sshll.u32 s11, $0x7;
	s13 =	sshrl.u32 s0, $0x3;
	s6 =	sadd.s32 $0x4600, s0  }
0x1b: {  	[dreg:$0xd] =	wrdreg s1;
	s1 =	sshll.u32 s11, $0x4;
	s2 =	sadd.s32 s2, s3  }
0x1c: {  	s15 =	sadd.s32 s19, s13;
	s17 =	sadd.s32 s21, s13;
	[dreg:$0xe] =	wrdreg s2  }
0x1d: {  	s23 =	sadd.s32 $0xA0, s13;
	s25 =	sadd.s32 $0x140, s13;
	[dreg:$0xf] =	wrdreg s15  }
0x1e: {  	s3 =	sadd.s32 $0xF00, s0;
	[dreg:$0x10] =	wrdreg s17;
	s26 =	sadd.s32 s19, s23  }
0x1f: {  	s24 =	sadd.s32 s1, s4;
	s1 =	sadd.s32 s21, s23;
	[dreg:$0x11] =	wrdreg s26  }
0x20: {  	s13 =	sadd.s32 $0x4100, s0;
	s30 =	sadd.s32 s19, s25;
	[dreg:$0x12] =	wrdreg s1  }
0x21: {  	s31 =	sadd.s32 s21, s25;
	s2 =	sadd.s32 $0x80400, s8;
	[dreg:$0x13] =	wrdreg s30  }
0x22: {  	s4 =	sadd.s32 $0x76600, s7;
	s8 =	smax.u32 s9, $0x1;
	[dreg:$0x14] =	wrdreg s31  }
0x23: {  	s15 =	sadd.s32 $0x3700, s0;
	s23 =	sadd.s32 $0x3200, s0;
	[dreg:$0x15] =	wrdreg s2  }
0x24: {  	s7 =	simm.s32 $0xB;
	[dreg:$0x16] =	wrdreg s4;
	s1 =	sshrl.u32 s3, $0x3  }
0x25: {  	[dreg:$0x17] =	wrdreg s8;
	s25 =	sshrl.u32 s23, $0x3;
	s23 =	sadd.s32 $0x3C00, s0  }
0x26: {  	s2 =	sshrl.u32 s6, $0x3;
	s9 =	sadd.s32 s1, s21;
	[smem:$0x7F7] =	sst s23  }
0x27: {  	s31 =	sadd.s32 $0x2D00, s0;
	s1 =	sadd.s32 s1, s19;
	[dreg:$0x18] =	wrdreg s9  }
0x28: {  	s4 =	sadd.s32 $0x2800, s0;
	s11 =	sadd.s32 s2, s21;
	[dreg:$0x19] =	wrdreg s1  }
0x29: {  	s8 =	sadd.s32 $0x2300, s0;
	s2 =	sadd.s32 s2, s19;
	[dreg:$0x1a] =	wrdreg s11  }
0x2a: {  	s30 =	sadd.s32 s25, s21;
	s3 =	sshrl.u32 s31, $0x3;
	[dreg:$0x1b] =	wrdreg s2  }
0x2b: {  	s1 =	sshrl.u32 s13, $0x3;
	[smem:$0x7EF] =	sst s30;
	s6 =	sadd.s32 s3, s21  }
0x2c: {  	s2 =	sshrl.u32 s15, $0x3;
	s17 =	sadd.s32 s1, s21;
	[smem:$0x7F1] =	sst s6  }
0x2d: {  	s9 =	sshrl.u32 s8, $0x3;
	s1 =	sadd.s32 s1, s19;
	[dreg:$0x1c] =	wrdreg s17  }
0x2e: {  	s15 =	sadd.s32 $0x1E00, s0;
	s26 =	sadd.s32 s2, s21;
	[dreg:$0x1d] =	wrdreg s1  }
0x2f: {  	s2 =	sadd.s32 s2, s19;
	s13 =	sadd.s32 s9, s21;
	[dreg:$0x1e] =	wrdreg s26  }
0x30: {  	[dreg:$0x1f] =	wrdreg s2;
	s1 =	sadd.s32 s25, s19;
	s2 =	sshrl.u32 s4, $0x3  }
0x31: {  	[smem:$0x7F5] =	sst s13;
	s17 =	sshrl.u32 s15, $0x3;
	s25 =	sadd.s32 $0x1900, s0  }
0x32: {  	s0 =	sadd.s32 $0x1400, s0;
	[smem:$0x7F0] =	sst s1;
	s1 =	sadd.s32 s3, s19  }
0x33: {  	s4 =	simm.s32 $0x140;
	s11 =	sadd.s32 s2, s21;
	[smem:$0x7F2] =	sst s1  }
0x34: {  	s13 =	simm.s32 $0x50;
	s2 =	sadd.s32 s2, s19;
	[smem:$0x7F3] =	sst s11  }
0x35: {  	s26 =	sadd.s32 s17, s21;
	s30 =	sshrl.u32 s25, $0x3;
	[smem:$0x7F4] =	sst s2  }
0x36: {  	s0 =	sshrl.u32 s0, $0x3;
	s1 =	sadd.s32 s9, s19;
	[smem:$0x7F8] =	sst s26  }
0x37: {  	s3 =	simm.s32 $0x190;
	s2 =	sadd.s32 s30, s21;
	[smem:$0x7F6] =	sst s1  }
.Ltmp0:
0x38: {  	s31 =	sadd.s32 s0, s21;
	[smem:$0x7FA] =	sst s2;
	(pc) =	sbr.rel .LBB2_1-.Ltmp0, $4  }
0x39: {  	s25 =	simm.s32 $0x9;
	s0 =	sadd.s32 s0, s19;
	[smem:$0x7FC] =	sst s31  }
0x3a: {  	s21 =	simm.s32 $0x1;
	s1 =	sadd.s32 s17, s19;
	[smem:$0x7FD] =	sst s0  }
0x3b: {  	s2 =	simm.s32 $0x0;
	[smem:$0x7F9] =	sst s1;
	s1 =	sadd.s32 s30, s19  }
0x3c: {  	v0 =	vimm.f32 $0.0e+00;
	s19 =	simm.s32 $0x4;
	[smem:$0x7FB] =	sst s1;
	s1 =	simm.s32 $0xA0  }
.LBB2_22:
0x3d: {  	_ =	swait.ge [sflag:s28], $0x2800  }
0x3e: {  	[sflag:s28] =	ssyncset.done $0x0  }
0x3f: {  	[sflag:s28] =	ssyncadd.s32 $0xFFFFD800  }
0x40: {  	_ =	swait.ge [sflag:s28], $0x500  }
0x41: {  	[sflag:s28] =	ssyncset.done $0x0  }
0x42: {  	[sflag:s28] =	ssyncadd.s32 $0xFFFFFB00  }
0x43: {  	s0 =	stileid.u32;
	[bflag:$0x0] =	sbarrier.arrive $0xFFFF  }
0x44: {  	s25 =	simm.s32 $0xB;
	s0 =	sshll.u32 s0, $0x6;
	s29 =	rddreg [dreg:$0x7]  }
0x45: {  	s0 =	sor.u32 $0x1C0B, s0;
	s11 =	rddreg [dreg:$0x15];
	s7 =	sshrl.u32 s29, $0x3  }
0x46: {  	[hbm:s11], [sflag:s0] =	dma.local [spmem:s7], $0x2710  }
0x47: {  	_ =	swait.ge [sflag:s25], $0x2710  }
0x48: {  	s26 =	sshrl.u32 s10, $0x3;
	[sflag:s25] =	ssyncset.done $0x0  }
0x49: {  	s7 =	simm.s32 $0xB;
	s30 =	rddreg [dreg:$0x16];
	[sflag:s25] =	ssyncadd.s32 $0xFFFFD8F0  }
0x4a: {  	[hbm:s30], [sflag:s0] =	dma.local [spmem:s26], $0x4E2  }
0x4b: {  	_ =	swait.ge [sflag:s7], $0x4E2  }
0x4c: {  	s2 =	sld [smem:$0x7ED];
	_ =	sdelay $0x2  }
0x4d: {  	s31 =	rddreg [dreg:$0x17];
	s2 =	sadd.s32 $0x1, s2  }
0x4e: {  	p0 =	sne.s32 s2, s31  }
.Ltmp1:
0x4f: {  	_ = 	snop;
	(pc) =	sbr.rel @!p0 .LBB2_23-.Ltmp1, $4  }
0x50: {  	_ = 	snop  }
0x51: {  	s4 =	simm.s32 $0x140;
	s3 =	simm.s32 $0x190  }
0x52: {  	s1 =	simm.s32 $0xA0;
	s21 =	simm.s32 $0x1;
	[sflag:s7] =	ssyncset.done $0x0  }
0x53: {  	s5 =	simm.s32 $0x0;
	s25 =	simm.s32 $0x9;
	[sflag:s7] =	ssyncadd.s32 $0xFFFFFB1E  }
.LBB2_1:
0x54: {  	s26 =	simm.s32 $0x0;
	s31 =	simm.s32 $0x200  }
.LBB2_2:
0x55: {  	p0 =	sne.s32 s31, $0x9E00;
	[tilespmem:s26+$0x2F0] =	vst v0  }
0x56: {  	[tilespmem:s26+$0x280] =	vst v0  }
0x57: {  	[tilespmem:s26+$0x290] =	vst v0  }
.Ltmp2:
0x58: {  	[tilespmem:s26+$0x2A0] =	vst v0;
	(pc) =	sbr.rel @p0 .LBB2_2-.Ltmp2, $4  }
0x59: {  	[tilespmem:s26+$0x2B0] =	vst v0  }
0x5a: {  	[tilespmem:s26+$0x2C0] =	vst v0  }
0x5b: {  	[tilespmem:s26+$0x2D0] =	vst v0  }
0x5c: {  	[tilespmem:s26+$0x2E0] =	vst v0;
	s26 =	sshra.s32 s31, $0x2;
	s31 =	sadd.s32 $0x200, s31  }
0x5d: {  	[tilespmem:s26+$0x2F0] =	vst v0  }
0x5e: {  	[tilespmem:s26+$0x280] =	vst v0  }
0x5f: {  	[tilespmem:s26+$0x290] =	vst v0  }
0x60: {  	[tilespmem:s26+$0x2A0] =	vst v0  }
0x61: {  	[tilespmem:s26+$0x2B0] =	vst v0  }
0x62: {  	[tilespmem:s26+$0x2C0] =	vst v0  }
0x63: {  	[tilespmem:s26+$0x2D0] =	vst v0  }
0x64: {  	[tilespmem:s26+$0x2E0] =	vst v0;
	s26 =	simm.s32 $0x280  }
0x65: {  	[spmem:s29] =	stream.linear.scatter [tilespmem:s26], [sflag:$0xB], $0x2800, $0x38;
	[tilespmem:$0x1DF10] =	vst v63  }
0x66: {  	_ =	swait.ge [sflag:s7], $0x2800  }
0x67: {  	[sflag:s7] =	ssyncset.done $0x0  }
0x68: {  	s31 =	sadd.s32 $0x0, s10;
	[sflag:s7] =	ssyncadd.s32 $0xFFFFD800  }
0x69: {  	[spmem:s31] =	stream.linear.scatter [tilespmem:s26], [sflag:$0xB], $0x10, $0x38;
	[tilespmem:$0x1DF10] =	vst v63  }
0x6a: {  	s31 =	simm.s32 $0x40  }
.LBB2_4:
0x6b: {  	p0 =	sne.s32 s31, $0x13C0  }
.Ltmp3:
0x6c: {  	_ = 	snop;
	(pc) =	sbr.rel @p0 .LBB2_4-.Ltmp3, $4  }
0x6d: {  	_ = 	snop  }
0x6e: {  	s29 =	sshra.s32 s31, $0x2;
	s31 =	sadd.s32 $0x40, s31  }
0x6f: {  	s26 =	sadd.s32 $0x80, s26;
	s29 =	sadd.s32 s29, s10  }
0x70: {  	[spmem:s29] =	stream.linear.scatter [tilespmem:s26], [sflag:$0xB], $0x10, $0x38;
	[tilespmem:$0x1DF10] =	vst v63  }
0x71: {  	_ =	swait.ge [sflag:s7], $0x500  }
0x72: {  	[sflag:s7] =	ssyncset.done $0x0  }
0x73: {  	s26 =	simm.s32 $0x280;
	s0 =	rddreg [dreg:$0x8];
	[sflag:s7] =	ssyncadd.s32 $0xFFFFFB00  }
0x74: {  	[spmem:s0] =	stream.linear.scatter [tilespmem:s26], [sflag:$0xB], $0x2800, $0x38;
	[tilespmem:$0x1DF10] =	vst v63  }
0x75: {  	_ =	swait.ge [sflag:s7], $0x2800  }
0x76: {  	[sflag:s7] =	ssyncset.done $0x0  }
0x77: {  	s29 =	sadd.s32 $0x0, s12;
	s31 =	simm.s32 $0x40;
	[sflag:s7] =	ssyncadd.s32 $0xFFFFD800  }
0x78: {  	[spmem:s29] =	stream.linear.scatter [tilespmem:s26], [sflag:$0xB], $0x10, $0x38;
	[tilespmem:$0x1DF10] =	vst v63  }
.LBB2_6:
0x79: {  	p0 =	sne.s32 s31, $0x13C0  }
.Ltmp4:
0x7a: {  	_ = 	snop;
	(pc) =	sbr.rel @p0 .LBB2_6-.Ltmp4, $4  }
0x7b: {  	_ = 	snop  }
0x7c: {  	s29 =	sshra.s32 s31, $0x2;
	s31 =	sadd.s32 $0x40, s31  }
0x7d: {  	s26 =	sadd.s32 $0x80, s26;
	s29 =	sadd.s32 s29, s12  }
0x7e: {  	[spmem:s29] =	stream.linear.scatter [tilespmem:s26], [sflag:$0xB], $0x10, $0x38;
	[tilespmem:$0x1DF10] =	vst v63  }
0x7f: {  	_ =	swait.ge [sflag:s7], $0x500  }
0x80: {  	[sflag:s7] =	ssyncset.done $0x0  }
0x81: {  	s26 =	simm.s32 $0x280;
	s0 =	rddreg [dreg:$0x9];
	[sflag:s7] =	ssyncadd.s32 $0xFFFFFB00  }
0x82: {  	[spmem:s0] =	stream.linear.scatter [tilespmem:s26], [sflag:$0xB], $0x2800, $0x38;
	[tilespmem:$0x1DF10] =	vst v63  }
0x83: {  	_ =	swait.ge [sflag:s7], $0x2800  }
0x84: {  	[sflag:s7] =	ssyncset.done $0x0  }
0x85: {  	s29 =	sadd.s32 $0x0, s14;
	s31 =	simm.s32 $0x40;
	[sflag:s7] =	ssyncadd.s32 $0xFFFFD800  }
0x86: {  	[spmem:s29] =	stream.linear.scatter [tilespmem:s26], [sflag:$0xB], $0x10, $0x38;
	[tilespmem:$0x1DF10] =	vst v63  }
.LBB2_8:
0x87: {  	p0 =	sne.s32 s31, $0x13C0  }
.Ltmp5:
0x88: {  	_ = 	snop;
	(pc) =	sbr.rel @p0 .LBB2_8-.Ltmp5, $4  }
0x89: {  	_ = 	snop  }
0x8a: {  	s29 =	sshra.s32 s31, $0x2;
	s31 =	sadd.s32 $0x40, s31  }
0x8b: {  	s26 =	sadd.s32 $0x80, s26;
	s29 =	sadd.s32 s29, s14  }
0x8c: {  	[spmem:s29] =	stream.linear.scatter [tilespmem:s26], [sflag:$0xB], $0x10, $0x38;
	[tilespmem:$0x1DF10] =	vst v63  }
0x8d: {  	_ =	swait.ge [sflag:s7], $0x500  }
0x8e: {  	[sflag:s7] =	ssyncset.done $0x0  }
0x8f: {  	s26 =	simm.s32 $0x280;
	s0 =	rddreg [dreg:$0xa];
	[sflag:s7] =	ssyncadd.s32 $0xFFFFFB00  }
0x90: {  	[spmem:s0] =	stream.linear.scatter [tilespmem:s26], [sflag:$0xB], $0x2800, $0x38;
	[tilespmem:$0x1DF10] =	vst v63  }
0x91: {  	_ =	swait.ge [sflag:s7], $0x2800  }
0x92: {  	[sflag:s7] =	ssyncset.done $0x0  }
0x93: {  	s29 =	sadd.s32 $0x0, s16;
	s31 =	simm.s32 $0x40;
	[sflag:s7] =	ssyncadd.s32 $0xFFFFD800  }
0x94: {  	[spmem:s29] =	stream.linear.scatter [tilespmem:s26], [sflag:$0xB], $0x10, $0x38;
	[tilespmem:$0x1DF10] =	vst v63  }
.LBB2_10:
0x95: {  	p0 =	sne.s32 s31, $0x13C0  }
.Ltmp6:
0x96: {  	_ = 	snop;
	(pc) =	sbr.rel @p0 .LBB2_10-.Ltmp6, $4  }
0x97: {  	_ = 	snop  }
0x98: {  	s29 =	sshra.s32 s31, $0x2;
	s31 =	sadd.s32 $0x40, s31  }
0x99: {  	s26 =	sadd.s32 $0x80, s26;
	s29 =	sadd.s32 s29, s16  }
0x9a: {  	[spmem:s29] =	stream.linear.scatter [tilespmem:s26], [sflag:$0xB], $0x10, $0x38;
	[tilespmem:$0x1DF10] =	vst v63  }
0x9b: {  	_ =	swait.ge [sflag:s7], $0x500  }
0x9c: {  	[sflag:s7] =	ssyncset.done $0x0  }
0x9d: {  	s26 =	simm.s32 $0x280;
	s0 =	rddreg [dreg:$0xb];
	[sflag:s7] =	ssyncadd.s32 $0xFFFFFB00  }
0x9e: {  	[spmem:s0] =	stream.linear.scatter [tilespmem:s26], [sflag:$0xB], $0x2800, $0x38;
	[tilespmem:$0x1DF10] =	vst v63  }
0x9f: {  	_ =	swait.ge [sflag:s7], $0x2800  }
0xa0: {  	[sflag:s7] =	ssyncset.done $0x0  }
0xa1: {  	s29 =	sadd.s32 $0x0, s18;
	s31 =	simm.s32 $0x40;
	[sflag:s7] =	ssyncadd.s32 $0xFFFFD800  }
0xa2: {  	[spmem:s29] =	stream.linear.scatter [tilespmem:s26], [sflag:$0xB], $0x10, $0x38;
	[tilespmem:$0x1DF10] =	vst v63  }
.LBB2_12:
0xa3: {  	p0 =	sne.s32 s31, $0x13C0  }
.Ltmp7:
0xa4: {  	_ = 	snop;
	(pc) =	sbr.rel @p0 .LBB2_12-.Ltmp7, $4  }
0xa5: {  	_ = 	snop  }
0xa6: {  	s29 =	sshra.s32 s31, $0x2;
	s31 =	sadd.s32 $0x40, s31  }
0xa7: {  	s26 =	sadd.s32 $0x80, s26;
	s29 =	sadd.s32 s29, s18  }
0xa8: {  	[spmem:s29] =	stream.linear.scatter [tilespmem:s26], [sflag:$0xB], $0x10, $0x38;
	[tilespmem:$0x1DF10] =	vst v63  }
0xa9: {  	_ =	swait.ge [sflag:s7], $0x500  }
0xaa: {  	[sflag:s7] =	ssyncset.done $0x0  }
0xab: {  	s26 =	simm.s32 $0x280;
	s0 =	rddreg [dreg:$0xc];
	[sflag:s7] =	ssyncadd.s32 $0xFFFFFB00  }
0xac: {  	[spmem:s0] =	stream.linear.scatter [tilespmem:s26], [sflag:$0xB], $0x2800, $0x38;
	[tilespmem:$0x1DF10] =	vst v63  }
0xad: {  	_ =	swait.ge [sflag:s7], $0x2800  }
0xae: {  	[sflag:s7] =	ssyncset.done $0x0  }
0xaf: {  	s29 =	sadd.s32 $0x0, s20;
	s31 =	simm.s32 $0x40;
	[sflag:s7] =	ssyncadd.s32 $0xFFFFD800  }
0xb0: {  	[spmem:s29] =	stream.linear.scatter [tilespmem:s26], [sflag:$0xB], $0x10, $0x38;
	[tilespmem:$0x1DF10] =	vst v63  }
.LBB2_14:
0xb1: {  	p0 =	sne.s32 s31, $0x13C0  }
.Ltmp8:
0xb2: {  	_ = 	snop;
	(pc) =	sbr.rel @p0 .LBB2_14-.Ltmp8, $4  }
0xb3: {  	_ = 	snop  }
0xb4: {  	s29 =	sshra.s32 s31, $0x2;
	s31 =	sadd.s32 $0x40, s31  }
0xb5: {  	s26 =	sadd.s32 $0x80, s26;
	s29 =	sadd.s32 s29, s20  }
0xb6: {  	[spmem:s29] =	stream.linear.scatter [tilespmem:s26], [sflag:$0xB], $0x10, $0x38;
	[tilespmem:$0x1DF10] =	vst v63  }
0xb7: {  	_ =	swait.ge [sflag:s7], $0x500  }
0xb8: {  	[sflag:s7] =	ssyncset.done $0x0  }
0xb9: {  	s26 =	simm.s32 $0x280;
	s0 =	rddreg [dreg:$0xd];
	[sflag:s7] =	ssyncadd.s32 $0xFFFFFB00  }
0xba: {  	[spmem:s0] =	stream.linear.scatter [tilespmem:s26], [sflag:$0xB], $0x2800, $0x38;
	[tilespmem:$0x1DF10] =	vst v63  }
0xbb: {  	_ =	swait.ge [sflag:s7], $0x2800  }
0xbc: {  	[sflag:s7] =	ssyncset.done $0x0  }
0xbd: {  	s29 =	sadd.s32 $0x0, s22;
	s31 =	simm.s32 $0x40;
	[sflag:s7] =	ssyncadd.s32 $0xFFFFD800  }
0xbe: {  	[spmem:s29] =	stream.linear.scatter [tilespmem:s26], [sflag:$0xB], $0x10, $0x38;
	[tilespmem:$0x1DF10] =	vst v63  }
.LBB2_16:
0xbf: {  	p0 =	sne.s32 s31, $0x13C0  }
.Ltmp9:
0xc0: {  	_ = 	snop;
	(pc) =	sbr.rel @p0 .LBB2_16-.Ltmp9, $4  }
0xc1: {  	_ = 	snop  }
0xc2: {  	s29 =	sshra.s32 s31, $0x2;
	s31 =	sadd.s32 $0x40, s31  }
0xc3: {  	s26 =	sadd.s32 $0x80, s26;
	s29 =	sadd.s32 s29, s22  }
0xc4: {  	[spmem:s29] =	stream.linear.scatter [tilespmem:s26], [sflag:$0xB], $0x10, $0x38;
	[tilespmem:$0x1DF10] =	vst v63  }
0xc5: {  	[smem:$0x7ED] =	sst s2  }
0xc6: {  	_ =	swait.ge [sflag:s7], $0x500  }
0xc7: {  	[sflag:s7] =	ssyncset.done $0x0  }
0xc8: {  	s26 =	simm.s32 $0x280;
	s0 =	rddreg [dreg:$0xe];
	[sflag:s7] =	ssyncadd.s32 $0xFFFFFB00  }
0xc9: {  	[spmem:s0] =	stream.linear.scatter [tilespmem:s26], [sflag:$0xB], $0x2080, $0x38;
	[tilespmem:$0x1DF10] =	vst v63  }
0xca: {  	_ =	swait.ge [sflag:s7], $0x2080  }
0xcb: {  	[sflag:s7] =	ssyncset.done $0x0  }
0xcc: {  	s29 =	sadd.s32 $0x0, s24;
	s31 =	simm.s32 $0x40;
	[sflag:s7] =	ssyncadd.s32 $0xFFFFDF80  }
0xcd: {  	[spmem:s29] =	stream.linear.scatter [tilespmem:s26], [sflag:$0xB], $0x10, $0x38;
	[tilespmem:$0x1DF10] =	vst v63  }
.LBB2_18:
0xce: {  	p0 =	sne.s32 s31, $0x1000  }
.Ltmp10:
0xcf: {  	_ = 	snop;
	(pc) =	sbr.rel @p0 .LBB2_18-.Ltmp10, $4  }
0xd0: {  	_ = 	snop  }
0xd1: {  	s29 =	sshra.s32 s31, $0x2;
	s31 =	sadd.s32 $0x40, s31  }
0xd2: {  	s26 =	sadd.s32 $0x80, s26;
	s29 =	sadd.s32 s29, s24  }
0xd3: {  	[spmem:s29] =	stream.linear.scatter [tilespmem:s26], [sflag:$0xB], $0x10, $0x38;
	[tilespmem:$0x1DF10] =	vst v63  }
0xd4: {  	_ =	swait.ge [sflag:s7], $0x410  }
0xd5: {  	[sflag:s7] =	ssyncset.done $0x0  }
0xd6: {  	[sflag:s7] =	ssyncadd.s32 $0xFFFFFBF0  }
0xd7: {  	s31 =	simm.s32 $0x0;
	s2 =	simm.s32 $0x7A80;
	s0 =	rddreg [dreg:$0x1]  }
0xd8: {  	[tilespmem:s2], [sflag:$0xB] =	stream.linear.gather [hbm4b:s0+s31], $0x500, $0x38;
	[tilespmem:$0x1DF10] =	vst v63  }
0xd9: {  	_ =	swait.ge [sflag:s7], $0x500  }
0xda: {  	[sflag:s7] =	ssyncset.done $0x0  }
0xdb: {  	[sflag:s7] =	ssyncadd.s32 $0xFFFFFB00  }
0xdc: {  	[bflag:$0x0] =	sbarrier.arrive $0xFFFF  }
0xdd: {  	s8 =	rddreg [dreg:$0xf]  }
0xde: {  	[tilespmem:s31], [sflag:$0x1] =	stream.linear.gather [hbm4b:s8+s31], $0x50, $0x38;
	[tilespmem:$0x1DF10] =	vst v63  }
0xdf: {  	s9 =	rddreg [dreg:$0x10]  }
0xe0: {  	[tilespmem:s4], [sflag:$0x1] =	stream.linear.gather [hbm4b:s9+s31], $0x50, $0x38;
	[tilespmem:$0x1DF10] =	vst v63  }
0xe1: {  	s11 =	rddreg [dreg:$0x11]  }
0xe2: {  	[tilespmem:s13], [sflag:$0x2] =	stream.linear.gather [hbm4b:s11+s31], $0x50, $0x38;
	[tilespmem:$0x1DF10] =	vst v63  }
0xe3: {  	s15 =	rddreg [dreg:$0x12]  }
0xe4: {  	[tilespmem:s3], [sflag:$0x2] =	stream.linear.gather [hbm4b:s15+s31], $0x50, $0x38;
	[tilespmem:$0x1DF10] =	vst v63  }
0xe5: {  	s17 =	rddreg [dreg:$0x13]  }
0xe6: {  	[tilespmem:s1], [sflag:$0x3] =	stream.linear.gather [hbm4b:s17+s31], $0x50, $0x38;
	[tilespmem:$0x1DF10] =	vst v63  }
0xe7: {  	s23 =	rddreg [dreg:$0x14];
	s4 =	simm.s32 $0x1E0  }
0xe8: {  	[tilespmem:s4], [sflag:$0x3] =	stream.linear.gather [hbm4b:s23+s31], $0x50, $0x38;
	[tilespmem:$0x1DF10] =	vst v63  }
0xe9: {  	_ =	swait.ge [sflag:s21], $0x50  }
0xea: {  	[sflag:s21] =	ssyncset.done $0x0  }
0xeb: {  	[sflag:s21] =	ssyncadd.s32 $0xFFFFFFB0  }
0xec: {  	_ =	swait.ge [sflag:s21], $0x50  }
0xed: {  	s9 =	sld [smem:$0x7EE]  }
0xee: {  	[sflag:s21] =	ssyncset.done $0x0  }
0xef: {  	s26 =	simm.s32 $0x2;
	s8 =	simm.s32 $0x280;
	[sflag:s21] =	ssyncadd.s32 $0xFFFFFFB0  }
0xf0: {  	[tilespmem:s8], [sflag:$0x5] =	stream.indirect.gather [hbm4b:s9+s13], $0x80, s31, s13, $0xb8;
	[tilespmem:$0x1DF10] =	vst v63  }
0xf1: {  	_ =	swait.ge [sflag:s26], $0x50  }
0xf2: {  	[sflag:s26] =	ssyncset.done $0x0  }
0xf3: {  	[sflag:s26] =	ssyncadd.s32 $0xFFFFFFB0  }
0xf4: {  	_ =	swait.ge [sflag:s26], $0x50  }
0xf5: {  	[sflag:s26] =	ssyncset.done $0x0  }
0xf6: {  	s7 =	simm.s32 $0x2A80;
	s30 =	sld [smem:$0x7F7];
	[sflag:s26] =	ssyncadd.s32 $0xFFFFFFB0  }
0xf7: {  	[tilespmem:s7], [sflag:$0x6] =	stream.indirect.gather [hbm4b:s9+s13], $0x80, s13, s13, $0xb8;
	[tilespmem:$0x1DF10] =	vst v63  }
0xf8: {  	s29 =	rddreg [dreg:$0x2]  }
0xf9: {  	s26 =	rddreg [dreg:$0x3]  }
0xfa: {  	[smem:$0x7EC] =	sst s30  }
.LBB2_20:
0xfb: {  	s0 =	simm.s32 $0x5  }
0xfc: {  	_ =	swait.ge [sflag:s0], $0x2800  }
0xfd: {  	[sflag:s0] =	ssyncset.done $0x0  }
0xfe: {  	s3 =	simm.s32 $0x140;
	p0 =	seq.s32 s31, $0x0;
	[sflag:s0] =	ssyncadd.s32 $0xFFFFD800  }
0xff: {  	[spmem:s29] =	stream.indirect.scatter.add.f32 [tilespmem:s8], [sflag:$0x8], $0x80, s3, s13, $0xb8;
	[tilespmem:$0x1DF10] =	vst v63  }
0x100: {  	s29 =	simm.s32 @!p0 $0xA  }
0x101: {  	[spmem:s26] =	stream.indirect.scatter.add.f32 [tilespmem:s2], [sflag:$0x8], $0x10, s3, s13, $0xb8;
	[tilespmem:$0x1DF10] =	vst v63  }
0x102: {  	_ =	swait.ge @!p0 [sflag:s29], $0x2800  }
0x103: {  	[sflag:s29] =	ssyncset.done @!p0 $0x0  }
0x104: {  	[sflag:s29] =	ssyncadd.s32 @!p0 $0xFFFFD800  }
0x105: {  	_ =	swait.ge @!p0 [sflag:s29], $0x500  }
0x106: {  	s23 =	simm.s32 $0xF0;
	[sflag:s29] =	ssyncset.done @!p0 $0x0;
	s17 =	rddreg [dreg:$0x19]  }
0x107: {  	s1 =	rddreg [dreg:$0x18];
	[sflag:s29] =	ssyncadd.s32 @!p0 $0xFFFFFB00;
	s29 =	sadd.s32 s31, s17  }
0x108: {  	[tilespmem:s23], [sflag:$0x4] =	stream.linear.gather [hbm4b:s29+s5], $0x50, $0x38;
	[tilespmem:$0x1DF10] =	vst v63  }
0x109: {  	s29 =	sadd.s32 s31, s1;
	s23 =	simm.s32 $0x230;
	s1 =	simm.s32 $0x3  }
0x10a: {  	[tilespmem:s23], [sflag:$0x4] =	stream.linear.gather [hbm4b:s29+s5], $0x50, $0x38;
	[tilespmem:$0x1DF10] =	vst v63  }
0x10b: {  	_ =	swait.ge [sflag:s1], $0x50  }
0x10c: {  	[sflag:s1] =	ssyncset.done $0x0  }
0x10d: {  	[sflag:s1] =	ssyncadd.s32 $0xFFFFFFB0  }
0x10e: {  	_ =	swait.ge [sflag:s1], $0x50  }
0x10f: {  	s11 =	simm.s32 $0xA0;
	[sflag:s1] =	ssyncset.done $0x0  }
0x110: {  	s30 =	simm.s32 $0x6;
	s17 =	simm.s32 $0x5280;
	[sflag:s1] =	ssyncadd.s32 $0xFFFFFFB0  }
0x111: {  	[tilespmem:s17], [sflag:$0x7] =	stream.indirect.gather [hbm4b:s9+s13], $0x80, s11, s13, $0xb8;
	[tilespmem:$0x1DF10] =	vst v63  }
0x112: {  	_ =	swait.ge [sflag:s30], $0x2800  }
0x113: {  	[sflag:s30] =	ssyncset.done $0x0  }
0x114: {  	[sflag:s30] =	ssyncadd.s32 $0xFFFFD800  }
0x115: {  	s11 =	simm.s32 $0x190;
	s0 =	rddreg [dreg:$0x2]  }
0x116: {  	[spmem:s0] =	stream.indirect.scatter.add.f32 [tilespmem:s7], [sflag:$0x9], $0x80, s11, s13, $0xb8;
	[tilespmem:$0x1DF10] =	vst v63  }
0x117: {  	_ = 	snop  }
0x118: {  	[spmem:s26] =	stream.indirect.scatter.add.f32 [tilespmem:s2], [sflag:$0x9], $0x10, s11, s13, $0xb8;
	[tilespmem:$0x1DF10] =	vst v63  }
0x119: {  	_ =	swait.ge [sflag:s28], $0x2800  }
0x11a: {  	[sflag:s28] =	ssyncset.done $0x0  }
0x11b: {  	[sflag:s28] =	ssyncadd.s32 $0xFFFFD800  }
0x11c: {  	_ =	swait.ge [sflag:s28], $0x500  }
0x11d: {  	s0 =	sld [smem:$0x7FD];
	_ =	sdelay $0x2  }
0x11e: {  	[sflag:s28] =	ssyncset.done $0x0;
	s29 =	sadd.s32 s31, s0;
	s0 =	sld [smem:$0x7FC]  }
0x11f: {  	[sflag:s28] =	ssyncadd.s32 $0xFFFFFB00  }
0x120: {  	[tilespmem:s5], [sflag:$0x1] =	stream.linear.gather [hbm4b:s29+s5], $0x50, $0x38;
	[tilespmem:$0x1DF10] =	vst v63  }
0x121: {  	s29 =	sadd.s32 s31, s0  }
0x122: {  	[tilespmem:s3], [sflag:$0x1] =	stream.linear.gather [hbm4b:s29+s5], $0x50, $0x38;
	[tilespmem:$0x1DF10] =	vst v63  }
0x123: {  	_ =	swait.ge [sflag:s19], $0x50  }
0x124: {  	[sflag:s19] =	ssyncset.done $0x0  }
0x125: {  	[sflag:s19] =	ssyncadd.s32 $0xFFFFFFB0  }
0x126: {  	_ =	swait.ge [sflag:s19], $0x50  }
0x127: {  	[sflag:s19] =	ssyncset.done $0x0  }
0x128: {  	s6 =	simm.s32 $0xF0;
	[sflag:s19] =	ssyncadd.s32 $0xFFFFFFB0  }
0x129: {  	[tilespmem:s8], [sflag:$0x5] =	stream.indirect.gather [hbm4b:s9+s13], $0x80, s6, s13, $0xb8;
	[tilespmem:$0x1DF10] =	vst v63  }
0x12a: {  	s6 =	simm.s32 $0x7  }
0x12b: {  	_ =	swait.ge [sflag:s6], $0x2800  }
0x12c: {  	[sflag:s6] =	ssyncset.done $0x0  }
0x12d: {  	[sflag:s6] =	ssyncadd.s32 $0xFFFFD800  }
0x12e: {  	s0 =	rddreg [dreg:$0x2]  }
0x12f: {  	[spmem:s0] =	stream.indirect.scatter.add.f32 [tilespmem:s17], [sflag:$0xA], $0x80, s4, s13, $0xb8;
	[tilespmem:$0x1DF10] =	vst v63  }
0x130: {  	_ = 	snop  }
0x131: {  	[spmem:s26] =	stream.indirect.scatter.add.f32 [tilespmem:s2], [sflag:$0xA], $0x10, s4, s13, $0xb8;
	[tilespmem:$0x1DF10] =	vst v63  }
0x132: {  	_ =	swait.ge [sflag:s25], $0x2800  }
0x133: {  	[sflag:s25] =	ssyncset.done $0x0  }
0x134: {  	[sflag:s25] =	ssyncadd.s32 $0xFFFFD800  }
0x135: {  	_ =	swait.ge [sflag:s25], $0x500  }
0x136: {  	[sflag:s25] =	ssyncset.done $0x0  }
0x137: {  	[sflag:s25] =	ssyncadd.s32 $0xFFFFFB00;
	s25 =	sld [smem:$0x7FB];
	_ =	sdelay $0x2  }
0x138: {  	s29 =	sadd.s32 s31, s25;
	s25 =	sld [smem:$0x7FA];
	_ =	sdelay $0x1  }
0x139: {  	[tilespmem:s13], [sflag:$0x2] =	stream.linear.gather [hbm4b:s29+s5], $0x50, $0x38;
	[tilespmem:$0x1DF10] =	vst v63  }
0x13a: {  	s29 =	sadd.s32 s31, s25  }
0x13b: {  	[tilespmem:s11], [sflag:$0x2] =	stream.linear.gather [hbm4b:s29+s5], $0x50, $0x38;
	[tilespmem:$0x1DF10] =	vst v63  }
0x13c: {  	_ =	swait.ge [sflag:s21], $0x50  }
0x13d: {  	[sflag:s21] =	ssyncset.done $0x0  }
0x13e: {  	[sflag:s21] =	ssyncadd.s32 $0xFFFFFFB0  }
0x13f: {  	_ =	swait.ge [sflag:s21], $0x50  }
0x140: {  	[sflag:s21] =	ssyncset.done $0x0  }
0x141: {  	s15 =	simm.s32 $0x5;
	[sflag:s21] =	ssyncadd.s32 $0xFFFFFFB0  }
0x142: {  	[tilespmem:s7], [sflag:$0x6] =	stream.indirect.gather [hbm4b:s9+s13], $0x80, s5, s13, $0xb8;
	[tilespmem:$0x1DF10] =	vst v63  }
0x143: {  	_ =	swait.ge [sflag:s15], $0x2800  }
0x144: {  	[sflag:s15] =	ssyncset.done $0x0  }
0x145: {  	[sflag:s15] =	ssyncadd.s32 $0xFFFFD800  }
0x146: {  	s25 =	rddreg [dreg:$0x2]  }
0x147: {  	[spmem:s25] =	stream.indirect.scatter.add.f32 [tilespmem:s8], [sflag:$0x8], $0x80, s23, s13, $0xb8;
	[tilespmem:$0x1DF10] =	vst v63  }
0x148: {  	s25 =	simm.s32 $0xA  }
0x149: {  	[spmem:s26] =	stream.indirect.scatter.add.f32 [tilespmem:s2], [sflag:$0x8], $0x10, s23, s13, $0xb8;
	[tilespmem:$0x1DF10] =	vst v63  }
0x14a: {  	_ =	swait.ge [sflag:s25], $0x2800  }
0x14b: {  	[sflag:s25] =	ssyncset.done $0x0  }
0x14c: {  	[sflag:s25] =	ssyncadd.s32 $0xFFFFD800  }
0x14d: {  	_ =	swait.ge [sflag:s25], $0x500  }
0x14e: {  	s0 =	sld [smem:$0x7F9];
	_ =	sdelay $0x1  }
0x14f: {  	[sflag:s25] =	ssyncset.done $0x0  }
0x150: {  	[sflag:s25] =	ssyncadd.s32 $0xFFFFFB00;
	s29 =	sadd.s32 s31, s0;
	s0 =	simm.s32 $0xA0  }
0x151: {  	[tilespmem:s0], [sflag:$0x3] =	stream.linear.gather [hbm4b:s29+s5], $0x50, $0x38;
	[tilespmem:$0x1DF10] =	vst v63  }
0x152: {  	s0 =	sld [smem:$0x7F8];
	_ =	sdelay $0x2  }
0x153: {  	s29 =	sadd.s32 s31, s0;
	s0 =	simm.s32 $0x2  }
0x154: {  	[tilespmem:s4], [sflag:$0x3] =	stream.linear.gather [hbm4b:s29+s5], $0x50, $0x38;
	[tilespmem:$0x1DF10] =	vst v63  }
0x155: {  	_ =	swait.ge [sflag:s0], $0x50  }
0x156: {  	[sflag:s0] =	ssyncset.done $0x0  }
0x157: {  	[sflag:s0] =	ssyncadd.s32 $0xFFFFFFB0  }
0x158: {  	_ =	swait.ge [sflag:s0], $0x50  }
0x159: {  	[sflag:s0] =	ssyncset.done $0x0  }
0x15a: {  	[sflag:s0] =	ssyncadd.s32 $0xFFFFFFB0  }
0x15b: {  	[tilespmem:s17], [sflag:$0x7] =	stream.indirect.gather [hbm4b:s9+s13], $0x80, s13, s13, $0xb8;
	[tilespmem:$0x1DF10] =	vst v63  }
0x15c: {  	_ =	swait.ge [sflag:s30], $0x2800  }
0x15d: {  	[sflag:s30] =	ssyncset.done $0x0  }
0x15e: {  	[sflag:s30] =	ssyncadd.s32 $0xFFFFD800  }
0x15f: {  	s0 =	rddreg [dreg:$0x2]  }
0x160: {  	[spmem:s0] =	stream.indirect.scatter.add.f32 [tilespmem:s7], [sflag:$0x9], $0x80, s3, s13, $0xb8;
	[tilespmem:$0x1DF10] =	vst v63  }
0x161: {  	_ = 	snop  }
0x162: {  	[spmem:s26] =	stream.indirect.scatter.add.f32 [tilespmem:s2], [sflag:$0x9], $0x10, s3, s13, $0xb8;
	[tilespmem:$0x1DF10] =	vst v63  }
0x163: {  	_ =	swait.ge [sflag:s28], $0x2800  }
0x164: {  	[sflag:s28] =	ssyncset.done $0x0  }
0x165: {  	[sflag:s28] =	ssyncadd.s32 $0xFFFFD800  }
0x166: {  	_ =	swait.ge [sflag:s28], $0x500  }
0x167: {  	s0 =	sld [smem:$0x7F6];
	_ =	sdelay $0x1  }
0x168: {  	[sflag:s28] =	ssyncset.done $0x0  }
0x169: {  	[sflag:s28] =	ssyncadd.s32 $0xFFFFFB00;
	s29 =	sadd.s32 s31, s0;
	s0 =	simm.s32 $0xF0  }
0x16a: {  	[tilespmem:s0], [sflag:$0x4] =	stream.linear.gather [hbm4b:s29+s5], $0x50, $0x38;
	[tilespmem:$0x1DF10] =	vst v63  }
0x16b: {  	s0 =	sld [smem:$0x7F5];
	_ =	sdelay $0x2  }
0x16c: {  	s29 =	sadd.s32 s31, s0  }
0x16d: {  	[tilespmem:s23], [sflag:$0x4] =	stream.linear.gather [hbm4b:s29+s5], $0x50, $0x38;
	[tilespmem:$0x1DF10] =	vst v63  }
0x16e: {  	_ =	swait.ge [sflag:s1], $0x50  }
0x16f: {  	[sflag:s1] =	ssyncset.done $0x0  }
0x170: {  	[sflag:s1] =	ssyncadd.s32 $0xFFFFFFB0  }
0x171: {  	_ =	swait.ge [sflag:s1], $0x50  }
0x172: {  	[sflag:s1] =	ssyncset.done $0x0  }
0x173: {  	[sflag:s1] =	ssyncadd.s32 $0xFFFFFFB0;
	s1 =	simm.s32 $0xA0  }
0x174: {  	[tilespmem:s8], [sflag:$0x5] =	stream.indirect.gather [hbm4b:s9+s13], $0x80, s1, s13, $0xb8;
	[tilespmem:$0x1DF10] =	vst v63  }
0x175: {  	_ =	swait.ge [sflag:s6], $0x2800  }
0x176: {  	[sflag:s6] =	ssyncset.done $0x0  }
0x177: {  	[sflag:s6] =	ssyncadd.s32 $0xFFFFD800  }
0x178: {  	s1 =	rddreg [dreg:$0x2]  }
0x179: {  	[spmem:s1] =	stream.indirect.scatter.add.f32 [tilespmem:s17], [sflag:$0xA], $0x80, s11, s13, $0xb8;
	[tilespmem:$0x1DF10] =	vst v63  }
0x17a: {  	s15 =	simm.s32 $0x9  }
0x17b: {  	[spmem:s26] =	stream.indirect.scatter.add.f32 [tilespmem:s2], [sflag:$0xA], $0x10, s11, s13, $0xb8;
	[tilespmem:$0x1DF10] =	vst v63  }
0x17c: {  	_ =	swait.ge [sflag:s15], $0x2800  }
0x17d: {  	[sflag:s15] =	ssyncset.done $0x0  }
0x17e: {  	[sflag:s15] =	ssyncadd.s32 $0xFFFFD800  }
0x17f: {  	_ =	swait.ge [sflag:s15], $0x500  }
0x180: {  	s1 =	sld [smem:$0x7F4];
	_ =	sdelay $0x2  }
0x181: {  	[sflag:s15] =	ssyncset.done $0x0;
	s29 =	sadd.s32 s31, s1;
	s1 =	sld [smem:$0x7F3]  }
0x182: {  	[sflag:s15] =	ssyncadd.s32 $0xFFFFFB00  }
0x183: {  	[tilespmem:s5], [sflag:$0x1] =	stream.linear.gather [hbm4b:s29+s5], $0x50, $0x38;
	[tilespmem:$0x1DF10] =	vst v63  }
0x184: {  	s29 =	sadd.s32 s31, s1  }
0x185: {  	[tilespmem:s3], [sflag:$0x1] =	stream.linear.gather [hbm4b:s29+s5], $0x50, $0x38;
	[tilespmem:$0x1DF10] =	vst v63  }
0x186: {  	_ =	swait.ge [sflag:s19], $0x50  }
0x187: {  	[sflag:s19] =	ssyncset.done $0x0  }
0x188: {  	[sflag:s19] =	ssyncadd.s32 $0xFFFFFFB0  }
0x189: {  	_ =	swait.ge [sflag:s19], $0x50  }
0x18a: {  	[sflag:s19] =	ssyncset.done $0x0  }
0x18b: {  	s1 =	simm.s32 $0x5;
	s3 =	simm.s32 $0xF0;
	[sflag:s19] =	ssyncadd.s32 $0xFFFFFFB0  }
0x18c: {  	[tilespmem:s7], [sflag:$0x6] =	stream.indirect.gather [hbm4b:s9+s13], $0x80, s3, s13, $0xb8;
	[tilespmem:$0x1DF10] =	vst v63  }
0x18d: {  	_ =	swait.ge [sflag:s1], $0x2800  }
0x18e: {  	[sflag:s1] =	ssyncset.done $0x0  }
0x18f: {  	[sflag:s1] =	ssyncadd.s32 $0xFFFFD800  }
0x190: {  	s0 =	rddreg [dreg:$0x2]  }
0x191: {  	[spmem:s0] =	stream.indirect.scatter.add.f32 [tilespmem:s8], [sflag:$0x8], $0x80, s4, s13, $0xb8;
	[tilespmem:$0x1DF10] =	vst v63  }
0x192: {  	_ = 	snop  }
0x193: {  	[spmem:s26] =	stream.indirect.scatter.add.f32 [tilespmem:s2], [sflag:$0x8], $0x10, s4, s13, $0xb8;
	[tilespmem:$0x1DF10] =	vst v63  }
0x194: {  	_ =	swait.ge [sflag:s25], $0x2800  }
0x195: {  	[sflag:s25] =	ssyncset.done $0x0  }
0x196: {  	[sflag:s25] =	ssyncadd.s32 $0xFFFFD800  }
0x197: {  	_ =	swait.ge [sflag:s25], $0x500  }
0x198: {  	s3 =	sld [smem:$0x7F2];
	_ =	sdelay $0x1  }
0x199: {  	[sflag:s25] =	ssyncset.done $0x0;
	s4 =	sld [smem:$0x7F1]  }
0x19a: {  	[sflag:s25] =	ssyncadd.s32 $0xFFFFFB00;
	s29 =	sadd.s32 s31, s3  }
0x19b: {  	[tilespmem:s13], [sflag:$0x2] =	stream.linear.gather [hbm4b:s29+s5], $0x50, $0x38;
	[tilespmem:$0x1DF10] =	vst v63  }
0x19c: {  	s29 =	sadd.s32 s31, s4  }
0x19d: {  	[tilespmem:s11], [sflag:$0x2] =	stream.linear.gather [hbm4b:s29+s5], $0x50, $0x38;
	[tilespmem:$0x1DF10] =	vst v63  }
0x19e: {  	_ =	swait.ge [sflag:s21], $0x50  }
0x19f: {  	[sflag:s21] =	ssyncset.done $0x0  }
0x1a0: {  	[sflag:s21] =	ssyncadd.s32 $0xFFFFFFB0  }
0x1a1: {  	_ =	swait.ge [sflag:s21], $0x50  }
0x1a2: {  	[sflag:s21] =	ssyncset.done $0x0  }
0x1a3: {  	[sflag:s21] =	ssyncadd.s32 $0xFFFFFFB0  }
0x1a4: {  	[tilespmem:s17], [sflag:$0x7] =	stream.indirect.gather [hbm4b:s9+s13], $0x80, s5, s13, $0xb8;
	[tilespmem:$0x1DF10] =	vst v63  }
0x1a5: {  	_ =	swait.ge [sflag:s30], $0x2800  }
0x1a6: {  	[sflag:s30] =	ssyncset.done $0x0  }
0x1a7: {  	[sflag:s30] =	ssyncadd.s32 $0xFFFFD800  }
0x1a8: {  	s5 =	rddreg [dreg:$0x2]  }
0x1a9: {  	[spmem:s5] =	stream.indirect.scatter.add.f32 [tilespmem:s7], [sflag:$0x9], $0x80, s23, s13, $0xb8;
	[tilespmem:$0x1DF10] =	vst v63  }
0x1aa: {  	_ = 	snop  }
0x1ab: {  	[spmem:s26] =	stream.indirect.scatter.add.f32 [tilespmem:s2], [sflag:$0x9], $0x10, s23, s13, $0xb8;
	[tilespmem:$0x1DF10] =	vst v63  }
0x1ac: {  	_ =	swait.ge [sflag:s28], $0x2800  }
0x1ad: {  	[sflag:s28] =	ssyncset.done $0x0  }
0x1ae: {  	[sflag:s28] =	ssyncadd.s32 $0xFFFFD800  }
0x1af: {  	_ =	swait.ge [sflag:s28], $0x500  }
0x1b0: {  	s0 =	sld [smem:$0x7F0]  }
0x1b1: {  	p0 =	seq.s32 s31, $0x9600  }
0x1b2: {  	s7 =	simm.s32 @!p0 $0xA0;
	[sflag:s28] =	ssyncset.done $0x0;
	s11 =	sld [smem:$0x7EF]  }
0x1b3: {  	[sflag:s28] =	ssyncadd.s32 $0xFFFFFB00;
	s29 =	sadd.s32 @!p0 s31, s0;
	s0 =	simm.s32 @!p0 $0x0  }
0x1b4: {  	[tilespmem:s7], [sflag:$0x3] =	stream.linear.gather @!p0 [hbm4b:s29+s0], $0x50, $0x38;
	[tilespmem:$0x1DF10] =	vst v63  }
0x1b5: {  	s17 =	simm.s32 $0x2;
	s29 =	sadd.s32 @!p0 s31, s11;
	s11 =	simm.s32 @!p0 $0x1E0  }
0x1b6: {  	[tilespmem:s11], [sflag:$0x3] =	stream.linear.gather @!p0 [hbm4b:s29+s0], $0x50, $0x38;
	[tilespmem:$0x1DF10] =	vst v63  }
0x1b7: {  	_ =	swait.ge [sflag:s17], $0x50  }
0x1b8: {  	[sflag:s17] =	ssyncset.done $0x0  }
0x1b9: {  	[sflag:s17] =	ssyncadd.s32 $0xFFFFFFB0  }
0x1ba: {  	_ =	swait.ge [sflag:s17], $0x50  }
0x1bb: {  	[sflag:s17] =	ssyncset.done $0x0  }
0x1bc: {  	[sflag:s17] =	ssyncadd.s32 $0xFFFFFFB0  }
0x1bd: {  	[tilespmem:s8], [sflag:$0x5] =	stream.indirect.gather [hbm4b:s9+s13], $0x80, s13, s13, $0xb8;
	[tilespmem:$0x1DF10] =	vst v63  }
0x1be: {  	_ =	swait.ge [sflag:s6], $0x2800  }
0x1bf: {  	[sflag:s6] =	ssyncset.done $0x0  }
0x1c0: {  	[sflag:s6] =	ssyncadd.s32 $0xFFFFD800  }
0x1c1: {  	s5 =	simm.s32 $0x5280;
	s23 =	simm.s32 $0x140;
	s6 =	rddreg [dreg:$0x2]  }
0x1c2: {  	[spmem:s6] =	stream.indirect.scatter.add.f32 [tilespmem:s5], [sflag:$0xA], $0x80, s23, s13, $0xb8;
	[tilespmem:$0x1DF10] =	vst v63  }
0x1c3: {  	_ = 	snop  }
0x1c4: {  	[spmem:s26] =	stream.indirect.scatter.add.f32 [tilespmem:s2], [sflag:$0xA], $0x10, s23, s13, $0xb8;
	[tilespmem:$0x1DF10] =	vst v63  }
0x1c5: {  	_ =	swait.ge [sflag:s15], $0x2800  }
0x1c6: {  	[sflag:s15] =	ssyncset.done $0x0  }
0x1c7: {  	[sflag:s15] =	ssyncadd.s32 $0xFFFFD800  }
0x1c8: {  	_ =	swait.ge [sflag:s15], $0x500  }
0x1c9: {  	[sflag:s15] =	ssyncset.done $0x0;
	s11 =	rddreg [dreg:$0x1f]  }
0x1ca: {  	s29 =	simm.s32 @!p0 $0xF0;
	[sflag:s15] =	ssyncadd.s32 $0xFFFFFB00;
	s11 =	sadd.s32 @!p0 s31, s11  }
0x1cb: {  	[tilespmem:s29], [sflag:$0x4] =	stream.linear.gather @!p0 [hbm4b:s11+s0], $0x50, $0x38;
	[tilespmem:$0x1DF10] =	vst v63  }
0x1cc: {  	s11 =	rddreg [dreg:$0x1e]  }
0x1cd: {  	s29 =	simm.s32 @!p0 $0x230;
	s11 =	sadd.s32 @!p0 s31, s11  }
0x1ce: {  	[tilespmem:s29], [sflag:$0x4] =	stream.linear.gather @!p0 [hbm4b:s11+s0], $0x50, $0x38;
	[tilespmem:$0x1DF10] =	vst v63  }
0x1cf: {  	s0 =	simm.s32 @!p0 $0x3  }
0x1d0: {  	s29 =	rddreg [dreg:$0x2];
	_ =	swait.ge @!p0 [sflag:s0], $0x50  }
0x1d1: {  	[sflag:s0] =	ssyncset.done @!p0 $0x0  }
0x1d2: {  	[sflag:s0] =	ssyncadd.s32 @!p0 $0xFFFFFFB0  }
0x1d3: {  	_ =	swait.ge @!p0 [sflag:s0], $0x50  }
0x1d4: {  	[sflag:s0] =	ssyncset.done @!p0 $0x0  }
0x1d5: {  	s11 =	simm.s32 @!p0 $0x2A80;
	[sflag:s0] =	ssyncadd.s32 @!p0 $0xFFFFFFB0;
	s0 =	simm.s32 @!p0 $0x50  }
0x1d6: {  	[tilespmem:s11], [sflag:$0x6] =	stream.indirect.gather @!p0 [hbm4b:s9+s0], $0x80, s7, s0, $0xb8;
	[tilespmem:$0x1DF10] =	vst v63  }
0x1d7: {  	s11 =	simm.s32 $0x5  }
0x1d8: {  	_ =	swait.ge [sflag:s11], $0x2800  }
0x1d9: {  	[sflag:s11] =	ssyncset.done $0x0  }
0x1da: {  	s3 =	simm.s32 $0x190;
	[sflag:s11] =	ssyncadd.s32 $0xFFFFD800  }
0x1db: {  	[spmem:s29] =	stream.indirect.scatter.add.f32 [tilespmem:s8], [sflag:$0x8], $0x80, s3, s13, $0xb8;
	[tilespmem:$0x1DF10] =	vst v63  }
0x1dc: {  	_ = 	snop  }
0x1dd: {  	[spmem:s26] =	stream.indirect.scatter.add.f32 [tilespmem:s2], [sflag:$0x8], $0x10, s3, s13, $0xb8;
	[tilespmem:$0x1DF10] =	vst v63  }
0x1de: {  	_ =	swait.ge [sflag:s25], $0x2800  }
.Ltmp11:
0x1df: {  	[sflag:s25] =	ssyncset.done $0x0;
	(pc) =	sbr.rel @p0 .LBB2_22-.Ltmp11, $4  }
0x1e0: {  	[sflag:s25] =	ssyncadd.s32 $0xFFFFD800  }
0x1e1: {  	s1 =	simm.s32 $0xF0;
	s4 =	simm.s32 $0x0;
	_ =	swait.ge [sflag:s25], $0x500  }
0x1e2: {  	s21 =	simm.s32 $0x1E0;
	s30 =	simm.s32 $0x1;
	[sflag:s25] =	ssyncset.done $0x0  }
0x1e3: {  	s8 =	simm.s32 $0x280;
	s2 =	simm.s32 $0x7A80;
	[sflag:s25] =	ssyncadd.s32 $0xFFFFFB00  }
0x1e4: {  	s6 =	sld [smem:$0x7EC];
	_ =	sdelay $0x2  }
0x1e5: {  	s7 =	rddreg [dreg:$0x5];
	s0 =	sshrl.u32 s6, $0x3  }
0x1e6: {  	s11 =	rddreg [dreg:$0x6];
	s7 =	sadd.s32 s7, s0  }
0x1e7: {  	[tilespmem:s4], [sflag:$0x1] =	stream.linear.gather [hbm4b:s7+s4], $0x50, $0x38;
	[tilespmem:$0x1DF10] =	vst v63  }
0x1e8: {  	s0 =	sadd.s32 s11, s0  }
0x1e9: {  	[tilespmem:s23], [sflag:$0x1] =	stream.linear.gather [hbm4b:s0+s4], $0x50, $0x38;
	[tilespmem:$0x1DF10] =	vst v63  }
0x1ea: {  	_ =	swait.ge [sflag:s19], $0x50  }
0x1eb: {  	[sflag:s19] =	ssyncset.done $0x0  }
0x1ec: {  	[sflag:s19] =	ssyncadd.s32 $0xFFFFFFB0  }
0x1ed: {  	_ =	swait.ge [sflag:s19], $0x50  }
0x1ee: {  	[sflag:s19] =	ssyncset.done $0x0  }
0x1ef: {  	s23 =	simm.s32 $0x6;
	[sflag:s19] =	ssyncadd.s32 $0xFFFFFFB0  }
0x1f0: {  	[tilespmem:s5], [sflag:$0x7] =	stream.indirect.gather [hbm4b:s9+s13], $0x80, s1, s13, $0xb8;
	[tilespmem:$0x1DF10] =	vst v63  }
0x1f1: {  	_ =	swait.ge [sflag:s23], $0x2800  }
0x1f2: {  	[sflag:s23] =	ssyncset.done $0x0  }
0x1f3: {  	s1 =	simm.s32 $0x2A80;
	[sflag:s23] =	ssyncadd.s32 $0xFFFFD800  }
0x1f4: {  	[spmem:s29] =	stream.indirect.scatter.add.f32 [tilespmem:s1], [sflag:$0x9], $0x80, s21, s13, $0xb8;
	[tilespmem:$0x1DF10] =	vst v63  }
0x1f5: {  	_ = 	snop  }
0x1f6: {  	[spmem:s26] =	stream.indirect.scatter.add.f32 [tilespmem:s2], [sflag:$0x9], $0x10, s21, s13, $0xb8;
	[tilespmem:$0x1DF10] =	vst v63  }
0x1f7: {  	_ =	swait.ge [sflag:s28], $0x2800  }
0x1f8: {  	[sflag:s28] =	ssyncset.done $0x0  }
0x1f9: {  	[sflag:s28] =	ssyncadd.s32 $0xFFFFD800  }
0x1fa: {  	_ =	swait.ge [sflag:s28], $0x500  }
0x1fb: {  	[sflag:s28] =	ssyncset.done $0x0;
	s25 =	rddreg [dreg:$0x1d]  }
0x1fc: {  	s7 =	rddreg [dreg:$0x1c];
	[sflag:s28] =	ssyncadd.s32 $0xFFFFFB00;
	s0 =	sadd.s32 s31, s25  }
0x1fd: {  	[tilespmem:s13], [sflag:$0x2] =	stream.linear.gather [hbm4b:s0+s4], $0x50, $0x38;
	[tilespmem:$0x1DF10] =	vst v63  }
0x1fe: {  	s0 =	sadd.s32 s31, s7  }
0x1ff: {  	[tilespmem:s3], [sflag:$0x2] =	stream.linear.gather [hbm4b:s0+s4], $0x50, $0x38;
	[tilespmem:$0x1DF10] =	vst v63  }
0x200: {  	_ =	swait.ge [sflag:s30], $0x50  }
0x201: {  	[sflag:s30] =	ssyncset.done $0x0  }
0x202: {  	[sflag:s30] =	ssyncadd.s32 $0xFFFFFFB0  }
0x203: {  	_ =	swait.ge [sflag:s30], $0x50  }
0x204: {  	[sflag:s30] =	ssyncset.done $0x0  }
0x205: {  	[sflag:s30] =	ssyncadd.s32 $0xFFFFFFB0  }
0x206: {  	[tilespmem:s8], [sflag:$0x5] =	stream.indirect.gather [hbm4b:s9+s13], $0x80, s4, s13, $0xb8;
	[tilespmem:$0x1DF10] =	vst v63  }
0x207: {  	s8 =	simm.s32 $0x7  }
0x208: {  	_ =	swait.ge [sflag:s8], $0x2800  }
0x209: {  	[sflag:s8] =	ssyncset.done $0x0  }
0x20a: {  	s11 =	simm.s32 $0x230;
	[sflag:s8] =	ssyncadd.s32 $0xFFFFD800  }
0x20b: {  	[spmem:s29] =	stream.indirect.scatter.add.f32 [tilespmem:s5], [sflag:$0xA], $0x80, s11, s13, $0xb8;
	[tilespmem:$0x1DF10] =	vst v63  }
0x20c: {  	_ = 	snop  }
0x20d: {  	[spmem:s26] =	stream.indirect.scatter.add.f32 [tilespmem:s2], [sflag:$0xA], $0x10, s11, s13, $0xb8;
	[tilespmem:$0x1DF10] =	vst v63  }
0x20e: {  	_ =	swait.ge [sflag:s15], $0x2800  }
0x20f: {  	[sflag:s15] =	ssyncset.done $0x0  }
0x210: {  	[sflag:s15] =	ssyncadd.s32 $0xFFFFD800  }
0x211: {  	_ =	swait.ge [sflag:s15], $0x500  }
0x212: {  	s25 =	simm.s32 $0xA0;
	[sflag:s15] =	ssyncset.done $0x0;
	s23 =	rddreg [dreg:$0x1b]  }
0x213: {  	s30 =	rddreg [dreg:$0x1a];
	[sflag:s15] =	ssyncadd.s32 $0xFFFFFB00;
	s0 =	sadd.s32 s31, s23  }
0x214: {  	[tilespmem:s25], [sflag:$0x3] =	stream.linear.gather [hbm4b:s0+s4], $0x50, $0x38;
	[tilespmem:$0x1DF10] =	vst v63  }
0x215: {  	s0 =	sadd.s32 s31, s30  }
0x216: {  	[tilespmem:s21], [sflag:$0x3] =	stream.linear.gather [hbm4b:s0+s4], $0x50, $0x38;
	[tilespmem:$0x1DF10] =	vst v63  }
0x217: {  	s6 =	sadd.s32 $0x3C00, s6;
	_ =	swait.ge [sflag:s17], $0x50  }
0x218: {  	s7 =	simm.s32 $0x2A80;
	s8 =	simm.s32 $0x280;
	[sflag:s17] =	ssyncset.done $0x0  }
.Ltmp12:
0x219: {  	s5 =	simm.s32 $0x0;
	[sflag:s17] =	ssyncadd.s32 $0xFFFFFFB0;
	(pc) =	sbr.rel .LBB2_20-.Ltmp12, $4  }
0x21a: {  	s2 =	simm.s32 $0x7A80;
	s31 =	sadd.s32 $0x780, s31;
	_ =	swait.ge [sflag:s17], $0x50  }
0x21b: {  	s25 =	simm.s32 $0x9;
	s4 =	simm.s32 $0x1E0;
	[sflag:s17] =	ssyncset.done $0x0  }
0x21c: {  	s21 =	simm.s32 $0x1;
	[smem:$0x7EC] =	sst s6;
	[sflag:s17] =	ssyncadd.s32 $0xFFFFFFB0  }
0x21d: {  	[tilespmem:s1], [sflag:$0x6] =	stream.indirect.gather [hbm4b:s9+s13], $0x80, s13, s13, $0xb8;
	[tilespmem:$0x1DF10] =	vst v63  }
.LBB2_23:
0x21e: {  	_ =	sfence.sel $0x180000  }
0x21f: {  	[bflag:$0x0] =	sbarrier.arrive $0xFFFF  }
0x220: {  	_ =	strace $0x90000047  }
0x221: {  	s0 =	stileid.u32;
	[bflag:$0x2] =	sbarrier.arrive $0xFFFF  }
0x222: {  	p0 =	sne.s32 s0, $0x0;
	s0 =	rddreg [dreg:$0x4]  }
0x223: {  	s0 =	sadd.s32 @!p0 $0x100000, s0  }
0x224: {  	[sflag:s0] =	ssyncadd.tile.s32 @!p0 $0x1;
	_ =	shalt  }
.Lfunc_end2:
_tile_overlayer_lowered:
.L_overlay_start_2:
0x225: {  	(tag) =	ssettag $0x2  }
0x226: {  	s0 =	rddreg [dreg:$0x0];
	s2 =	stileid.u32  }
0x227: {  	s1 =	rddreg [dreg:$0x1];
	p0 =	sne.s32 s2, $0x0  }
0x228: {  	s3 =	rddreg [dreg:$0x2];
	[bflag:$0x3] =	sbarrier.arrive $0xFFFF;
	s2 =	simm.s32 @!p0 $0x1C0B  }
0x229: {  	[timem:s3], [sflag:s2] =	dma.local @!p0 [hbm:s0], s1  }
0x22a: {  	s0 =	simm.s32 @!p0 $0xB  }
0x22b: {  	_ =	swait.ge @!p0 [sflag:s0], s1  }
0x22c: {  	s1 =	ssub.s32 @!p0 $0x0, s1;
	[sflag:s0] =	ssyncset.done @!p0 $0x0  }
0x22d: {  	[sflag:s0] =	ssyncadd.s32 @!p0 s1  }
0x22e: {  	[bflag:$0x3] =	sbarrier.arrive $0xFFFF  }
0x22f: {  	_ =	shalt  }

</sc_bundles>
